<compile_context>
chip_gen: v7x
topology: tpu7x:2x2x1
jax: 0.10.2.dev20260603
libtpu: 0.0.44.dev20260713+nightly
codegen_flags: <defaults>
</compile_context>

<pallas_src>
import functools

import jax
import jax.numpy as jnp
from jax import lax
from jax.experimental import pallas as pl
from jax.experimental.pallas import tpu as pltpu
from jax.experimental.pallas import tpu_sc as plsc

N = 10000
D = 128
H = 128
E = 320000
P = 65536

NC = 2
NS = 16
NT = NC * NS
NPAD = 10240
ROWS_T = NPAD // NS
EB = 128
EPT = 10240
NB_E = EPT // EB
EPAD = NT * EPT
PB = (2 * P) // NT
NB_P = PB // EB

_mesh = plsc.VectorSubcoreMesh(core_axis_name="c", subcore_axis_name="s")



@functools.partial(
    pl.kernel,
    out_type=jax.ShapeDtypeStruct((NC, NPAD), jnp.float32),
    mesh=_mesh,
    scratch_types=[
        pltpu.VMEM((NB_E, EB), jnp.int32),
        pltpu.VMEM((EB,), jnp.float32),
        pltpu.VMEM_SHARED((NPAD,), jnp.float32),
    ],
)
def _deg_kernel(dstb_hbm, ones_hbm, zero_hbm, out_hbm, idx_v, ones_v, acc):
    c = lax.axis_index("c")
    s = lax.axis_index("s")
    tid = c * NS + s
    pltpu.sync_copy(zero_hbm, acc.at[pl.ds(s * ROWS_T, ROWS_T)])
    pltpu.sync_copy(ones_hbm, ones_v)
    pltpu.sync_copy(dstb_hbm.at[tid], idx_v)
    plsc.subcore_barrier()

    def body(j, carry):
        pltpu.sync_copy(ones_v, acc.at[idx_v.at[j]], add=True)
        return carry

    lax.fori_loop(0, NB_E, body, 0)
    plsc.subcore_barrier()
    pltpu.sync_copy(acc.at[pl.ds(s * ROWS_T, ROWS_T)],
                    out_hbm.at[c, pl.ds(s * ROWS_T, ROWS_T)])


@functools.partial(
    pl.kernel,
    out_type=jax.ShapeDtypeStruct((NC, NPAD, H), jnp.float32),
    mesh=_mesh,
    scratch_types=[
        pltpu.VMEM((NB_E // 2, EB), jnp.int32),
        pltpu.VMEM((NB_E // 2, EB), jnp.int32),
        pltpu.VMEM((EB, H), jnp.float32),
        pltpu.VMEM((EB, H), jnp.float32),
        pltpu.VMEM_SHARED((NPAD, H), jnp.float32),
        pltpu.SemaphoreType.DMA,
        pltpu.SemaphoreType.DMA,
        pltpu.SemaphoreType.DMA,
    ],
)
def _agg_kernel(h_hbm, srcb_hbm, dstb_hbm, zero_hbm, out_hbm,
                src_v, dst_v, rows0, rows1, acc, sem0, sem1, semz):
    c = lax.axis_index("c")
    s = lax.axis_index("s")
    tid = c * NS + s
    nph = NB_E // 2
    zcp = pltpu.async_copy(zero_hbm, acc.at[pl.ds(s * ROWS_T, ROWS_T)], semz)
    first = True

    for p in range(2):
        pltpu.sync_copy(srcb_hbm.at[tid, pl.ds(p * nph, nph)], src_v)
        pltpu.sync_copy(dstb_hbm.at[tid, pl.ds(p * nph, nph)], dst_v)
        pltpu.async_copy(h_hbm.at[src_v.at[0]], rows0, sem0)
        pltpu.async_copy(h_hbm.at[src_v.at[1]], rows1, sem1)
        if first:
            zcp.wait()
            plsc.subcore_barrier()
            first = False

        def body(jj, carry):
            j0 = jj * 2
            pltpu.make_async_copy(h_hbm.at[src_v.at[j0]], rows0, sem0).wait()
            pltpu.sync_copy(rows0, acc.at[dst_v.at[j0]], add=True)
            pltpu.async_copy(h_hbm.at[src_v.at[j0 + 2]], rows0, sem0)
            pltpu.make_async_copy(h_hbm.at[src_v.at[j0]], rows1, sem1).wait()
            pltpu.sync_copy(rows1, acc.at[dst_v.at[j0 + 1]], add=True)
            pltpu.async_copy(h_hbm.at[src_v.at[j0 + 3]], rows1, sem1)
            return carry

        lax.fori_loop(0, nph // 2 - 1, body, 0)
        pltpu.make_async_copy(h_hbm.at[src_v.at[0]], rows0, sem0).wait()
        pltpu.sync_copy(rows0, acc.at[dst_v.at[nph - 2]], add=True)
        pltpu.make_async_copy(h_hbm.at[src_v.at[0]], rows1, sem1).wait()
        pltpu.sync_copy(rows1, acc.at[dst_v.at[nph - 1]], add=True)
    plsc.subcore_barrier()
    pltpu.sync_copy(acc.at[pl.ds(s * ROWS_T, ROWS_T)],
                    out_hbm.at[c, pl.ds(s * ROWS_T, ROWS_T)])


@functools.partial(
    pl.kernel,
    out_type=jax.ShapeDtypeStruct((2 * P, H), jnp.float32),
    mesh=_mesh,
    scratch_types=[
        pltpu.VMEM((NB_P, EB), jnp.int32),
        pltpu.VMEM((EB, H), jnp.float32),
        pltpu.VMEM((EB, H), jnp.float32),
        pltpu.SemaphoreType.DMA,
        pltpu.SemaphoreType.DMA,
    ],
)
def _pair_gather_kernel(z_hbm, pairs_hbm, out_hbm, idx_v, rows0, rows1,
                        sem0, sem1):
    c = lax.axis_index("c")
    s = lax.axis_index("s")
    tid = c * NS + s
    pltpu.sync_copy(pairs_hbm.at[tid], idx_v)
    base = tid * PB

    pltpu.async_copy(z_hbm.at[idx_v.at[0]], rows0, sem0)
    pltpu.async_copy(z_hbm.at[idx_v.at[1]], rows1, sem1)

    def body(jj, carry):
        j0 = jj * 2
        pltpu.make_async_copy(z_hbm.at[idx_v.at[j0]], rows0, sem0).wait()
        pltpu.sync_copy(rows0, out_hbm.at[pl.ds(base + j0 * EB, EB)])
        pltpu.async_copy(z_hbm.at[idx_v.at[j0 + 2]], rows0, sem0)
        pltpu.make_async_copy(z_hbm.at[idx_v.at[j0]], rows1, sem1).wait()
        pltpu.sync_copy(rows1, out_hbm.at[pl.ds(base + (j0 + 1) * EB, EB)])
        pltpu.async_copy(z_hbm.at[idx_v.at[j0 + 3]], rows1, sem1)
        return carry

    lax.fori_loop(0, NB_P // 2 - 1, body, 0)
    pltpu.make_async_copy(z_hbm.at[idx_v.at[0]], rows0, sem0).wait()
    pltpu.sync_copy(rows0, out_hbm.at[pl.ds(base + (NB_P - 2) * EB, EB)])
    pltpu.make_async_copy(z_hbm.at[idx_v.at[0]], rows1, sem1).wait()
    pltpu.sync_copy(rows1, out_hbm.at[pl.ds(base + (NB_P - 1) * EB, EB)])



def _mm_body(x_ref, w_ref, o_ref):
    o_ref[...] = jnp.dot(x_ref[...], w_ref[...],
                         preferred_element_type=jnp.float32)


_mm_tc = pl.pallas_call(
    _mm_body, out_shape=jax.ShapeDtypeStruct((N, H), jnp.float32))


def _scale_body(h_ref, degp_ref, hp_ref, dinv_ref):
    dinv = lax.rsqrt(degp_ref[0, :N, :] + degp_ref[1, :N, :] + 1.0)
    hp_ref[...] = h_ref[...] * dinv
    dinv_ref[...] = dinv


_scale_tc = pl.pallas_call(
    _scale_body,
    out_shape=(jax.ShapeDtypeStruct((N, H), jnp.float32),
               jax.ShapeDtypeStruct((N, 1), jnp.float32)))


def _fin_mm_body(a_ref, hp_ref, dinv_ref, b_ref, w_ref, o_ref):
    z = dinv_ref[...] * (a_ref[0, :N, :] + a_ref[1, :N, :] + hp_ref[...])
    z = jnp.maximum(z + b_ref[...], 0.0)
    o_ref[...] = jnp.dot(z, w_ref[...],
                         preferred_element_type=jnp.float32) * dinv_ref[...]


_fin_mm_tc = pl.pallas_call(
    _fin_mm_body, out_shape=jax.ShapeDtypeStruct((N, H), jnp.float32))


def _uv_body(a_ref, hp_ref, dinv_ref, b_ref, w_ref, o_ref):
    z2 = (dinv_ref[...] * (a_ref[0, :N, :] + a_ref[1, :N, :] + hp_ref[...])
          + b_ref[...])
    o_ref[0, ...] = jnp.dot(z2, w_ref[0], preferred_element_type=jnp.float32)


_uv_tc = pl.pallas_call(
    _uv_body,
    grid=(2,),
    in_specs=[
        pl.BlockSpec((NC, NPAD, H), lambda i: (0, 0, 0)),
        pl.BlockSpec((N, H), lambda i: (0, 0)),
        pl.BlockSpec((N, 1), lambda i: (0, 0)),
        pl.BlockSpec((1, H), lambda i: (0, 0)),
        pl.BlockSpec((1, H, H), lambda i: (i, 0, 0)),
    ],
    out_specs=pl.BlockSpec((1, N, H), lambda i: (i, 0, 0)),
    out_shape=jax.ShapeDtypeStruct((2, N, H), jnp.float32),
)


LB = 8192


def _link_body(us_ref, vd_ref, b1_ref, w2_ref, b2_ref, o_ref):
    hr = jnp.maximum(us_ref[...] + vd_ref[...] + b1_ref[...], 0.0)
    logit = jnp.sum(hr * w2_ref[...], axis=1) + b2_ref[0, 0]
    o_ref[...] = 1.0 / (1.0 + jnp.exp(-logit))


_link_tc = pl.pallas_call(
    _link_body,
    grid=(P // LB,),
    in_specs=[
        pl.BlockSpec((LB, H), lambda i: (i, 0)),
        pl.BlockSpec((LB, H), lambda i: (i + P // LB, 0)),
        pl.BlockSpec((1, H), lambda i: (0, 0)),
        pl.BlockSpec((1, H), lambda i: (0, 0)),
        pl.BlockSpec((1, 1), lambda i: (0, 0)),
    ],
    out_specs=pl.BlockSpec((LB,), lambda i: (i,)),
    out_shape=jax.ShapeDtypeStruct((P,), jnp.float32),
)



def kernel(x, edge_index_train, edge_pairs, W1, b1, W2, b2,
           lpW1, lpb1, lpW2, lpb2):
    src = edge_index_train[0].astype(jnp.int32)
    dst = edge_index_train[1].astype(jnp.int32)
    pad = EPAD - E
    pad_src = jnp.arange(pad, dtype=jnp.int32) % N
    pad_dst = N + (jnp.arange(pad, dtype=jnp.int32) % (NPAD - N))
    srcb = jnp.concatenate([src, pad_src]).reshape(NT, NB_E, EB)
    dstb = jnp.concatenate([dst, pad_dst]).reshape(NT, NB_E, EB)
    ep = edge_pairs.astype(jnp.int32)
    pairsb = jnp.concatenate([ep[0], ep[1] + N]).reshape(NT, NB_P, EB)

    ones_eb = jnp.ones((EB,), jnp.float32)
    zero_1d = jnp.zeros((ROWS_T,), jnp.float32)
    zero_2d = jnp.zeros((ROWS_T, H), jnp.float32)

    h1 = _mm_tc(x, W1)
    degp = _deg_kernel(dstb, ones_eb, zero_1d)
    degp = degp.reshape(NC, NPAD, 1)
    h1p, dinv = _scale_tc(h1, degp)

    agg1 = _agg_kernel(h1p, srcb, dstb, zero_2d)
    h2p = _fin_mm_tc(agg1, h1p, dinv, b1.reshape(1, H), W2)
    agg2 = _agg_kernel(h2p, srcb, dstb, zero_2d)

    wab = jnp.stack([lpW1[:H], lpW1[H:]])
    uv = _uv_tc(agg2, h2p, dinv, b2.reshape(1, H), wab)

    rows = _pair_gather_kernel(uv.reshape(2 * N, H), pairsb)
    return _link_tc(rows, rows, lpb1.reshape(1, H), lpW2.reshape(1, H),
                    lpb2.reshape(1, 1))

# --- scband reference (transcript-rebuilt; emitter-appended) ---
"""Pipeline reference for scband-link-model-66571993088847 (READ-ONLY COPY).

The authoritative reference and input builder live on the scoring server;
editing this copy changes nothing except your own understanding.
"""

import jax, jax.numpy as jnp
import numpy as np

N = 10000
E = 320000
D = 128
H = 128
P = 65536


def setup_inputs(seed: int = 0) -> dict:
    key = jax.random.key(seed)
    ks = jax.random.split(key, 12)
    x = jax.random.normal(ks[0], (N, D), dtype=jnp.float32)
    edge_index_train = jax.random.randint(ks[1], (2, E), 0, N)
    edge_pairs = jax.random.randint(ks[2], (2, P), 0, N)
    # GCN layer 1: in D -> H; layer 2: H -> H
    W1 = jax.random.normal(ks[3], (D, H), dtype=jnp.float32) / np.sqrt(D)
    b1 = jnp.zeros((H,), dtype=jnp.float32)
    W2 = jax.random.normal(ks[4], (H, H), dtype=jnp.float32) / np.sqrt(H)
    b2 = jnp.zeros((H,), dtype=jnp.float32)
    # Link predictor: lin1 (2H -> H), lin2 (H -> 1)
    lpW1 = jax.random.normal(ks[5], (2 * H, H), dtype=jnp.float32) / np.sqrt(2 * H)
    lpb1 = jnp.zeros((H,), dtype=jnp.float32)
    lpW2 = jax.random.normal(ks[6], (H, 1), dtype=jnp.float32) / np.sqrt(H)
    lpb2 = jnp.zeros((1,), dtype=jnp.float32)
    return {"x": x, "edge_index_train": edge_index_train, "edge_pairs": edge_pairs,
            "W1": W1, "b1": b1, "W2": W2, "b2": b2,
            "lpW1": lpW1, "lpb1": lpb1, "lpW2": lpW2, "lpb2": lpb2}


def _gcn_conv(x, edge_index, W, b):
    # PyG GCNConv: add self-loops, symmetric normalization D^-1/2 (A+I) D^-1/2 X W + b
    n = x.shape[0]
    loops = jnp.arange(n, dtype=edge_index.dtype)
    src = jnp.concatenate([edge_index[0], loops])
    dst = jnp.concatenate([edge_index[1], loops])
    deg = jnp.zeros((n,), dtype=jnp.float32).at[dst].add(1.0)
    dinv = jnp.where(deg > 0, deg ** -0.5, 0.0)
    norm = dinv[src] * dinv[dst]
    h = x @ W
    msg = h[src] * norm[:, None]
    out = jnp.zeros((n, W.shape[1]), dtype=jnp.float32).at[dst].add(msg)
    return out + b


def reference(x, edge_index_train, edge_pairs, W1, b1, W2, b2, lpW1, lpb1, lpW2, lpb2):
    # GCNEncoder (2 layers; dropout inactive in eval)
    z = jax.nn.relu(_gcn_conv(x, edge_index_train, W1, b1))
    z = _gcn_conv(z, edge_index_train, W2, b2)
    # LinkPredictor
    s = edge_pairs[0]
    d = edge_pairs[1]
    h = jnp.concatenate([z[s], z[d]], axis=-1)
    h = jax.nn.relu(h @ lpW1 + lpb1)
    logits = (h @ lpW2 + lpb2).squeeze(-1)
    return jax.nn.sigmoid(logits)

if __name__ == "__main__":
    import jax
    _d = setup_inputs()
    print(jax.jit(kernel)(*tuple(_d.values())))

</pallas_src>

<mosaic_0001>
#map = affine_map<(d0, d1) -> (0, 0, 0)>
#map1 = affine_map<(d0, d1) -> (0)>
#map2 = affine_map<(d0, d1) -> (0, 0)>
module attributes {stable_mosaic.version = 14 : i64} {
  func.func @_deg_kernel(%arg0: i32, %arg1: i32, %arg2: memref<32x80x128xi32, #tpu.memory_space<hbm>>, %arg3: memref<128xf32, #tpu.memory_space<hbm>>, %arg4: memref<640xf32, #tpu.memory_space<hbm>>, %arg5: memref<2x10240xf32, #tpu.memory_space<hbm>>, %arg6: memref<80x128xi32, #tpu.memory_space<vmem>>, %arg7: memref<128xf32, #tpu.memory_space<vmem>>, %arg8: memref<10240xf32, #tpu.memory_space<vmem_shared>>) attributes {dimension_semantics = [#tpu.dimension_semantics<core_parallel>, #tpu.dimension_semantics<subcore_parallel>], iteration_bounds = array<i64: 2, 16>, scalar_prefetch = 0 : i64, scratch_operands = 3 : i64, tpu.core_type = #tpu.core_type<sc_vector_subcore>, window_params = [{transform_indices = #map}, {transform_indices = #map1}, {transform_indices = #map1}, {transform_indices = #map2}]} {
    %mul3A = arith.constant 16 : i32
    %mul3A_0 = arith.muli %arg0, %mul3A : i32
    %add3A = arith.addi %mul3A_0, %arg1 : i32
    %mul3A_1 = arith.constant 640 : i32
    %mul3A_2 = arith.muli %arg1, %mul3A_1 : i32
    "tpu.region"() ({
      %run_scoped3A = tpu.sem_alloc : memref<!tpu.dma_semaphore, #tpu.memory_space<semaphore_mem>>
      %dma_start3A = tpu.memref_slice %arg8[%mul3A_2] : memref<10240xf32, #tpu.memory_space<vmem_shared>> -> memref<640xf32, #tpu.memory_space<vmem_shared>>
      tpu.enqueue_dma source(%arg4 : memref<640xf32, #tpu.memory_space<hbm>>) target(%dma_start3A : memref<640xf32, #tpu.memory_space<vmem_shared>>) target_semaphore(%run_scoped3A : memref<!tpu.dma_semaphore, #tpu.memory_space<semaphore_mem>>)
      %dma_wait3A = tpu.memref_slice %arg8[%mul3A_2] : memref<10240xf32, #tpu.memory_space<vmem_shared>> -> memref<640xf32, #tpu.memory_space<vmem_shared>>
      tpu.wait_dma2 semaphore(%run_scoped3A : memref<!tpu.dma_semaphore, #tpu.memory_space<semaphore_mem>>) src(%arg4 : memref<640xf32, #tpu.memory_space<hbm>>) dst(%dma_wait3A : memref<640xf32, #tpu.memory_space<vmem_shared>>)
      tpu.yield
    }) : () -> ()
    "tpu.region"() ({
      %run_scoped3A = tpu.sem_alloc : memref<!tpu.dma_semaphore, #tpu.memory_space<semaphore_mem>>
      tpu.enqueue_dma source(%arg3 : memref<128xf32, #tpu.memory_space<hbm>>) target(%arg7 : memref<128xf32, #tpu.memory_space<vmem>>) target_semaphore(%run_scoped3A : memref<!tpu.dma_semaphore, #tpu.memory_space<semaphore_mem>>)
      tpu.wait_dma2 semaphore(%run_scoped3A : memref<!tpu.dma_semaphore, #tpu.memory_space<semaphore_mem>>) src(%arg3 : memref<128xf32, #tpu.memory_space<hbm>>) dst(%arg7 : memref<128xf32, #tpu.memory_space<vmem>>)
      tpu.yield
    }) : () -> ()
    "tpu.region"() ({
      %run_scoped3A = tpu.sem_alloc : memref<!tpu.dma_semaphore, #tpu.memory_space<semaphore_mem>>
      %dma_start3A = arith.constant 0 : i32
      %dma_start3A_13 = arith.constant 0 : i32
      %dma_start3A_14 = tpu.memref_slice %arg2[%add3A, %dma_start3A, %dma_start3A_13] : memref<32x80x128xi32, #tpu.memory_space<hbm>> -> memref<1x80x128xi32, #tpu.memory_space<hbm>>
      %dma_start3A_15 = tpu.memref_squeeze %dma_start3A_14 : memref<1x80x128xi32, #tpu.memory_space<hbm>> -> memref<80x128xi32, #tpu.memory_space<hbm>>
      %dma_start3A_16 = arith.constant 0 : i32
      %dma_start3A_17 = arith.constant 0 : i32
      %dma_start3A_18 = tpu.memref_slice %arg2[%add3A, %dma_start3A_16, %dma_start3A_17] : memref<32x80x128xi32, #tpu.memory_space<hbm>> -> memref<1x80x128xi32, #tpu.memory_space<hbm>>
      %dma_start3A_19 = tpu.memref_squeeze %dma_start3A_18 : memref<1x80x128xi32, #tpu.memory_space<hbm>> -> memref<80x128xi32, #tpu.memory_space<hbm>>
      tpu.enqueue_dma source(%dma_start3A_19 : memref<80x128xi32, #tpu.memory_space<hbm>>) target(%arg6 : memref<80x128xi32, #tpu.memory_space<vmem>>) target_semaphore(%run_scoped3A : memref<!tpu.dma_semaphore, #tpu.memory_space<semaphore_mem>>)
      %dma_wait3A = arith.constant 0 : i32
      %dma_wait3A_20 = arith.constant 0 : i32
      %dma_wait3A_21 = tpu.memref_slice %arg2[%add3A, %dma_wait3A, %dma_wait3A_20] : memref<32x80x128xi32, #tpu.memory_space<hbm>> -> memref<1x80x128xi32, #tpu.memory_space<hbm>>
      %dma_wait3A_22 = tpu.memref_squeeze %dma_wait3A_21 : memref<1x80x128xi32, #tpu.memory_space<hbm>> -> memref<80x128xi32, #tpu.memory_space<hbm>>
      %dma_wait3A_23 = arith.constant 0 : i32
      %dma_wait3A_24 = arith.constant 0 : i32
      %dma_wait3A_25 = tpu.memref_slice %arg2[%add3A, %dma_wait3A_23, %dma_wait3A_24] : memref<32x80x128xi32, #tpu.memory_space<hbm>> -> memref<1x80x128xi32, #tpu.memory_space<hbm>>
      %dma_wait3A_26 = tpu.memref_squeeze %dma_wait3A_25 : memref<1x80x128xi32, #tpu.memory_space<hbm>> -> memref<80x128xi32, #tpu.memory_space<hbm>>
      tpu.wait_dma2 semaphore(%run_scoped3A : memref<!tpu.dma_semaphore, #tpu.memory_space<semaphore_mem>>) src(%dma_wait3A_26 : memref<80x128xi32, #tpu.memory_space<hbm>>) dst(%arg6 : memref<80x128xi32, #tpu.memory_space<vmem>>)
      tpu.yield
    }) : () -> ()
    %barrier3A = arith.constant 0 : index
    tpu.barrier barrier_id(%barrier3A)
    %scan3A = arith.constant 0 : i32
    %scan3A_3 = arith.constant 0 : i32
    %scan3A_4 = arith.constant 80 : i32
    %scan3A_5 = arith.addi %scan3A_3, %scan3A_4 : i32
    %scan3A_6 = arith.constant 1 : i32
    scf.for %scan3A_13 = %scan3A_3 to %scan3A_5 step %scan3A_6  : i32 {
      "tpu.region"() ({
        %run_scoped3A = tpu.sem_alloc : memref<!tpu.dma_semaphore, #tpu.memory_space<semaphore_mem>>
        %dma_start3A = arith.constant 0 : i32
        %dma_start3A_14 = tpu.memref_slice %arg6[%scan3A_13, %dma_start3A] : memref<80x128xi32, #tpu.memory_space<vmem>> -> memref<1x128xi32, #tpu.memory_space<vmem>>
        %dma_start3A_15 = tpu.memref_squeeze %dma_start3A_14 : memref<1x128xi32, #tpu.memory_space<vmem>> -> memref<128xi32, #tpu.memory_space<vmem>>
        %dma_start3A_16 = arith.constant 0 : i32
        %dma_start3A_17 = tpu.memref_slice %arg8[%dma_start3A_16] : memref<10240xf32, #tpu.memory_space<vmem_shared>> -> memref<10240xf32, #tpu.memory_space<vmem_shared>>
        tpu.enqueue_indirect_dma source(%arg7 : memref<128xf32, #tpu.memory_space<vmem>>) target(%dma_start3A_17 : memref<10240xf32, #tpu.memory_space<vmem_shared>>) offsets(%dma_start3A_15 : memref<128xi32, #tpu.memory_space<vmem>>) semaphore(%run_scoped3A : memref<!tpu.dma_semaphore, #tpu.memory_space<semaphore_mem>>) {add = true}
        %dma_wait3A = arith.constant 0 : i32
        %dma_wait3A_18 = tpu.memref_slice %arg6[%scan3A_13, %dma_wait3A] : memref<80x128xi32, #tpu.memory_space<vmem>> -> memref<1x128xi32, #tpu.memory_space<vmem>>
        %dma_wait3A_19 = tpu.memref_squeeze %dma_wait3A_18 : memref<1x128xi32, #tpu.memory_space<vmem>> -> memref<128xi32, #tpu.memory_space<vmem>>
        %dma_wait3A_20 = arith.constant 0 : i32
        %dma_wait3A_21 = tpu.memref_slice %arg8[%dma_wait3A_20] : memref<10240xf32, #tpu.memory_space<vmem_shared>> -> memref<10240xf32, #tpu.memory_space<vmem_shared>>
        tpu.wait_indirect_dma semaphore(%run_scoped3A : memref<!tpu.dma_semaphore, #tpu.memory_space<semaphore_mem>>) src(%arg7 : memref<128xf32, #tpu.memory_space<vmem>>) dst(%dma_wait3A_21 : memref<10240xf32, #tpu.memory_space<vmem_shared>>)
        tpu.yield
      }) : () -> ()
    }
    %scan3A_7 = arith.constant 80 : i32
    %barrier3A_8 = arith.constant 0 : index
    tpu.barrier barrier_id(%barrier3A_8)
    %mul3A_9 = arith.constant 640 : i32
    %mul3A_10 = arith.muli %arg1, %mul3A_9 : i32
    %mul3A_11 = arith.constant 640 : i32
    %mul3A_12 = arith.muli %arg1, %mul3A_11 : i32
    "tpu.region"() ({
      %run_scoped3A = tpu.sem_alloc : memref<!tpu.dma_semaphore, #tpu.memory_space<semaphore_mem>>
      %dma_start3A = tpu.memref_slice %arg5[%arg0, %mul3A_12] : memref<2x10240xf32, #tpu.memory_space<hbm>> -> memref<1x640xf32, #tpu.memory_space<hbm>>
      %dma_start3A_13 = tpu.memref_squeeze %dma_start3A : memref<1x640xf32, #tpu.memory_space<hbm>> -> memref<640xf32, #tpu.memory_space<hbm>>
      %dma_start3A_14 = tpu.memref_slice %arg8[%mul3A_10] : memref<10240xf32, #tpu.memory_space<vmem_shared>> -> memref<640xf32, #tpu.memory_space<vmem_shared>>
      tpu.enqueue_dma source(%dma_start3A_14 : memref<640xf32, #tpu.memory_space<vmem_shared>>) target(%dma_start3A_13 : memref<640xf32, #tpu.memory_space<hbm>>) target_semaphore(%run_scoped3A : memref<!tpu.dma_semaphore, #tpu.memory_space<semaphore_mem>>)
      %dma_wait3A = tpu.memref_slice %arg5[%arg0, %mul3A_12] : memref<2x10240xf32, #tpu.memory_space<hbm>> -> memref<1x640xf32, #tpu.memory_space<hbm>>
      %dma_wait3A_15 = tpu.memref_squeeze %dma_wait3A : memref<1x640xf32, #tpu.memory_space<hbm>> -> memref<640xf32, #tpu.memory_space<hbm>>
      %dma_wait3A_16 = tpu.memref_slice %arg8[%mul3A_10] : memref<10240xf32, #tpu.memory_space<vmem_shared>> -> memref<640xf32, #tpu.memory_space<vmem_shared>>
      tpu.wait_dma2 semaphore(%run_scoped3A : memref<!tpu.dma_semaphore, #tpu.memory_space<semaphore_mem>>) src(%dma_wait3A_16 : memref<640xf32, #tpu.memory_space<vmem_shared>>) dst(%dma_wait3A_15 : memref<640xf32, #tpu.memory_space<hbm>>)
      tpu.yield
    }) : () -> ()
    return
  }
}

#map = affine_map<(d0, d1) -> (0, 0)>
#map1 = affine_map<(d0, d1) -> (0, 0, 0)>
module attributes {stable_mosaic.version = 14 : i64} {
  func.func @_agg_kernel(%arg0: i32, %arg1: i32, %arg2: memref<10000x128xf32, #tpu.memory_space<hbm>>, %arg3: memref<32x80x128xi32, #tpu.memory_space<hbm>>, %arg4: memref<32x80x128xi32, #tpu.memory_space<hbm>>, %arg5: memref<640x128xf32, #tpu.memory_space<hbm>>, %arg6: memref<2x10240x128xf32, #tpu.memory_space<hbm>>, %arg7: memref<40x128xi32, #tpu.memory_space<vmem>>, %arg8: memref<40x128xi32, #tpu.memory_space<vmem>>, %arg9: memref<128x128xf32, #tpu.memory_space<vmem>>, %arg10: memref<128x128xf32, #tpu.memory_space<vmem>>, %arg11: memref<10240x128xf32, #tpu.memory_space<vmem_shared>>, %arg12: memref<!tpu.dma_semaphore, #tpu.memory_space<semaphore_mem>>, %arg13: memref<!tpu.dma_semaphore, #tpu.memory_space<semaphore_mem>>, %arg14: memref<!tpu.dma_semaphore, #tpu.memory_space<semaphore_mem>>) attributes {dimension_semantics = [#tpu.dimension_semantics<core_parallel>, #tpu.dimension_semantics<subcore_parallel>], iteration_bounds = array<i64: 2, 16>, scalar_prefetch = 0 : i64, scratch_operands = 8 : i64, tpu.core_type = #tpu.core_type<sc_vector_subcore>, window_params = [{transform_indices = #map}, {transform_indices = #map1}, {transform_indices = #map1}, {transform_indices = #map}, {transform_indices = #map1}]} {
    %mul3A = arith.constant 16 : i32
    %mul3A_0 = arith.muli %arg0, %mul3A : i32
    %add3A = arith.addi %mul3A_0, %arg1 : i32
    %mul3A_1 = arith.constant 640 : i32
    %mul3A_2 = arith.muli %arg1, %mul3A_1 : i32
    %dma_start3A = arith.constant 0 : i32
    %dma_start3A_3 = tpu.memref_slice %arg11[%mul3A_2, %dma_start3A] : memref<10240x128xf32, #tpu.memory_space<vmem_shared>> -> memref<640x128xf32, #tpu.memory_space<vmem_shared>>
    tpu.enqueue_dma source(%arg5 : memref<640x128xf32, #tpu.memory_space<hbm>>) target(%dma_start3A_3 : memref<640x128xf32, #tpu.memory_space<vmem_shared>>) target_semaphore(%arg14 : memref<!tpu.dma_semaphore, #tpu.memory_space<semaphore_mem>>)
    "tpu.region"() ({
      %run_scoped3A_80 = tpu.sem_alloc : memref<!tpu.dma_semaphore, #tpu.memory_space<semaphore_mem>>
      %dma_start3A_81 = arith.constant 0 : i32
      %dma_start3A_82 = arith.constant 0 : i32
      %dma_start3A_83 = tpu.memref_slice %arg3[%add3A, %dma_start3A_81, %dma_start3A_82] : memref<32x80x128xi32, #tpu.memory_space<hbm>> -> memref<1x40x128xi32, #tpu.memory_space<hbm>>
      %dma_start3A_84 = tpu.memref_squeeze %dma_start3A_83 : memref<1x40x128xi32, #tpu.memory_space<hbm>> -> memref<40x128xi32, #tpu.memory_space<hbm>>
      %dma_start3A_85 = arith.constant 0 : i32
      %dma_start3A_86 = arith.constant 0 : i32
      %dma_start3A_87 = tpu.memref_slice %arg3[%add3A, %dma_start3A_85, %dma_start3A_86] : memref<32x80x128xi32, #tpu.memory_space<hbm>> -> memref<1x40x128xi32, #tpu.memory_space<hbm>>
      %dma_start3A_88 = tpu.memref_squeeze %dma_start3A_87 : memref<1x40x128xi32, #tpu.memory_space<hbm>> -> memref<40x128xi32, #tpu.memory_space<hbm>>
      tpu.enqueue_dma source(%dma_start3A_88 : memref<40x128xi32, #tpu.memory_space<hbm>>) target(%arg7 : memref<40x128xi32, #tpu.memory_space<vmem>>) target_semaphore(%run_scoped3A_80 : memref<!tpu.dma_semaphore, #tpu.memory_space<semaphore_mem>>)
      %dma_wait3A_89 = arith.constant 0 : i32
      %dma_wait3A_90 = arith.constant 0 : i32
      %dma_wait3A_91 = tpu.memref_slice %arg3[%add3A, %dma_wait3A_89, %dma_wait3A_90] : memref<32x80x128xi32, #tpu.memory_space<hbm>> -> memref<1x40x128xi32, #tpu.memory_space<hbm>>
      %dma_wait3A_92 = tpu.memref_squeeze %dma_wait3A_91 : memref<1x40x128xi32, #tpu.memory_space<hbm>> -> memref<40x128xi32, #tpu.memory_space<hbm>>
      %dma_wait3A_93 = arith.constant 0 : i32
      %dma_wait3A_94 = arith.constant 0 : i32
      %dma_wait3A_95 = tpu.memref_slice %arg3[%add3A, %dma_wait3A_93, %dma_wait3A_94] : memref<32x80x128xi32, #tpu.memory_space<hbm>> -> memref<1x40x128xi32, #tpu.memory_space<hbm>>
      %dma_wait3A_96 = tpu.memref_squeeze %dma_wait3A_95 : memref<1x40x128xi32, #tpu.memory_space<hbm>> -> memref<40x128xi32, #tpu.memory_space<hbm>>
      tpu.wait_dma2 semaphore(%run_scoped3A_80 : memref<!tpu.dma_semaphore, #tpu.memory_space<semaphore_mem>>) src(%dma_wait3A_96 : memref<40x128xi32, #tpu.memory_space<hbm>>) dst(%arg7 : memref<40x128xi32, #tpu.memory_space<vmem>>)
      tpu.yield
    }) : () -> ()
    "tpu.region"() ({
      %run_scoped3A_80 = tpu.sem_alloc : memref<!tpu.dma_semaphore, #tpu.memory_space<semaphore_mem>>
      %dma_start3A_81 = arith.constant 0 : i32
      %dma_start3A_82 = arith.constant 0 : i32
      %dma_start3A_83 = tpu.memref_slice %arg4[%add3A, %dma_start3A_81, %dma_start3A_82] : memref<32x80x128xi32, #tpu.memory_space<hbm>> -> memref<1x40x128xi32, #tpu.memory_space<hbm>>
      %dma_start3A_84 = tpu.memref_squeeze %dma_start3A_83 : memref<1x40x128xi32, #tpu.memory_space<hbm>> -> memref<40x128xi32, #tpu.memory_space<hbm>>
      %dma_start3A_85 = arith.constant 0 : i32
      %dma_start3A_86 = arith.constant 0 : i32
      %dma_start3A_87 = tpu.memref_slice %arg4[%add3A, %dma_start3A_85, %dma_start3A_86] : memref<32x80x128xi32, #tpu.memory_space<hbm>> -> memref<1x40x128xi32, #tpu.memory_space<hbm>>
      %dma_start3A_88 = tpu.memref_squeeze %dma_start3A_87 : memref<1x40x128xi32, #tpu.memory_space<hbm>> -> memref<40x128xi32, #tpu.memory_space<hbm>>
      tpu.enqueue_dma source(%dma_start3A_88 : memref<40x128xi32, #tpu.memory_space<hbm>>) target(%arg8 : memref<40x128xi32, #tpu.memory_space<vmem>>) target_semaphore(%run_scoped3A_80 : memref<!tpu.dma_semaphore, #tpu.memory_space<semaphore_mem>>)
      %dma_wait3A_89 = arith.constant 0 : i32
      %dma_wait3A_90 = arith.constant 0 : i32
      %dma_wait3A_91 = tpu.memref_slice %arg4[%add3A, %dma_wait3A_89, %dma_wait3A_90] : memref<32x80x128xi32, #tpu.memory_space<hbm>> -> memref<1x40x128xi32, #tpu.memory_space<hbm>>
      %dma_wait3A_92 = tpu.memref_squeeze %dma_wait3A_91 : memref<1x40x128xi32, #tpu.memory_space<hbm>> -> memref<40x128xi32, #tpu.memory_space<hbm>>
      %dma_wait3A_93 = arith.constant 0 : i32
      %dma_wait3A_94 = arith.constant 0 : i32
      %dma_wait3A_95 = tpu.memref_slice %arg4[%add3A, %dma_wait3A_93, %dma_wait3A_94] : memref<32x80x128xi32, #tpu.memory_space<hbm>> -> memref<1x40x128xi32, #tpu.memory_space<hbm>>
      %dma_wait3A_96 = tpu.memref_squeeze %dma_wait3A_95 : memref<1x40x128xi32, #tpu.memory_space<hbm>> -> memref<40x128xi32, #tpu.memory_space<hbm>>
      tpu.wait_dma2 semaphore(%run_scoped3A_80 : memref<!tpu.dma_semaphore, #tpu.memory_space<semaphore_mem>>) src(%dma_wait3A_96 : memref<40x128xi32, #tpu.memory_space<hbm>>) dst(%arg8 : memref<40x128xi32, #tpu.memory_space<vmem>>)
      tpu.yield
    }) : () -> ()
    %dma_start3A_4 = arith.constant 0 : i32
    %dma_start3A_5 = arith.constant 0 : i32
    %dma_start3A_6 = tpu.memref_slice %arg7[%dma_start3A_4, %dma_start3A_5] : memref<40x128xi32, #tpu.memory_space<vmem>> -> memref<1x128xi32, #tpu.memory_space<vmem>>
    %dma_start3A_7 = tpu.memref_squeeze %dma_start3A_6 : memref<1x128xi32, #tpu.memory_space<vmem>> -> memref<128xi32, #tpu.memory_space<vmem>>
    %dma_start3A_8 = arith.constant 0 : i32
    %dma_start3A_9 = arith.constant 0 : i32
    %dma_start3A_10 = tpu.memref_slice %arg2[%dma_start3A_8, %dma_start3A_9] : memref<10000x128xf32, #tpu.memory_space<hbm>> -> memref<10000x128xf32, #tpu.memory_space<hbm>>
    tpu.enqueue_indirect_dma source(%dma_start3A_10 : memref<10000x128xf32, #tpu.memory_space<hbm>>) target(%arg9 : memref<128x128xf32, #tpu.memory_space<vmem>>) offsets(%dma_start3A_7 : memref<128xi32, #tpu.memory_space<vmem>>) semaphore(%arg12 : memref<!tpu.dma_semaphore, #tpu.memory_space<semaphore_mem>>)
    %dma_start3A_11 = arith.constant 1 : i32
    %dma_start3A_12 = arith.constant 0 : i32
    %dma_start3A_13 = tpu.memref_slice %arg7[%dma_start3A_11, %dma_start3A_12] : memref<40x128xi32, #tpu.memory_space<vmem>> -> memref<1x128xi32, #tpu.memory_space<vmem>>
    %dma_start3A_14 = tpu.memref_squeeze %dma_start3A_13 : memref<1x128xi32, #tpu.memory_space<vmem>> -> memref<128xi32, #tpu.memory_space<vmem>>
    %dma_start3A_15 = arith.constant 0 : i32
    %dma_start3A_16 = arith.constant 0 : i32
    %dma_start3A_17 = tpu.memref_slice %arg2[%dma_start3A_15, %dma_start3A_16] : memref<10000x128xf32, #tpu.memory_space<hbm>> -> memref<10000x128xf32, #tpu.memory_space<hbm>>
    tpu.enqueue_indirect_dma source(%dma_start3A_17 : memref<10000x128xf32, #tpu.memory_space<hbm>>) target(%arg10 : memref<128x128xf32, #tpu.memory_space<vmem>>) offsets(%dma_start3A_14 : memref<128xi32, #tpu.memory_space<vmem>>) semaphore(%arg13 : memref<!tpu.dma_semaphore, #tpu.memory_space<semaphore_mem>>)
    %dma_wait3A = arith.constant 0 : i32
    %dma_wait3A_18 = tpu.memref_slice %arg11[%mul3A_2, %dma_wait3A] : memref<10240x128xf32, #tpu.memory_space<vmem_shared>> -> memref<640x128xf32, #tpu.memory_space<vmem_shared>>
    tpu.wait_dma2 semaphore(%arg14 : memref<!tpu.dma_semaphore, #tpu.memory_space<semaphore_mem>>) src(%arg5 : memref<640x128xf32, #tpu.memory_space<hbm>>) dst(%dma_wait3A_18 : memref<640x128xf32, #tpu.memory_space<vmem_shared>>)
    %barrier3A = arith.constant 0 : index
    tpu.barrier barrier_id(%barrier3A)
    %scan3A = arith.constant 0 : i32
    %scan3A_19 = arith.constant 0 : i32
    %scan3A_20 = arith.constant 19 : i32
    %scan3A_21 = arith.addi %scan3A_19, %scan3A_20 : i32
    %scan3A_22 = arith.constant 1 : i32
    scf.for %scan3A_80 = %scan3A_19 to %scan3A_21 step %scan3A_22  : i32 {
      %mul3A_81 = arith.constant 2 : i32
      %mul3A_82 = arith.muli %scan3A_80, %mul3A_81 : i32
      %dma_wait3A_83 = arith.constant 0 : i32
      %dma_wait3A_84 = tpu.memref_slice %arg7[%mul3A_82, %dma_wait3A_83] : memref<40x128xi32, #tpu.memory_space<vmem>> -> memref<1x128xi32, #tpu.memory_space<vmem>>
      %dma_wait3A_85 = tpu.memref_squeeze %dma_wait3A_84 : memref<1x128xi32, #tpu.memory_space<vmem>> -> memref<128xi32, #tpu.memory_space<vmem>>
      %dma_wait3A_86 = arith.constant 0 : i32
      %dma_wait3A_87 = arith.constant 0 : i32
      %dma_wait3A_88 = tpu.memref_slice %arg2[%dma_wait3A_86, %dma_wait3A_87] : memref<10000x128xf32, #tpu.memory_space<hbm>> -> memref<10000x128xf32, #tpu.memory_space<hbm>>
      tpu.wait_indirect_dma semaphore(%arg12 : memref<!tpu.dma_semaphore, #tpu.memory_space<semaphore_mem>>) src(%dma_wait3A_88 : memref<10000x128xf32, #tpu.memory_space<hbm>>) dst(%arg9 : memref<128x128xf32, #tpu.memory_space<vmem>>)
      "tpu.region"() ({
        %run_scoped3A_113 = tpu.sem_alloc : memref<!tpu.dma_semaphore, #tpu.memory_space<semaphore_mem>>
        %dma_start3A_114 = arith.constant 0 : i32
        %dma_start3A_115 = tpu.memref_slice %arg8[%mul3A_82, %dma_start3A_114] : memref<40x128xi32, #tpu.memory_space<vmem>> -> memref<1x128xi32, #tpu.memory_space<vmem>>
        %dma_start3A_116 = tpu.memref_squeeze %dma_start3A_115 : memref<1x128xi32, #tpu.memory_space<vmem>> -> memref<128xi32, #tpu.memory_space<vmem>>
        %dma_start3A_117 = arith.constant 0 : i32
        %dma_start3A_118 = arith.constant 0 : i32
        %dma_start3A_119 = tpu.memref_slice %arg11[%dma_start3A_117, %dma_start3A_118] : memref<10240x128xf32, #tpu.memory_space<vmem_shared>> -> memref<10240x128xf32, #tpu.memory_space<vmem_shared>>
        tpu.enqueue_indirect_dma source(%arg9 : memref<128x128xf32, #tpu.memory_space<vmem>>) target(%dma_start3A_119 : memref<10240x128xf32, #tpu.memory_space<vmem_shared>>) offsets(%dma_start3A_116 : memref<128xi32, #tpu.memory_space<vmem>>) semaphore(%run_scoped3A_113 : memref<!tpu.dma_semaphore, #tpu.memory_space<semaphore_mem>>) {add = true}
        %dma_wait3A_120 = arith.constant 0 : i32
        %dma_wait3A_121 = tpu.memref_slice %arg8[%mul3A_82, %dma_wait3A_120] : memref<40x128xi32, #tpu.memory_space<vmem>> -> memref<1x128xi32, #tpu.memory_space<vmem>>
        %dma_wait3A_122 = tpu.memref_squeeze %dma_wait3A_121 : memref<1x128xi32, #tpu.memory_space<vmem>> -> memref<128xi32, #tpu.memory_space<vmem>>
        %dma_wait3A_123 = arith.constant 0 : i32
        %dma_wait3A_124 = arith.constant 0 : i32
        %dma_wait3A_125 = tpu.memref_slice %arg11[%dma_wait3A_123, %dma_wait3A_124] : memref<10240x128xf32, #tpu.memory_space<vmem_shared>> -> memref<10240x128xf32, #tpu.memory_space<vmem_shared>>
        tpu.wait_indirect_dma semaphore(%run_scoped3A_113 : memref<!tpu.dma_semaphore, #tpu.memory_space<semaphore_mem>>) src(%arg9 : memref<128x128xf32, #tpu.memory_space<vmem>>) dst(%dma_wait3A_125 : memref<10240x128xf32, #tpu.memory_space<vmem_shared>>)
        tpu.yield
      }) : () -> ()
      %add3A_89 = arith.constant 2 : i32
      %add3A_90 = arith.addi %mul3A_82, %add3A_89 : i32
      %dma_start3A_91 = arith.constant 0 : i32
      %dma_start3A_92 = tpu.memref_slice %arg7[%add3A_90, %dma_start3A_91] : memref<40x128xi32, #tpu.memory_space<vmem>> -> memref<1x128xi32, #tpu.memory_space<vmem>>
      %dma_start3A_93 = tpu.memref_squeeze %dma_start3A_92 : memref<1x128xi32, #tpu.memory_space<vmem>> -> memref<128xi32, #tpu.memory_space<vmem>>
      %dma_start3A_94 = arith.constant 0 : i32
      %dma_start3A_95 = arith.constant 0 : i32
      %dma_start3A_96 = tpu.memref_slice %arg2[%dma_start3A_94, %dma_start3A_95] : memref<10000x128xf32, #tpu.memory_space<hbm>> -> memref<10000x128xf32, #tpu.memory_space<hbm>>
      tpu.enqueue_indirect_dma source(%dma_start3A_96 : memref<10000x128xf32, #tpu.memory_space<hbm>>) target(%arg9 : memref<128x128xf32, #tpu.memory_space<vmem>>) offsets(%dma_start3A_93 : memref<128xi32, #tpu.memory_space<vmem>>) semaphore(%arg12 : memref<!tpu.dma_semaphore, #tpu.memory_space<semaphore_mem>>)
      %dma_wait3A_97 = arith.constant 0 : i32
      %dma_wait3A_98 = tpu.memref_slice %arg7[%mul3A_82, %dma_wait3A_97] : memref<40x128xi32, #tpu.memory_space<vmem>> -> memref<1x128xi32, #tpu.memory_space<vmem>>
      %dma_wait3A_99 = tpu.memref_squeeze %dma_wait3A_98 : memref<1x128xi32, #tpu.memory_space<vmem>> -> memref<128xi32, #tpu.memory_space<vmem>>
      %dma_wait3A_100 = arith.constant 0 : i32
      %dma_wait3A_101 = arith.constant 0 : i32
      %dma_wait3A_102 = tpu.memref_slice %arg2[%dma_wait3A_100, %dma_wait3A_101] : memref<10000x128xf32, #tpu.memory_space<hbm>> -> memref<10000x128xf32, #tpu.memory_space<hbm>>
      tpu.wait_indirect_dma semaphore(%arg13 : memref<!tpu.dma_semaphore, #tpu.memory_space<semaphore_mem>>) src(%dma_wait3A_102 : memref<10000x128xf32, #tpu.memory_space<hbm>>) dst(%arg10 : memref<128x128xf32, #tpu.memory_space<vmem>>)
      %add3A_103 = arith.constant 1 : i32
      %add3A_104 = arith.addi %mul3A_82, %add3A_103 : i32
      "tpu.region"() ({
        %run_scoped3A_113 = tpu.sem_alloc : memref<!tpu.dma_semaphore, #tpu.memory_space<semaphore_mem>>
        %dma_start3A_114 = arith.constant 0 : i32
        %dma_start3A_115 = tpu.memref_slice %arg8[%add3A_104, %dma_start3A_114] : memref<40x128xi32, #tpu.memory_space<vmem>> -> memref<1x128xi32, #tpu.memory_space<vmem>>
        %dma_start3A_116 = tpu.memref_squeeze %dma_start3A_115 : memref<1x128xi32, #tpu.memory_space<vmem>> -> memref<128xi32, #tpu.memory_space<vmem>>
        %dma_start3A_117 = arith.constant 0 : i32
        %dma_start3A_118 = arith.constant 0 : i32
        %dma_start3A_119 = tpu.memref_slice %arg11[%dma_start3A_117, %dma_start3A_118] : memref<10240x128xf32, #tpu.memory_space<vmem_shared>> -> memref<10240x128xf32, #tpu.memory_space<vmem_shared>>
        tpu.enqueue_indirect_dma source(%arg10 : memref<128x128xf32, #tpu.memory_space<vmem>>) target(%dma_start3A_119 : memref<10240x128xf32, #tpu.memory_space<vmem_shared>>) offsets(%dma_start3A_116 : memref<128xi32, #tpu.memory_space<vmem>>) semaphore(%run_scoped3A_113 : memref<!tpu.dma_semaphore, #tpu.memory_space<semaphore_mem>>) {add = true}
        %dma_wait3A_120 = arith.constant 0 : i32
        %dma_wait3A_121 = tpu.memref_slice %arg8[%add3A_104, %dma_wait3A_120] : memref<40x128xi32, #tpu.memory_space<vmem>> -> memref<1x128xi32, #tpu.memory_space<vmem>>
        %dma_wait3A_122 = tpu.memref_squeeze %dma_wait3A_121 : memref<1x128xi32, #tpu.memory_space<vmem>> -> memref<128xi32, #tpu.memory_space<vmem>>
        %dma_wait3A_123 = arith.constant 0 : i32
        %dma_wait3A_124 = arith.constant 0 : i32
        %dma_wait3A_125 = tpu.memref_slice %arg11[%dma_wait3A_123, %dma_wait3A_124] : memref<10240x128xf32, #tpu.memory_space<vmem_shared>> -> memref<10240x128xf32, #tpu.memory_space<vmem_shared>>
        tpu.wait_indirect_dma semaphore(%run_scoped3A_113 : memref<!tpu.dma_semaphore, #tpu.memory_space<semaphore_mem>>) src(%arg10 : memref<128x128xf32, #tpu.memory_space<vmem>>) dst(%dma_wait3A_125 : memref<10240x128xf32, #tpu.memory_space<vmem_shared>>)
        tpu.yield
      }) : () -> ()
      %add3A_105 = arith.constant 3 : i32
      %add3A_106 = arith.addi %mul3A_82, %add3A_105 : i32
      %dma_start3A_107 = arith.constant 0 : i32
      %dma_start3A_108 = tpu.memref_slice %arg7[%add3A_106, %dma_start3A_107] : memref<40x128xi32, #tpu.memory_space<vmem>> -> memref<1x128xi32, #tpu.memory_space<vmem>>
      %dma_start3A_109 = tpu.memref_squeeze %dma_start3A_108 : memref<1x128xi32, #tpu.memory_space<vmem>> -> memref<128xi32, #tpu.memory_space<vmem>>
      %dma_start3A_110 = arith.constant 0 : i32
      %dma_start3A_111 = arith.constant 0 : i32
      %dma_start3A_112 = tpu.memref_slice %arg2[%dma_start3A_110, %dma_start3A_111] : memref<10000x128xf32, #tpu.memory_space<hbm>> -> memref<10000x128xf32, #tpu.memory_space<hbm>>
      tpu.enqueue_indirect_dma source(%dma_start3A_112 : memref<10000x128xf32, #tpu.memory_space<hbm>>) target(%arg10 : memref<128x128xf32, #tpu.memory_space<vmem>>) offsets(%dma_start3A_109 : memref<128xi32, #tpu.memory_space<vmem>>) semaphore(%arg13 : memref<!tpu.dma_semaphore, #tpu.memory_space<semaphore_mem>>)
    }
    %scan3A_23 = arith.constant 19 : i32
    %dma_wait3A_24 = arith.constant 0 : i32
    %dma_wait3A_25 = arith.constant 0 : i32
    %dma_wait3A_26 = tpu.memref_slice %arg7[%dma_wait3A_24, %dma_wait3A_25] : memref<40x128xi32, #tpu.memory_space<vmem>> -> memref<1x128xi32, #tpu.memory_space<vmem>>
    %dma_wait3A_27 = tpu.memref_squeeze %dma_wait3A_26 : memref<1x128xi32, #tpu.memory_space<vmem>> -> memref<128xi32, #tpu.memory_space<vmem>>
    %dma_wait3A_28 = arith.constant 0 : i32
    %dma_wait3A_29 = arith.constant 0 : i32
    %dma_wait3A_30 = tpu.memref_slice %arg2[%dma_wait3A_28, %dma_wait3A_29] : memref<10000x128xf32, #tpu.memory_space<hbm>> -> memref<10000x128xf32, #tpu.memory_space<hbm>>
    tpu.wait_indirect_dma semaphore(%arg12 : memref<!tpu.dma_semaphore, #tpu.memory_space<semaphore_mem>>) src(%dma_wait3A_30 : memref<10000x128xf32, #tpu.memory_space<hbm>>) dst(%arg9 : memref<128x128xf32, #tpu.memory_space<vmem>>)
    %run_scoped3A = arith.constant 38 : i32
    "tpu.region"() ({
      %run_scoped3A_80 = tpu.sem_alloc : memref<!tpu.dma_semaphore, #tpu.memory_space<semaphore_mem>>
      %dma_start3A_81 = arith.constant 0 : i32
      %dma_start3A_82 = tpu.memref_slice %arg8[%run_scoped3A, %dma_start3A_81] : memref<40x128xi32, #tpu.memory_space<vmem>> -> memref<1x128xi32, #tpu.memory_space<vmem>>
      %dma_start3A_83 = tpu.memref_squeeze %dma_start3A_82 : memref<1x128xi32, #tpu.memory_space<vmem>> -> memref<128xi32, #tpu.memory_space<vmem>>
      %dma_start3A_84 = arith.constant 0 : i32
      %dma_start3A_85 = arith.constant 0 : i32
      %dma_start3A_86 = tpu.memref_slice %arg11[%dma_start3A_84, %dma_start3A_85] : memref<10240x128xf32, #tpu.memory_space<vmem_shared>> -> memref<10240x128xf32, #tpu.memory_space<vmem_shared>>
      tpu.enqueue_indirect_dma source(%arg9 : memref<128x128xf32, #tpu.memory_space<vmem>>) target(%dma_start3A_86 : memref<10240x128xf32, #tpu.memory_space<vmem_shared>>) offsets(%dma_start3A_83 : memref<128xi32, #tpu.memory_space<vmem>>) semaphore(%run_scoped3A_80 : memref<!tpu.dma_semaphore, #tpu.memory_space<semaphore_mem>>) {add = true}
      %dma_wait3A_87 = arith.constant 0 : i32
      %dma_wait3A_88 = tpu.memref_slice %arg8[%run_scoped3A, %dma_wait3A_87] : memref<40x128xi32, #tpu.memory_space<vmem>> -> memref<1x128xi32, #tpu.memory_space<vmem>>
      %dma_wait3A_89 = tpu.memref_squeeze %dma_wait3A_88 : memref<1x128xi32, #tpu.memory_space<vmem>> -> memref<128xi32, #tpu.memory_space<vmem>>
      %dma_wait3A_90 = arith.constant 0 : i32
      %dma_wait3A_91 = arith.constant 0 : i32
      %dma_wait3A_92 = tpu.memref_slice %arg11[%dma_wait3A_90, %dma_wait3A_91] : memref<10240x128xf32, #tpu.memory_space<vmem_shared>> -> memref<10240x128xf32, #tpu.memory_space<vmem_shared>>
      tpu.wait_indirect_dma semaphore(%run_scoped3A_80 : memref<!tpu.dma_semaphore, #tpu.memory_space<semaphore_mem>>) src(%arg9 : memref<128x128xf32, #tpu.memory_space<vmem>>) dst(%dma_wait3A_92 : memref<10240x128xf32, #tpu.memory_space<vmem_shared>>)
      tpu.yield
    }) : () -> ()
    %dma_wait3A_31 = arith.constant 0 : i32
    %dma_wait3A_32 = arith.constant 0 : i32
    %dma_wait3A_33 = tpu.memref_slice %arg7[%dma_wait3A_31, %dma_wait3A_32] : memref<40x128xi32, #tpu.memory_space<vmem>> -> memref<1x128xi32, #tpu.memory_space<vmem>>
    %dma_wait3A_34 = tpu.memref_squeeze %dma_wait3A_33 : memref<1x128xi32, #tpu.memory_space<vmem>> -> memref<128xi32, #tpu.memory_space<vmem>>
    %dma_wait3A_35 = arith.constant 0 : i32
    %dma_wait3A_36 = arith.constant 0 : i32
    %dma_wait3A_37 = tpu.memref_slice %arg2[%dma_wait3A_35, %dma_wait3A_36] : memref<10000x128xf32, #tpu.memory_space<hbm>> -> memref<10000x128xf32, #tpu.memory_space<hbm>>
    tpu.wait_indirect_dma semaphore(%arg13 : memref<!tpu.dma_semaphore, #tpu.memory_space<semaphore_mem>>) src(%dma_wait3A_37 : memref<10000x128xf32, #tpu.memory_space<hbm>>) dst(%arg10 : memref<128x128xf32, #tpu.memory_space<vmem>>)
    %run_scoped3A_38 = arith.constant 39 : i32
    "tpu.region"() ({
      %run_scoped3A_80 = tpu.sem_alloc : memref<!tpu.dma_semaphore, #tpu.memory_space<semaphore_mem>>
      %dma_start3A_81 = arith.constant 0 : i32
      %dma_start3A_82 = tpu.memref_slice %arg8[%run_scoped3A_38, %dma_start3A_81] : memref<40x128xi32, #tpu.memory_space<vmem>> -> memref<1x128xi32, #tpu.memory_space<vmem>>
      %dma_start3A_83 = tpu.memref_squeeze %dma_start3A_82 : memref<1x128xi32, #tpu.memory_space<vmem>> -> memref<128xi32, #tpu.memory_space<vmem>>
      %dma_start3A_84 = arith.constant 0 : i32
      %dma_start3A_85 = arith.constant 0 : i32
      %dma_start3A_86 = tpu.memref_slice %arg11[%dma_start3A_84, %dma_start3A_85] : memref<10240x128xf32, #tpu.memory_space<vmem_shared>> -> memref<10240x128xf32, #tpu.memory_space<vmem_shared>>
      tpu.enqueue_indirect_dma source(%arg10 : memref<128x128xf32, #tpu.memory_space<vmem>>) target(%dma_start3A_86 : memref<10240x128xf32, #tpu.memory_space<vmem_shared>>) offsets(%dma_start3A_83 : memref<128xi32, #tpu.memory_space<vmem>>) semaphore(%run_scoped3A_80 : memref<!tpu.dma_semaphore, #tpu.memory_space<semaphore_mem>>) {add = true}
      %dma_wait3A_87 = arith.constant 0 : i32
      %dma_wait3A_88 = tpu.memref_slice %arg8[%run_scoped3A_38, %dma_wait3A_87] : memref<40x128xi32, #tpu.memory_space<vmem>> -> memref<1x128xi32, #tpu.memory_space<vmem>>
      %dma_wait3A_89 = tpu.memref_squeeze %dma_wait3A_88 : memref<1x128xi32, #tpu.memory_space<vmem>> -> memref<128xi32, #tpu.memory_space<vmem>>
      %dma_wait3A_90 = arith.constant 0 : i32
      %dma_wait3A_91 = arith.constant 0 : i32
      %dma_wait3A_92 = tpu.memref_slice %arg11[%dma_wait3A_90, %dma_wait3A_91] : memref<10240x128xf32, #tpu.memory_space<vmem_shared>> -> memref<10240x128xf32, #tpu.memory_space<vmem_shared>>
      tpu.wait_indirect_dma semaphore(%run_scoped3A_80 : memref<!tpu.dma_semaphore, #tpu.memory_space<semaphore_mem>>) src(%arg10 : memref<128x128xf32, #tpu.memory_space<vmem>>) dst(%dma_wait3A_92 : memref<10240x128xf32, #tpu.memory_space<vmem_shared>>)
      tpu.yield
    }) : () -> ()
    "tpu.region"() ({
      %run_scoped3A_80 = tpu.sem_alloc : memref<!tpu.dma_semaphore, #tpu.memory_space<semaphore_mem>>
      %dma_start3A_81 = arith.constant 40 : i32
      %dma_start3A_82 = arith.constant 0 : i32
      %dma_start3A_83 = tpu.memref_slice %arg3[%add3A, %dma_start3A_81, %dma_start3A_82] : memref<32x80x128xi32, #tpu.memory_space<hbm>> -> memref<1x40x128xi32, #tpu.memory_space<hbm>>
      %dma_start3A_84 = tpu.memref_squeeze %dma_start3A_83 : memref<1x40x128xi32, #tpu.memory_space<hbm>> -> memref<40x128xi32, #tpu.memory_space<hbm>>
      %dma_start3A_85 = arith.constant 40 : i32
      %dma_start3A_86 = arith.constant 0 : i32
      %dma_start3A_87 = tpu.memref_slice %arg3[%add3A, %dma_start3A_85, %dma_start3A_86] : memref<32x80x128xi32, #tpu.memory_space<hbm>> -> memref<1x40x128xi32, #tpu.memory_space<hbm>>
      %dma_start3A_88 = tpu.memref_squeeze %dma_start3A_87 : memref<1x40x128xi32, #tpu.memory_space<hbm>> -> memref<40x128xi32, #tpu.memory_space<hbm>>
      tpu.enqueue_dma source(%dma_start3A_88 : memref<40x128xi32, #tpu.memory_space<hbm>>) target(%arg7 : memref<40x128xi32, #tpu.memory_space<vmem>>) target_semaphore(%run_scoped3A_80 : memref<!tpu.dma_semaphore, #tpu.memory_space<semaphore_mem>>)
      %dma_wait3A_89 = arith.constant 40 : i32
      %dma_wait3A_90 = arith.constant 0 : i32
      %dma_wait3A_91 = tpu.memref_slice %arg3[%add3A, %dma_wait3A_89, %dma_wait3A_90] : memref<32x80x128xi32, #tpu.memory_space<hbm>> -> memref<1x40x128xi32, #tpu.memory_space<hbm>>
      %dma_wait3A_92 = tpu.memref_squeeze %dma_wait3A_91 : memref<1x40x128xi32, #tpu.memory_space<hbm>> -> memref<40x128xi32, #tpu.memory_space<hbm>>
      %dma_wait3A_93 = arith.constant 40 : i32
      %dma_wait3A_94 = arith.constant 0 : i32
      %dma_wait3A_95 = tpu.memref_slice %arg3[%add3A, %dma_wait3A_93, %dma_wait3A_94] : memref<32x80x128xi32, #tpu.memory_space<hbm>> -> memref<1x40x128xi32, #tpu.memory_space<hbm>>
      %dma_wait3A_96 = tpu.memref_squeeze %dma_wait3A_95 : memref<1x40x128xi32, #tpu.memory_space<hbm>> -> memref<40x128xi32, #tpu.memory_space<hbm>>
      tpu.wait_dma2 semaphore(%run_scoped3A_80 : memref<!tpu.dma_semaphore, #tpu.memory_space<semaphore_mem>>) src(%dma_wait3A_96 : memref<40x128xi32, #tpu.memory_space<hbm>>) dst(%arg7 : memref<40x128xi32, #tpu.memory_space<vmem>>)
      tpu.yield
    }) : () -> ()
    "tpu.region"() ({
      %run_scoped3A_80 = tpu.sem_alloc : memref<!tpu.dma_semaphore, #tpu.memory_space<semaphore_mem>>
      %dma_start3A_81 = arith.constant 40 : i32
      %dma_start3A_82 = arith.constant 0 : i32
      %dma_start3A_83 = tpu.memref_slice %arg4[%add3A, %dma_start3A_81, %dma_start3A_82] : memref<32x80x128xi32, #tpu.memory_space<hbm>> -> memref<1x40x128xi32, #tpu.memory_space<hbm>>
      %dma_start3A_84 = tpu.memref_squeeze %dma_start3A_83 : memref<1x40x128xi32, #tpu.memory_space<hbm>> -> memref<40x128xi32, #tpu.memory_space<hbm>>
      %dma_start3A_85 = arith.constant 40 : i32
      %dma_start3A_86 = arith.constant 0 : i32
      %dma_start3A_87 = tpu.memref_slice %arg4[%add3A, %dma_start3A_85, %dma_start3A_86] : memref<32x80x128xi32, #tpu.memory_space<hbm>> -> memref<1x40x128xi32, #tpu.memory_space<hbm>>
      %dma_start3A_88 = tpu.memref_squeeze %dma_start3A_87 : memref<1x40x128xi32, #tpu.memory_space<hbm>> -> memref<40x128xi32, #tpu.memory_space<hbm>>
      tpu.enqueue_dma source(%dma_start3A_88 : memref<40x128xi32, #tpu.memory_space<hbm>>) target(%arg8 : memref<40x128xi32, #tpu.memory_space<vmem>>) target_semaphore(%run_scoped3A_80 : memref<!tpu.dma_semaphore, #tpu.memory_space<semaphore_mem>>)
      %dma_wait3A_89 = arith.constant 40 : i32
      %dma_wait3A_90 = arith.constant 0 : i32
      %dma_wait3A_91 = tpu.memref_slice %arg4[%add3A, %dma_wait3A_89, %dma_wait3A_90] : memref<32x80x128xi32, #tpu.memory_space<hbm>> -> memref<1x40x128xi32, #tpu.memory_space<hbm>>
      %dma_wait3A_92 = tpu.memref_squeeze %dma_wait3A_91 : memref<1x40x128xi32, #tpu.memory_space<hbm>> -> memref<40x128xi32, #tpu.memory_space<hbm>>
      %dma_wait3A_93 = arith.constant 40 : i32
      %dma_wait3A_94 = arith.constant 0 : i32
      %dma_wait3A_95 = tpu.memref_slice %arg4[%add3A, %dma_wait3A_93, %dma_wait3A_94] : memref<32x80x128xi32, #tpu.memory_space<hbm>> -> memref<1x40x128xi32, #tpu.memory_space<hbm>>
      %dma_wait3A_96 = tpu.memref_squeeze %dma_wait3A_95 : memref<1x40x128xi32, #tpu.memory_space<hbm>> -> memref<40x128xi32, #tpu.memory_space<hbm>>
      tpu.wait_dma2 semaphore(%run_scoped3A_80 : memref<!tpu.dma_semaphore, #tpu.memory_space<semaphore_mem>>) src(%dma_wait3A_96 : memref<40x128xi32, #tpu.memory_space<hbm>>) dst(%arg8 : memref<40x128xi32, #tpu.memory_space<vmem>>)
      tpu.yield
    }) : () -> ()
    %dma_start3A_39 = arith.constant 0 : i32
    %dma_start3A_40 = arith.constant 0 : i32
    %dma_start3A_41 = tpu.memref_slice %arg7[%dma_start3A_39, %dma_start3A_40] : memref<40x128xi32, #tpu.memory_space<vmem>> -> memref<1x128xi32, #tpu.memory_space<vmem>>
    %dma_start3A_42 = tpu.memref_squeeze %dma_start3A_41 : memref<1x128xi32, #tpu.memory_space<vmem>> -> memref<128xi32, #tpu.memory_space<vmem>>
    %dma_start3A_43 = arith.constant 0 : i32
    %dma_start3A_44 = arith.constant 0 : i32
    %dma_start3A_45 = tpu.memref_slice %arg2[%dma_start3A_43, %dma_start3A_44] : memref<10000x128xf32, #tpu.memory_space<hbm>> -> memref<10000x128xf32, #tpu.memory_space<hbm>>
    tpu.enqueue_indirect_dma source(%dma_start3A_45 : memref<10000x128xf32, #tpu.memory_space<hbm>>) target(%arg9 : memref<128x128xf32, #tpu.memory_space<vmem>>) offsets(%dma_start3A_42 : memref<128xi32, #tpu.memory_space<vmem>>) semaphore(%arg12 : memref<!tpu.dma_semaphore, #tpu.memory_space<semaphore_mem>>)
    %dma_start3A_46 = arith.constant 1 : i32
    %dma_start3A_47 = arith.constant 0 : i32
    %dma_start3A_48 = tpu.memref_slice %arg7[%dma_start3A_46, %dma_start3A_47] : memref<40x128xi32, #tpu.memory_space<vmem>> -> memref<1x128xi32, #tpu.memory_space<vmem>>
    %dma_start3A_49 = tpu.memref_squeeze %dma_start3A_48 : memref<1x128xi32, #tpu.memory_space<vmem>> -> memref<128xi32, #tpu.memory_space<vmem>>
    %dma_start3A_50 = arith.constant 0 : i32
    %dma_start3A_51 = arith.constant 0 : i32
    %dma_start3A_52 = tpu.memref_slice %arg2[%dma_start3A_50, %dma_start3A_51] : memref<10000x128xf32, #tpu.memory_space<hbm>> -> memref<10000x128xf32, #tpu.memory_space<hbm>>
    tpu.enqueue_indirect_dma source(%dma_start3A_52 : memref<10000x128xf32, #tpu.memory_space<hbm>>) target(%arg10 : memref<128x128xf32, #tpu.memory_space<vmem>>) offsets(%dma_start3A_49 : memref<128xi32, #tpu.memory_space<vmem>>) semaphore(%arg13 : memref<!tpu.dma_semaphore, #tpu.memory_space<semaphore_mem>>)
    %scan3A_53 = arith.constant 0 : i32
    %scan3A_54 = arith.constant 0 : i32
    %scan3A_55 = arith.constant 19 : i32
    %scan3A_56 = arith.addi %scan3A_54, %scan3A_55 : i32
    %scan3A_57 = arith.constant 1 : i32
    scf.for %scan3A_80 = %scan3A_54 to %scan3A_56 step %scan3A_57  : i32 {
      %mul3A_81 = arith.constant 2 : i32
      %mul3A_82 = arith.muli %scan3A_80, %mul3A_81 : i32
      %dma_wait3A_83 = arith.constant 0 : i32
      %dma_wait3A_84 = tpu.memref_slice %arg7[%mul3A_82, %dma_wait3A_83] : memref<40x128xi32, #tpu.memory_space<vmem>> -> memref<1x128xi32, #tpu.memory_space<vmem>>
      %dma_wait3A_85 = tpu.memref_squeeze %dma_wait3A_84 : memref<1x128xi32, #tpu.memory_space<vmem>> -> memref<128xi32, #tpu.memory_space<vmem>>
      %dma_wait3A_86 = arith.constant 0 : i32
      %dma_wait3A_87 = arith.constant 0 : i32
      %dma_wait3A_88 = tpu.memref_slice %arg2[%dma_wait3A_86, %dma_wait3A_87] : memref<10000x128xf32, #tpu.memory_space<hbm>> -> memref<10000x128xf32, #tpu.memory_space<hbm>>
      tpu.wait_indirect_dma semaphore(%arg12 : memref<!tpu.dma_semaphore, #tpu.memory_space<semaphore_mem>>) src(%dma_wait3A_88 : memref<10000x128xf32, #tpu.memory_space<hbm>>) dst(%arg9 : memref<128x128xf32, #tpu.memory_space<vmem>>)
      "tpu.region"() ({
        %run_scoped3A_113 = tpu.sem_alloc : memref<!tpu.dma_semaphore, #tpu.memory_space<semaphore_mem>>
        %dma_start3A_114 = arith.constant 0 : i32
        %dma_start3A_115 = tpu.memref_slice %arg8[%mul3A_82, %dma_start3A_114] : memref<40x128xi32, #tpu.memory_space<vmem>> -> memref<1x128xi32, #tpu.memory_space<vmem>>
        %dma_start3A_116 = tpu.memref_squeeze %dma_start3A_115 : memref<1x128xi32, #tpu.memory_space<vmem>> -> memref<128xi32, #tpu.memory_space<vmem>>
        %dma_start3A_117 = arith.constant 0 : i32
        %dma_start3A_118 = arith.constant 0 : i32
        %dma_start3A_119 = tpu.memref_slice %arg11[%dma_start3A_117, %dma_start3A_118] : memref<10240x128xf32, #tpu.memory_space<vmem_shared>> -> memref<10240x128xf32, #tpu.memory_space<vmem_shared>>
        tpu.enqueue_indirect_dma source(%arg9 : memref<128x128xf32, #tpu.memory_space<vmem>>) target(%dma_start3A_119 : memref<10240x128xf32, #tpu.memory_space<vmem_shared>>) offsets(%dma_start3A_116 : memref<128xi32, #tpu.memory_space<vmem>>) semaphore(%run_scoped3A_113 : memref<!tpu.dma_semaphore, #tpu.memory_space<semaphore_mem>>) {add = true}
        %dma_wait3A_120 = arith.constant 0 : i32
        %dma_wait3A_121 = tpu.memref_slice %arg8[%mul3A_82, %dma_wait3A_120] : memref<40x128xi32, #tpu.memory_space<vmem>> -> memref<1x128xi32, #tpu.memory_space<vmem>>
        %dma_wait3A_122 = tpu.memref_squeeze %dma_wait3A_121 : memref<1x128xi32, #tpu.memory_space<vmem>> -> memref<128xi32, #tpu.memory_space<vmem>>
        %dma_wait3A_123 = arith.constant 0 : i32
        %dma_wait3A_124 = arith.constant 0 : i32
        %dma_wait3A_125 = tpu.memref_slice %arg11[%dma_wait3A_123, %dma_wait3A_124] : memref<10240x128xf32, #tpu.memory_space<vmem_shared>> -> memref<10240x128xf32, #tpu.memory_space<vmem_shared>>
        tpu.wait_indirect_dma semaphore(%run_scoped3A_113 : memref<!tpu.dma_semaphore, #tpu.memory_space<semaphore_mem>>) src(%arg9 : memref<128x128xf32, #tpu.memory_space<vmem>>) dst(%dma_wait3A_125 : memref<10240x128xf32, #tpu.memory_space<vmem_shared>>)
        tpu.yield
      }) : () -> ()
      %add3A_89 = arith.constant 2 : i32
      %add3A_90 = arith.addi %mul3A_82, %add3A_89 : i32
      %dma_start3A_91 = arith.constant 0 : i32
      %dma_start3A_92 = tpu.memref_slice %arg7[%add3A_90, %dma_start3A_91] : memref<40x128xi32, #tpu.memory_space<vmem>> -> memref<1x128xi32, #tpu.memory_space<vmem>>
      %dma_start3A_93 = tpu.memref_squeeze %dma_start3A_92 : memref<1x128xi32, #tpu.memory_space<vmem>> -> memref<128xi32, #tpu.memory_space<vmem>>
      %dma_start3A_94 = arith.constant 0 : i32
      %dma_start3A_95 = arith.constant 0 : i32
      %dma_start3A_96 = tpu.memref_slice %arg2[%dma_start3A_94, %dma_start3A_95] : memref<10000x128xf32, #tpu.memory_space<hbm>> -> memref<10000x128xf32, #tpu.memory_space<hbm>>
      tpu.enqueue_indirect_dma source(%dma_start3A_96 : memref<10000x128xf32, #tpu.memory_space<hbm>>) target(%arg9 : memref<128x128xf32, #tpu.memory_space<vmem>>) offsets(%dma_start3A_93 : memref<128xi32, #tpu.memory_space<vmem>>) semaphore(%arg12 : memref<!tpu.dma_semaphore, #tpu.memory_space<semaphore_mem>>)
      %dma_wait3A_97 = arith.constant 0 : i32
      %dma_wait3A_98 = tpu.memref_slice %arg7[%mul3A_82, %dma_wait3A_97] : memref<40x128xi32, #tpu.memory_space<vmem>> -> memref<1x128xi32, #tpu.memory_space<vmem>>
      %dma_wait3A_99 = tpu.memref_squeeze %dma_wait3A_98 : memref<1x128xi32, #tpu.memory_space<vmem>> -> memref<128xi32, #tpu.memory_space<vmem>>
      %dma_wait3A_100 = arith.constant 0 : i32
      %dma_wait3A_101 = arith.constant 0 : i32
      %dma_wait3A_102 = tpu.memref_slice %arg2[%dma_wait3A_100, %dma_wait3A_101] : memref<10000x128xf32, #tpu.memory_space<hbm>> -> memref<10000x128xf32, #tpu.memory_space<hbm>>
      tpu.wait_indirect_dma semaphore(%arg13 : memref<!tpu.dma_semaphore, #tpu.memory_space<semaphore_mem>>) src(%dma_wait3A_102 : memref<10000x128xf32, #tpu.memory_space<hbm>>) dst(%arg10 : memref<128x128xf32, #tpu.memory_space<vmem>>)
      %add3A_103 = arith.constant 1 : i32
      %add3A_104 = arith.addi %mul3A_82, %add3A_103 : i32
      "tpu.region"() ({
        %run_scoped3A_113 = tpu.sem_alloc : memref<!tpu.dma_semaphore, #tpu.memory_space<semaphore_mem>>
        %dma_start3A_114 = arith.constant 0 : i32
        %dma_start3A_115 = tpu.memref_slice %arg8[%add3A_104, %dma_start3A_114] : memref<40x128xi32, #tpu.memory_space<vmem>> -> memref<1x128xi32, #tpu.memory_space<vmem>>
        %dma_start3A_116 = tpu.memref_squeeze %dma_start3A_115 : memref<1x128xi32, #tpu.memory_space<vmem>> -> memref<128xi32, #tpu.memory_space<vmem>>
        %dma_start3A_117 = arith.constant 0 : i32
        %dma_start3A_118 = arith.constant 0 : i32
        %dma_start3A_119 = tpu.memref_slice %arg11[%dma_start3A_117, %dma_start3A_118] : memref<10240x128xf32, #tpu.memory_space<vmem_shared>> -> memref<10240x128xf32, #tpu.memory_space<vmem_shared>>
        tpu.enqueue_indirect_dma source(%arg10 : memref<128x128xf32, #tpu.memory_space<vmem>>) target(%dma_start3A_119 : memref<10240x128xf32, #tpu.memory_space<vmem_shared>>) offsets(%dma_start3A_116 : memref<128xi32, #tpu.memory_space<vmem>>) semaphore(%run_scoped3A_113 : memref<!tpu.dma_semaphore, #tpu.memory_space<semaphore_mem>>) {add = true}
        %dma_wait3A_120 = arith.constant 0 : i32
        %dma_wait3A_121 = tpu.memref_slice %arg8[%add3A_104, %dma_wait3A_120] : memref<40x128xi32, #tpu.memory_space<vmem>> -> memref<1x128xi32, #tpu.memory_space<vmem>>
        %dma_wait3A_122 = tpu.memref_squeeze %dma_wait3A_121 : memref<1x128xi32, #tpu.memory_space<vmem>> -> memref<128xi32, #tpu.memory_space<vmem>>
        %dma_wait3A_123 = arith.constant 0 : i32
        %dma_wait3A_124 = arith.constant 0 : i32
        %dma_wait3A_125 = tpu.memref_slice %arg11[%dma_wait3A_123, %dma_wait3A_124] : memref<10240x128xf32, #tpu.memory_space<vmem_shared>> -> memref<10240x128xf32, #tpu.memory_space<vmem_shared>>
        tpu.wait_indirect_dma semaphore(%run_scoped3A_113 : memref<!tpu.dma_semaphore, #tpu.memory_space<semaphore_mem>>) src(%arg10 : memref<128x128xf32, #tpu.memory_space<vmem>>) dst(%dma_wait3A_125 : memref<10240x128xf32, #tpu.memory_space<vmem_shared>>)
        tpu.yield
      }) : () -> ()
      %add3A_105 = arith.constant 3 : i32
      %add3A_106 = arith.addi %mul3A_82, %add3A_105 : i32
      %dma_start3A_107 = arith.constant 0 : i32
      %dma_start3A_108 = tpu.memref_slice %arg7[%add3A_106, %dma_start3A_107] : memref<40x128xi32, #tpu.memory_space<vmem>> -> memref<1x128xi32, #tpu.memory_space<vmem>>
      %dma_start3A_109 = tpu.memref_squeeze %dma_start3A_108 : memref<1x128xi32, #tpu.memory_space<vmem>> -> memref<128xi32, #tpu.memory_space<vmem>>
      %dma_start3A_110 = arith.constant 0 : i32
      %dma_start3A_111 = arith.constant 0 : i32
      %dma_start3A_112 = tpu.memref_slice %arg2[%dma_start3A_110, %dma_start3A_111] : memref<10000x128xf32, #tpu.memory_space<hbm>> -> memref<10000x128xf32, #tpu.memory_space<hbm>>
      tpu.enqueue_indirect_dma source(%dma_start3A_112 : memref<10000x128xf32, #tpu.memory_space<hbm>>) target(%arg10 : memref<128x128xf32, #tpu.memory_space<vmem>>) offsets(%dma_start3A_109 : memref<128xi32, #tpu.memory_space<vmem>>) semaphore(%arg13 : memref<!tpu.dma_semaphore, #tpu.memory_space<semaphore_mem>>)
    }
    %scan3A_58 = arith.constant 19 : i32
    %dma_wait3A_59 = arith.constant 0 : i32
    %dma_wait3A_60 = arith.constant 0 : i32
    %dma_wait3A_61 = tpu.memref_slice %arg7[%dma_wait3A_59, %dma_wait3A_60] : memref<40x128xi32, #tpu.memory_space<vmem>> -> memref<1x128xi32, #tpu.memory_space<vmem>>
    %dma_wait3A_62 = tpu.memref_squeeze %dma_wait3A_61 : memref<1x128xi32, #tpu.memory_space<vmem>> -> memref<128xi32, #tpu.memory_space<vmem>>
    %dma_wait3A_63 = arith.constant 0 : i32
    %dma_wait3A_64 = arith.constant 0 : i32
    %dma_wait3A_65 = tpu.memref_slice %arg2[%dma_wait3A_63, %dma_wait3A_64] : memref<10000x128xf32, #tpu.memory_space<hbm>> -> memref<10000x128xf32, #tpu.memory_space<hbm>>
    tpu.wait_indirect_dma semaphore(%arg12 : memref<!tpu.dma_semaphore, #tpu.memory_space<semaphore_mem>>) src(%dma_wait3A_65 : memref<10000x128xf32, #tpu.memory_space<hbm>>) dst(%arg9 : memref<128x128xf32, #tpu.memory_space<vmem>>)
    %run_scoped3A_66 = arith.constant 38 : i32
    "tpu.region"() ({
      %run_scoped3A_80 = tpu.sem_alloc : memref<!tpu.dma_semaphore, #tpu.memory_space<semaphore_mem>>
      %dma_start3A_81 = arith.constant 0 : i32
      %dma_start3A_82 = tpu.memref_slice %arg8[%run_scoped3A_66, %dma_start3A_81] : memref<40x128xi32, #tpu.memory_space<vmem>> -> memref<1x128xi32, #tpu.memory_space<vmem>>
      %dma_start3A_83 = tpu.memref_squeeze %dma_start3A_82 : memref<1x128xi32, #tpu.memory_space<vmem>> -> memref<128xi32, #tpu.memory_space<vmem>>
      %dma_start3A_84 = arith.constant 0 : i32
      %dma_start3A_85 = arith.constant 0 : i32
      %dma_start3A_86 = tpu.memref_slice %arg11[%dma_start3A_84, %dma_start3A_85] : memref<10240x128xf32, #tpu.memory_space<vmem_shared>> -> memref<10240x128xf32, #tpu.memory_space<vmem_shared>>
      tpu.enqueue_indirect_dma source(%arg9 : memref<128x128xf32, #tpu.memory_space<vmem>>) target(%dma_start3A_86 : memref<10240x128xf32, #tpu.memory_space<vmem_shared>>) offsets(%dma_start3A_83 : memref<128xi32, #tpu.memory_space<vmem>>) semaphore(%run_scoped3A_80 : memref<!tpu.dma_semaphore, #tpu.memory_space<semaphore_mem>>) {add = true}
      %dma_wait3A_87 = arith.constant 0 : i32
      %dma_wait3A_88 = tpu.memref_slice %arg8[%run_scoped3A_66, %dma_wait3A_87] : memref<40x128xi32, #tpu.memory_space<vmem>> -> memref<1x128xi32, #tpu.memory_space<vmem>>
      %dma_wait3A_89 = tpu.memref_squeeze %dma_wait3A_88 : memref<1x128xi32, #tpu.memory_space<vmem>> -> memref<128xi32, #tpu.memory_space<vmem>>
      %dma_wait3A_90 = arith.constant 0 : i32
      %dma_wait3A_91 = arith.constant 0 : i32
      %dma_wait3A_92 = tpu.memref_slice %arg11[%dma_wait3A_90, %dma_wait3A_91] : memref<10240x128xf32, #tpu.memory_space<vmem_shared>> -> memref<10240x128xf32, #tpu.memory_space<vmem_shared>>
      tpu.wait_indirect_dma semaphore(%run_scoped3A_80 : memref<!tpu.dma_semaphore, #tpu.memory_space<semaphore_mem>>) src(%arg9 : memref<128x128xf32, #tpu.memory_space<vmem>>) dst(%dma_wait3A_92 : memref<10240x128xf32, #tpu.memory_space<vmem_shared>>)
      tpu.yield
    }) : () -> ()
    %dma_wait3A_67 = arith.constant 0 : i32
    %dma_wait3A_68 = arith.constant 0 : i32
    %dma_wait3A_69 = tpu.memref_slice %arg7[%dma_wait3A_67, %dma_wait3A_68] : memref<40x128xi32, #tpu.memory_space<vmem>> -> memref<1x128xi32, #tpu.memory_space<vmem>>
    %dma_wait3A_70 = tpu.memref_squeeze %dma_wait3A_69 : memref<1x128xi32, #tpu.memory_space<vmem>> -> memref<128xi32, #tpu.memory_space<vmem>>
    %dma_wait3A_71 = arith.constant 0 : i32
    %dma_wait3A_72 = arith.constant 0 : i32
    %dma_wait3A_73 = tpu.memref_slice %arg2[%dma_wait3A_71, %dma_wait3A_72] : memref<10000x128xf32, #tpu.memory_space<hbm>> -> memref<10000x128xf32, #tpu.memory_space<hbm>>
    tpu.wait_indirect_dma semaphore(%arg13 : memref<!tpu.dma_semaphore, #tpu.memory_space<semaphore_mem>>) src(%dma_wait3A_73 : memref<10000x128xf32, #tpu.memory_space<hbm>>) dst(%arg10 : memref<128x128xf32, #tpu.memory_space<vmem>>)
    %run_scoped3A_74 = arith.constant 39 : i32
    "tpu.region"() ({
      %run_scoped3A_80 = tpu.sem_alloc : memref<!tpu.dma_semaphore, #tpu.memory_space<semaphore_mem>>
      %dma_start3A_81 = arith.constant 0 : i32
      %dma_start3A_82 = tpu.memref_slice %arg8[%run_scoped3A_74, %dma_start3A_81] : memref<40x128xi32, #tpu.memory_space<vmem>> -> memref<1x128xi32, #tpu.memory_space<vmem>>
      %dma_start3A_83 = tpu.memref_squeeze %dma_start3A_82 : memref<1x128xi32, #tpu.memory_space<vmem>> -> memref<128xi32, #tpu.memory_space<vmem>>
      %dma_start3A_84 = arith.constant 0 : i32
      %dma_start3A_85 = arith.constant 0 : i32
      %dma_start3A_86 = tpu.memref_slice %arg11[%dma_start3A_84, %dma_start3A_85] : memref<10240x128xf32, #tpu.memory_space<vmem_shared>> -> memref<10240x128xf32, #tpu.memory_space<vmem_shared>>
      tpu.enqueue_indirect_dma source(%arg10 : memref<128x128xf32, #tpu.memory_space<vmem>>) target(%dma_start3A_86 : memref<10240x128xf32, #tpu.memory_space<vmem_shared>>) offsets(%dma_start3A_83 : memref<128xi32, #tpu.memory_space<vmem>>) semaphore(%run_scoped3A_80 : memref<!tpu.dma_semaphore, #tpu.memory_space<semaphore_mem>>) {add = true}
      %dma_wait3A_87 = arith.constant 0 : i32
      %dma_wait3A_88 = tpu.memref_slice %arg8[%run_scoped3A_74, %dma_wait3A_87] : memref<40x128xi32, #tpu.memory_space<vmem>> -> memref<1x128xi32, #tpu.memory_space<vmem>>
      %dma_wait3A_89 = tpu.memref_squeeze %dma_wait3A_88 : memref<1x128xi32, #tpu.memory_space<vmem>> -> memref<128xi32, #tpu.memory_space<vmem>>
      %dma_wait3A_90 = arith.constant 0 : i32
      %dma_wait3A_91 = arith.constant 0 : i32
      %dma_wait3A_92 = tpu.memref_slice %arg11[%dma_wait3A_90, %dma_wait3A_91] : memref<10240x128xf32, #tpu.memory_space<vmem_shared>> -> memref<10240x128xf32, #tpu.memory_space<vmem_shared>>
      tpu.wait_indirect_dma semaphore(%run_scoped3A_80 : memref<!tpu.dma_semaphore, #tpu.memory_space<semaphore_mem>>) src(%arg10 : memref<128x128xf32, #tpu.memory_space<vmem>>) dst(%dma_wait3A_92 : memref<10240x128xf32, #tpu.memory_space<vmem_shared>>)
      tpu.yield
    }) : () -> ()
    %barrier3A_75 = arith.constant 0 : index
    tpu.barrier barrier_id(%barrier3A_75)
    %mul3A_76 = arith.constant 640 : i32
    %mul3A_77 = arith.muli %arg1, %mul3A_76 : i32
    %mul3A_78 = arith.constant 640 : i32
    %mul3A_79 = arith.muli %arg1, %mul3A_78 : i32
    "tpu.region"() ({
      %run_scoped3A_80 = tpu.sem_alloc : memref<!tpu.dma_semaphore, #tpu.memory_space<semaphore_mem>>
      %dma_start3A_81 = arith.constant 0 : i32
      %dma_start3A_82 = tpu.memref_slice %arg6[%arg0, %mul3A_79, %dma_start3A_81] : memref<2x10240x128xf32, #tpu.memory_space<hbm>> -> memref<1x640x128xf32, #tpu.memory_space<hbm>>
      %dma_start3A_83 = tpu.memref_squeeze %dma_start3A_82 : memref<1x640x128xf32, #tpu.memory_space<hbm>> -> memref<640x128xf32, #tpu.memory_space<hbm>>
      %dma_start3A_84 = arith.constant 0 : i32
      %dma_start3A_85 = tpu.memref_slice %arg11[%mul3A_77, %dma_start3A_84] : memref<10240x128xf32, #tpu.memory_space<vmem_shared>> -> memref<640x128xf32, #tpu.memory_space<vmem_shared>>
      tpu.enqueue_dma source(%dma_start3A_85 : memref<640x128xf32, #tpu.memory_space<vmem_shared>>) target(%dma_start3A_83 : memref<640x128xf32, #tpu.memory_space<hbm>>) target_semaphore(%run_scoped3A_80 : memref<!tpu.dma_semaphore, #tpu.memory_space<semaphore_mem>>)
      %dma_wait3A_86 = arith.constant 0 : i32
      %dma_wait3A_87 = tpu.memref_slice %arg6[%arg0, %mul3A_79, %dma_wait3A_86] : memref<2x10240x128xf32, #tpu.memory_space<hbm>> -> memref<1x640x128xf32, #tpu.memory_space<hbm>>
      %dma_wait3A_88 = tpu.memref_squeeze %dma_wait3A_87 : memref<1x640x128xf32, #tpu.memory_space<hbm>> -> memref<640x128xf32, #tpu.memory_space<hbm>>
      %dma_wait3A_89 = arith.constant 0 : i32
      %dma_wait3A_90 = tpu.memref_slice %arg11[%mul3A_77, %dma_wait3A_89] : memref<10240x128xf32, #tpu.memory_space<vmem_shared>> -> memref<640x128xf32, #tpu.memory_space<vmem_shared>>
      tpu.wait_dma2 semaphore(%run_scoped3A_80 : memref<!tpu.dma_semaphore, #tpu.memory_space<semaphore_mem>>) src(%dma_wait3A_90 : memref<640x128xf32, #tpu.memory_space<vmem_shared>>) dst(%dma_wait3A_88 : memref<640x128xf32, #tpu.memory_space<hbm>>)
      tpu.yield
    }) : () -> ()
    return
  }
}

#map = affine_map<(d0, d1) -> (0, 0)>
#map1 = affine_map<(d0, d1) -> (0, 0, 0)>
module attributes {stable_mosaic.version = 14 : i64} {
  func.func @_agg_kernel(%arg0: i32, %arg1: i32, %arg2: memref<10000x128xf32, #tpu.memory_space<hbm>>, %arg3: memref<32x80x128xi32, #tpu.memory_space<hbm>>, %arg4: memref<32x80x128xi32, #tpu.memory_space<hbm>>, %arg5: memref<640x128xf32, #tpu.memory_space<hbm>>, %arg6: memref<2x10240x128xf32, #tpu.memory_space<hbm>>, %arg7: memref<40x128xi32, #tpu.memory_space<vmem>>, %arg8: memref<40x128xi32, #tpu.memory_space<vmem>>, %arg9: memref<128x128xf32, #tpu.memory_space<vmem>>, %arg10: memref<128x128xf32, #tpu.memory_space<vmem>>, %arg11: memref<10240x128xf32, #tpu.memory_space<vmem_shared>>, %arg12: memref<!tpu.dma_semaphore, #tpu.memory_space<semaphore_mem>>, %arg13: memref<!tpu.dma_semaphore, #tpu.memory_space<semaphore_mem>>, %arg14: memref<!tpu.dma_semaphore, #tpu.memory_space<semaphore_mem>>) attributes {dimension_semantics = [#tpu.dimension_semantics<core_parallel>, #tpu.dimension_semantics<subcore_parallel>], iteration_bounds = array<i64: 2, 16>, scalar_prefetch = 0 : i64, scratch_operands = 8 : i64, tpu.core_type = #tpu.core_type<sc_vector_subcore>, window_params = [{transform_indices = #map}, {transform_indices = #map1}, {transform_indices = #map1}, {transform_indices = #map}, {transform_indices = #map1}]} {
    %mul3A = arith.constant 16 : i32
    %mul3A_0 = arith.muli %arg0, %mul3A : i32
    %add3A = arith.addi %mul3A_0, %arg1 : i32
    %mul3A_1 = arith.constant 640 : i32
    %mul3A_2 = arith.muli %arg1, %mul3A_1 : i32
    %dma_start3A = arith.constant 0 : i32
    %dma_start3A_3 = tpu.memref_slice %arg11[%mul3A_2, %dma_start3A] : memref<10240x128xf32, #tpu.memory_space<vmem_shared>> -> memref<640x128xf32, #tpu.memory_space<vmem_shared>>
    tpu.enqueue_dma source(%arg5 : memref<640x128xf32, #tpu.memory_space<hbm>>) target(%dma_start3A_3 : memref<640x128xf32, #tpu.memory_space<vmem_shared>>) target_semaphore(%arg14 : memref<!tpu.dma_semaphore, #tpu.memory_space<semaphore_mem>>)
    "tpu.region"() ({
      %run_scoped3A_80 = tpu.sem_alloc : memref<!tpu.dma_semaphore, #tpu.memory_space<semaphore_mem>>
      %dma_start3A_81 = arith.constant 0 : i32
      %dma_start3A_82 = arith.constant 0 : i32
      %dma_start3A_83 = tpu.memref_slice %arg3[%add3A, %dma_start3A_81, %dma_start3A_82] : memref<32x80x128xi32, #tpu.memory_space<hbm>> -> memref<1x40x128xi32, #tpu.memory_space<hbm>>
      %dma_start3A_84 = tpu.memref_squeeze %dma_start3A_83 : memref<1x40x128xi32, #tpu.memory_space<hbm>> -> memref<40x128xi32, #tpu.memory_space<hbm>>
      %dma_start3A_85 = arith.constant 0 : i32
      %dma_start3A_86 = arith.constant 0 : i32
      %dma_start3A_87 = tpu.memref_slice %arg3[%add3A, %dma_start3A_85, %dma_start3A_86] : memref<32x80x128xi32, #tpu.memory_space<hbm>> -> memref<1x40x128xi32, #tpu.memory_space<hbm>>
      %dma_start3A_88 = tpu.memref_squeeze %dma_start3A_87 : memref<1x40x128xi32, #tpu.memory_space<hbm>> -> memref<40x128xi32, #tpu.memory_space<hbm>>
      tpu.enqueue_dma source(%dma_start3A_88 : memref<40x128xi32, #tpu.memory_space<hbm>>) target(%arg7 : memref<40x128xi32, #tpu.memory_space<vmem>>) target_semaphore(%run_scoped3A_80 : memref<!tpu.dma_semaphore, #tpu.memory_space<semaphore_mem>>)
      %dma_wait3A_89 = arith.constant 0 : i32
      %dma_wait3A_90 = arith.constant 0 : i32
      %dma_wait3A_91 = tpu.memref_slice %arg3[%add3A, %dma_wait3A_89, %dma_wait3A_90] : memref<32x80x128xi32, #tpu.memory_space<hbm>> -> memref<1x40x128xi32, #tpu.memory_space<hbm>>
      %dma_wait3A_92 = tpu.memref_squeeze %dma_wait3A_91 : memref<1x40x128xi32, #tpu.memory_space<hbm>> -> memref<40x128xi32, #tpu.memory_space<hbm>>
      %dma_wait3A_93 = arith.constant 0 : i32
      %dma_wait3A_94 = arith.constant 0 : i32
      %dma_wait3A_95 = tpu.memref_slice %arg3[%add3A, %dma_wait3A_93, %dma_wait3A_94] : memref<32x80x128xi32, #tpu.memory_space<hbm>> -> memref<1x40x128xi32, #tpu.memory_space<hbm>>
      %dma_wait3A_96 = tpu.memref_squeeze %dma_wait3A_95 : memref<1x40x128xi32, #tpu.memory_space<hbm>> -> memref<40x128xi32, #tpu.memory_space<hbm>>
      tpu.wait_dma2 semaphore(%run_scoped3A_80 : memref<!tpu.dma_semaphore, #tpu.memory_space<semaphore_mem>>) src(%dma_wait3A_96 : memref<40x128xi32, #tpu.memory_space<hbm>>) dst(%arg7 : memref<40x128xi32, #tpu.memory_space<vmem>>)
      tpu.yield
    }) : () -> ()
    "tpu.region"() ({
      %run_scoped3A_80 = tpu.sem_alloc : memref<!tpu.dma_semaphore, #tpu.memory_space<semaphore_mem>>
      %dma_start3A_81 = arith.constant 0 : i32
      %dma_start3A_82 = arith.constant 0 : i32
      %dma_start3A_83 = tpu.memref_slice %arg4[%add3A, %dma_start3A_81, %dma_start3A_82] : memref<32x80x128xi32, #tpu.memory_space<hbm>> -> memref<1x40x128xi32, #tpu.memory_space<hbm>>
      %dma_start3A_84 = tpu.memref_squeeze %dma_start3A_83 : memref<1x40x128xi32, #tpu.memory_space<hbm>> -> memref<40x128xi32, #tpu.memory_space<hbm>>
      %dma_start3A_85 = arith.constant 0 : i32
      %dma_start3A_86 = arith.constant 0 : i32
      %dma_start3A_87 = tpu.memref_slice %arg4[%add3A, %dma_start3A_85, %dma_start3A_86] : memref<32x80x128xi32, #tpu.memory_space<hbm>> -> memref<1x40x128xi32, #tpu.memory_space<hbm>>
      %dma_start3A_88 = tpu.memref_squeeze %dma_start3A_87 : memref<1x40x128xi32, #tpu.memory_space<hbm>> -> memref<40x128xi32, #tpu.memory_space<hbm>>
      tpu.enqueue_dma source(%dma_start3A_88 : memref<40x128xi32, #tpu.memory_space<hbm>>) target(%arg8 : memref<40x128xi32, #tpu.memory_space<vmem>>) target_semaphore(%run_scoped3A_80 : memref<!tpu.dma_semaphore, #tpu.memory_space<semaphore_mem>>)
      %dma_wait3A_89 = arith.constant 0 : i32
      %dma_wait3A_90 = arith.constant 0 : i32
      %dma_wait3A_91 = tpu.memref_slice %arg4[%add3A, %dma_wait3A_89, %dma_wait3A_90] : memref<32x80x128xi32, #tpu.memory_space<hbm>> -> memref<1x40x128xi32, #tpu.memory_space<hbm>>
      %dma_wait3A_92 = tpu.memref_squeeze %dma_wait3A_91 : memref<1x40x128xi32, #tpu.memory_space<hbm>> -> memref<40x128xi32, #tpu.memory_space<hbm>>
      %dma_wait3A_93 = arith.constant 0 : i32
      %dma_wait3A_94 = arith.constant 0 : i32
      %dma_wait3A_95 = tpu.memref_slice %arg4[%add3A, %dma_wait3A_93, %dma_wait3A_94] : memref<32x80x128xi32, #tpu.memory_space<hbm>> -> memref<1x40x128xi32, #tpu.memory_space<hbm>>
      %dma_wait3A_96 = tpu.memref_squeeze %dma_wait3A_95 : memref<1x40x128xi32, #tpu.memory_space<hbm>> -> memref<40x128xi32, #tpu.memory_space<hbm>>
      tpu.wait_dma2 semaphore(%run_scoped3A_80 : memref<!tpu.dma_semaphore, #tpu.memory_space<semaphore_mem>>) src(%dma_wait3A_96 : memref<40x128xi32, #tpu.memory_space<hbm>>) dst(%arg8 : memref<40x128xi32, #tpu.memory_space<vmem>>)
      tpu.yield
    }) : () -> ()
    %dma_start3A_4 = arith.constant 0 : i32
    %dma_start3A_5 = arith.constant 0 : i32
    %dma_start3A_6 = tpu.memref_slice %arg7[%dma_start3A_4, %dma_start3A_5] : memref<40x128xi32, #tpu.memory_space<vmem>> -> memref<1x128xi32, #tpu.memory_space<vmem>>
    %dma_start3A_7 = tpu.memref_squeeze %dma_start3A_6 : memref<1x128xi32, #tpu.memory_space<vmem>> -> memref<128xi32, #tpu.memory_space<vmem>>
    %dma_start3A_8 = arith.constant 0 : i32
    %dma_start3A_9 = arith.constant 0 : i32
    %dma_start3A_10 = tpu.memref_slice %arg2[%dma_start3A_8, %dma_start3A_9] : memref<10000x128xf32, #tpu.memory_space<hbm>> -> memref<10000x128xf32, #tpu.memory_space<hbm>>
    tpu.enqueue_indirect_dma source(%dma_start3A_10 : memref<10000x128xf32, #tpu.memory_space<hbm>>) target(%arg9 : memref<128x128xf32, #tpu.memory_space<vmem>>) offsets(%dma_start3A_7 : memref<128xi32, #tpu.memory_space<vmem>>) semaphore(%arg12 : memref<!tpu.dma_semaphore, #tpu.memory_space<semaphore_mem>>)
    %dma_start3A_11 = arith.constant 1 : i32
    %dma_start3A_12 = arith.constant 0 : i32
    %dma_start3A_13 = tpu.memref_slice %arg7[%dma_start3A_11, %dma_start3A_12] : memref<40x128xi32, #tpu.memory_space<vmem>> -> memref<1x128xi32, #tpu.memory_space<vmem>>
    %dma_start3A_14 = tpu.memref_squeeze %dma_start3A_13 : memref<1x128xi32, #tpu.memory_space<vmem>> -> memref<128xi32, #tpu.memory_space<vmem>>
    %dma_start3A_15 = arith.constant 0 : i32
    %dma_start3A_16 = arith.constant 0 : i32
    %dma_start3A_17 = tpu.memref_slice %arg2[%dma_start3A_15, %dma_start3A_16] : memref<10000x128xf32, #tpu.memory_space<hbm>> -> memref<10000x128xf32, #tpu.memory_space<hbm>>
    tpu.enqueue_indirect_dma source(%dma_start3A_17 : memref<10000x128xf32, #tpu.memory_space<hbm>>) target(%arg10 : memref<128x128xf32, #tpu.memory_space<vmem>>) offsets(%dma_start3A_14 : memref<128xi32, #tpu.memory_space<vmem>>) semaphore(%arg13 : memref<!tpu.dma_semaphore, #tpu.memory_space<semaphore_mem>>)
    %dma_wait3A = arith.constant 0 : i32
    %dma_wait3A_18 = tpu.memref_slice %arg11[%mul3A_2, %dma_wait3A] : memref<10240x128xf32, #tpu.memory_space<vmem_shared>> -> memref<640x128xf32, #tpu.memory_space<vmem_shared>>
    tpu.wait_dma2 semaphore(%arg14 : memref<!tpu.dma_semaphore, #tpu.memory_space<semaphore_mem>>) src(%arg5 : memref<640x128xf32, #tpu.memory_space<hbm>>) dst(%dma_wait3A_18 : memref<640x128xf32, #tpu.memory_space<vmem_shared>>)
    %barrier3A = arith.constant 0 : index
    tpu.barrier barrier_id(%barrier3A)
    %scan3A = arith.constant 0 : i32
    %scan3A_19 = arith.constant 0 : i32
    %scan3A_20 = arith.constant 19 : i32
    %scan3A_21 = arith.addi %scan3A_19, %scan3A_20 : i32
    %scan3A_22 = arith.constant 1 : i32
    scf.for %scan3A_80 = %scan3A_19 to %scan3A_21 step %scan3A_22  : i32 {
      %mul3A_81 = arith.constant 2 : i32
      %mul3A_82 = arith.muli %scan3A_80, %mul3A_81 : i32
      %dma_wait3A_83 = arith.constant 0 : i32
      %dma_wait3A_84 = tpu.memref_slice %arg7[%mul3A_82, %dma_wait3A_83] : memref<40x128xi32, #tpu.memory_space<vmem>> -> memref<1x128xi32, #tpu.memory_space<vmem>>
      %dma_wait3A_85 = tpu.memref_squeeze %dma_wait3A_84 : memref<1x128xi32, #tpu.memory_space<vmem>> -> memref<128xi32, #tpu.memory_space<vmem>>
      %dma_wait3A_86 = arith.constant 0 : i32
      %dma_wait3A_87 = arith.constant 0 : i32
      %dma_wait3A_88 = tpu.memref_slice %arg2[%dma_wait3A_86, %dma_wait3A_87] : memref<10000x128xf32, #tpu.memory_space<hbm>> -> memref<10000x128xf32, #tpu.memory_space<hbm>>
      tpu.wait_indirect_dma semaphore(%arg12 : memref<!tpu.dma_semaphore, #tpu.memory_space<semaphore_mem>>) src(%dma_wait3A_88 : memref<10000x128xf32, #tpu.memory_space<hbm>>) dst(%arg9 : memref<128x128xf32, #tpu.memory_space<vmem>>)
      "tpu.region"() ({
        %run_scoped3A_113 = tpu.sem_alloc : memref<!tpu.dma_semaphore, #tpu.memory_space<semaphore_mem>>
        %dma_start3A_114 = arith.constant 0 : i32
        %dma_start3A_115 = tpu.memref_slice %arg8[%mul3A_82, %dma_start3A_114] : memref<40x128xi32, #tpu.memory_space<vmem>> -> memref<1x128xi32, #tpu.memory_space<vmem>>
        %dma_start3A_116 = tpu.memref_squeeze %dma_start3A_115 : memref<1x128xi32, #tpu.memory_space<vmem>> -> memref<128xi32, #tpu.memory_space<vmem>>
        %dma_start3A_117 = arith.constant 0 : i32
        %dma_start3A_118 = arith.constant 0 : i32
        %dma_start3A_119 = tpu.memref_slice %arg11[%dma_start3A_117, %dma_start3A_118] : memref<10240x128xf32, #tpu.memory_space<vmem_shared>> -> memref<10240x128xf32, #tpu.memory_space<vmem_shared>>
        tpu.enqueue_indirect_dma source(%arg9 : memref<128x128xf32, #tpu.memory_space<vmem>>) target(%dma_start3A_119 : memref<10240x128xf32, #tpu.memory_space<vmem_shared>>) offsets(%dma_start3A_116 : memref<128xi32, #tpu.memory_space<vmem>>) semaphore(%run_scoped3A_113 : memref<!tpu.dma_semaphore, #tpu.memory_space<semaphore_mem>>) {add = true}
        %dma_wait3A_120 = arith.constant 0 : i32
        %dma_wait3A_121 = tpu.memref_slice %arg8[%mul3A_82, %dma_wait3A_120] : memref<40x128xi32, #tpu.memory_space<vmem>> -> memref<1x128xi32, #tpu.memory_space<vmem>>
        %dma_wait3A_122 = tpu.memref_squeeze %dma_wait3A_121 : memref<1x128xi32, #tpu.memory_space<vmem>> -> memref<128xi32, #tpu.memory_space<vmem>>
        %dma_wait3A_123 = arith.constant 0 : i32
        %dma_wait3A_124 = arith.constant 0 : i32
        %dma_wait3A_125 = tpu.memref_slice %arg11[%dma_wait3A_123, %dma_wait3A_124] : memref<10240x128xf32, #tpu.memory_space<vmem_shared>> -> memref<10240x128xf32, #tpu.memory_space<vmem_shared>>
        tpu.wait_indirect_dma semaphore(%run_scoped3A_113 : memref<!tpu.dma_semaphore, #tpu.memory_space<semaphore_mem>>) src(%arg9 : memref<128x128xf32, #tpu.memory_space<vmem>>) dst(%dma_wait3A_125 : memref<10240x128xf32, #tpu.memory_space<vmem_shared>>)
        tpu.yield
      }) : () -> ()
      %add3A_89 = arith.constant 2 : i32
      %add3A_90 = arith.addi %mul3A_82, %add3A_89 : i32
      %dma_start3A_91 = arith.constant 0 : i32
      %dma_start3A_92 = tpu.memref_slice %arg7[%add3A_90, %dma_start3A_91] : memref<40x128xi32, #tpu.memory_space<vmem>> -> memref<1x128xi32, #tpu.memory_space<vmem>>
      %dma_start3A_93 = tpu.memref_squeeze %dma_start3A_92 : memref<1x128xi32, #tpu.memory_space<vmem>> -> memref<128xi32, #tpu.memory_space<vmem>>
      %dma_start3A_94 = arith.constant 0 : i32
      %dma_start3A_95 = arith.constant 0 : i32
      %dma_start3A_96 = tpu.memref_slice %arg2[%dma_start3A_94, %dma_start3A_95] : memref<10000x128xf32, #tpu.memory_space<hbm>> -> memref<10000x128xf32, #tpu.memory_space<hbm>>
      tpu.enqueue_indirect_dma source(%dma_start3A_96 : memref<10000x128xf32, #tpu.memory_space<hbm>>) target(%arg9 : memref<128x128xf32, #tpu.memory_space<vmem>>) offsets(%dma_start3A_93 : memref<128xi32, #tpu.memory_space<vmem>>) semaphore(%arg12 : memref<!tpu.dma_semaphore, #tpu.memory_space<semaphore_mem>>)
      %dma_wait3A_97 = arith.constant 0 : i32
      %dma_wait3A_98 = tpu.memref_slice %arg7[%mul3A_82, %dma_wait3A_97] : memref<40x128xi32, #tpu.memory_space<vmem>> -> memref<1x128xi32, #tpu.memory_space<vmem>>
      %dma_wait3A_99 = tpu.memref_squeeze %dma_wait3A_98 : memref<1x128xi32, #tpu.memory_space<vmem>> -> memref<128xi32, #tpu.memory_space<vmem>>
      %dma_wait3A_100 = arith.constant 0 : i32
      %dma_wait3A_101 = arith.constant 0 : i32
      %dma_wait3A_102 = tpu.memref_slice %arg2[%dma_wait3A_100, %dma_wait3A_101] : memref<10000x128xf32, #tpu.memory_space<hbm>> -> memref<10000x128xf32, #tpu.memory_space<hbm>>
      tpu.wait_indirect_dma semaphore(%arg13 : memref<!tpu.dma_semaphore, #tpu.memory_space<semaphore_mem>>) src(%dma_wait3A_102 : memref<10000x128xf32, #tpu.memory_space<hbm>>) dst(%arg10 : memref<128x128xf32, #tpu.memory_space<vmem>>)
      %add3A_103 = arith.constant 1 : i32
      %add3A_104 = arith.addi %mul3A_82, %add3A_103 : i32
      "tpu.region"() ({
        %run_scoped3A_113 = tpu.sem_alloc : memref<!tpu.dma_semaphore, #tpu.memory_space<semaphore_mem>>
        %dma_start3A_114 = arith.constant 0 : i32
        %dma_start3A_115 = tpu.memref_slice %arg8[%add3A_104, %dma_start3A_114] : memref<40x128xi32, #tpu.memory_space<vmem>> -> memref<1x128xi32, #tpu.memory_space<vmem>>
        %dma_start3A_116 = tpu.memref_squeeze %dma_start3A_115 : memref<1x128xi32, #tpu.memory_space<vmem>> -> memref<128xi32, #tpu.memory_space<vmem>>
        %dma_start3A_117 = arith.constant 0 : i32
        %dma_start3A_118 = arith.constant 0 : i32
        %dma_start3A_119 = tpu.memref_slice %arg11[%dma_start3A_117, %dma_start3A_118] : memref<10240x128xf32, #tpu.memory_space<vmem_shared>> -> memref<10240x128xf32, #tpu.memory_space<vmem_shared>>
        tpu.enqueue_indirect_dma source(%arg10 : memref<128x128xf32, #tpu.memory_space<vmem>>) target(%dma_start3A_119 : memref<10240x128xf32, #tpu.memory_space<vmem_shared>>) offsets(%dma_start3A_116 : memref<128xi32, #tpu.memory_space<vmem>>) semaphore(%run_scoped3A_113 : memref<!tpu.dma_semaphore, #tpu.memory_space<semaphore_mem>>) {add = true}
        %dma_wait3A_120 = arith.constant 0 : i32
        %dma_wait3A_121 = tpu.memref_slice %arg8[%add3A_104, %dma_wait3A_120] : memref<40x128xi32, #tpu.memory_space<vmem>> -> memref<1x128xi32, #tpu.memory_space<vmem>>
        %dma_wait3A_122 = tpu.memref_squeeze %dma_wait3A_121 : memref<1x128xi32, #tpu.memory_space<vmem>> -> memref<128xi32, #tpu.memory_space<vmem>>
        %dma_wait3A_123 = arith.constant 0 : i32
        %dma_wait3A_124 = arith.constant 0 : i32
        %dma_wait3A_125 = tpu.memref_slice %arg11[%dma_wait3A_123, %dma_wait3A_124] : memref<10240x128xf32, #tpu.memory_space<vmem_shared>> -> memref<10240x128xf32, #tpu.memory_space<vmem_shared>>
        tpu.wait_indirect_dma semaphore(%run_scoped3A_113 : memref<!tpu.dma_semaphore, #tpu.memory_space<semaphore_mem>>) src(%arg10 : memref<128x128xf32, #tpu.memory_space<vmem>>) dst(%dma_wait3A_125 : memref<10240x128xf32, #tpu.memory_space<vmem_shared>>)
        tpu.yield
      }) : () -> ()
      %add3A_105 = arith.constant 3 : i32
      %add3A_106 = arith.addi %mul3A_82, %add3A_105 : i32
      %dma_start3A_107 = arith.constant 0 : i32
      %dma_start3A_108 = tpu.memref_slice %arg7[%add3A_106, %dma_start3A_107] : memref<40x128xi32, #tpu.memory_space<vmem>> -> memref<1x128xi32, #tpu.memory_space<vmem>>
      %dma_start3A_109 = tpu.memref_squeeze %dma_start3A_108 : memref<1x128xi32, #tpu.memory_space<vmem>> -> memref<128xi32, #tpu.memory_space<vmem>>
      %dma_start3A_110 = arith.constant 0 : i32
      %dma_start3A_111 = arith.constant 0 : i32
      %dma_start3A_112 = tpu.memref_slice %arg2[%dma_start3A_110, %dma_start3A_111] : memref<10000x128xf32, #tpu.memory_space<hbm>> -> memref<10000x128xf32, #tpu.memory_space<hbm>>
      tpu.enqueue_indirect_dma source(%dma_start3A_112 : memref<10000x128xf32, #tpu.memory_space<hbm>>) target(%arg10 : memref<128x128xf32, #tpu.memory_space<vmem>>) offsets(%dma_start3A_109 : memref<128xi32, #tpu.memory_space<vmem>>) semaphore(%arg13 : memref<!tpu.dma_semaphore, #tpu.memory_space<semaphore_mem>>)
    }
    %scan3A_23 = arith.constant 19 : i32
    %dma_wait3A_24 = arith.constant 0 : i32
    %dma_wait3A_25 = arith.constant 0 : i32
    %dma_wait3A_26 = tpu.memref_slice %arg7[%dma_wait3A_24, %dma_wait3A_25] : memref<40x128xi32, #tpu.memory_space<vmem>> -> memref<1x128xi32, #tpu.memory_space<vmem>>
    %dma_wait3A_27 = tpu.memref_squeeze %dma_wait3A_26 : memref<1x128xi32, #tpu.memory_space<vmem>> -> memref<128xi32, #tpu.memory_space<vmem>>
    %dma_wait3A_28 = arith.constant 0 : i32
    %dma_wait3A_29 = arith.constant 0 : i32
    %dma_wait3A_30 = tpu.memref_slice %arg2[%dma_wait3A_28, %dma_wait3A_29] : memref<10000x128xf32, #tpu.memory_space<hbm>> -> memref<10000x128xf32, #tpu.memory_space<hbm>>
    tpu.wait_indirect_dma semaphore(%arg12 : memref<!tpu.dma_semaphore, #tpu.memory_space<semaphore_mem>>) src(%dma_wait3A_30 : memref<10000x128xf32, #tpu.memory_space<hbm>>) dst(%arg9 : memref<128x128xf32, #tpu.memory_space<vmem>>)
    %run_scoped3A = arith.constant 38 : i32
    "tpu.region"() ({
      %run_scoped3A_80 = tpu.sem_alloc : memref<!tpu.dma_semaphore, #tpu.memory_space<semaphore_mem>>
      %dma_start3A_81 = arith.constant 0 : i32
      %dma_start3A_82 = tpu.memref_slice %arg8[%run_scoped3A, %dma_start3A_81] : memref<40x128xi32, #tpu.memory_space<vmem>> -> memref<1x128xi32, #tpu.memory_space<vmem>>
      %dma_start3A_83 = tpu.memref_squeeze %dma_start3A_82 : memref<1x128xi32, #tpu.memory_space<vmem>> -> memref<128xi32, #tpu.memory_space<vmem>>
      %dma_start3A_84 = arith.constant 0 : i32
      %dma_start3A_85 = arith.constant 0 : i32
      %dma_start3A_86 = tpu.memref_slice %arg11[%dma_start3A_84, %dma_start3A_85] : memref<10240x128xf32, #tpu.memory_space<vmem_shared>> -> memref<10240x128xf32, #tpu.memory_space<vmem_shared>>
      tpu.enqueue_indirect_dma source(%arg9 : memref<128x128xf32, #tpu.memory_space<vmem>>) target(%dma_start3A_86 : memref<10240x128xf32, #tpu.memory_space<vmem_shared>>) offsets(%dma_start3A_83 : memref<128xi32, #tpu.memory_space<vmem>>) semaphore(%run_scoped3A_80 : memref<!tpu.dma_semaphore, #tpu.memory_space<semaphore_mem>>) {add = true}
      %dma_wait3A_87 = arith.constant 0 : i32
      %dma_wait3A_88 = tpu.memref_slice %arg8[%run_scoped3A, %dma_wait3A_87] : memref<40x128xi32, #tpu.memory_space<vmem>> -> memref<1x128xi32, #tpu.memory_space<vmem>>
      %dma_wait3A_89 = tpu.memref_squeeze %dma_wait3A_88 : memref<1x128xi32, #tpu.memory_space<vmem>> -> memref<128xi32, #tpu.memory_space<vmem>>
      %dma_wait3A_90 = arith.constant 0 : i32
      %dma_wait3A_91 = arith.constant 0 : i32
      %dma_wait3A_92 = tpu.memref_slice %arg11[%dma_wait3A_90, %dma_wait3A_91] : memref<10240x128xf32, #tpu.memory_space<vmem_shared>> -> memref<10240x128xf32, #tpu.memory_space<vmem_shared>>
      tpu.wait_indirect_dma semaphore(%run_scoped3A_80 : memref<!tpu.dma_semaphore, #tpu.memory_space<semaphore_mem>>) src(%arg9 : memref<128x128xf32, #tpu.memory_space<vmem>>) dst(%dma_wait3A_92 : memref<10240x128xf32, #tpu.memory_space<vmem_shared>>)
      tpu.yield
    }) : () -> ()
    %dma_wait3A_31 = arith.constant 0 : i32
    %dma_wait3A_32 = arith.constant 0 : i32
    %dma_wait3A_33 = tpu.memref_slice %arg7[%dma_wait3A_31, %dma_wait3A_32] : memref<40x128xi32, #tpu.memory_space<vmem>> -> memref<1x128xi32, #tpu.memory_space<vmem>>
    %dma_wait3A_34 = tpu.memref_squeeze %dma_wait3A_33 : memref<1x128xi32, #tpu.memory_space<vmem>> -> memref<128xi32, #tpu.memory_space<vmem>>
    %dma_wait3A_35 = arith.constant 0 : i32
    %dma_wait3A_36 = arith.constant 0 : i32
    %dma_wait3A_37 = tpu.memref_slice %arg2[%dma_wait3A_35, %dma_wait3A_36] : memref<10000x128xf32, #tpu.memory_space<hbm>> -> memref<10000x128xf32, #tpu.memory_space<hbm>>
    tpu.wait_indirect_dma semaphore(%arg13 : memref<!tpu.dma_semaphore, #tpu.memory_space<semaphore_mem>>) src(%dma_wait3A_37 : memref<10000x128xf32, #tpu.memory_space<hbm>>) dst(%arg10 : memref<128x128xf32, #tpu.memory_space<vmem>>)
    %run_scoped3A_38 = arith.constant 39 : i32
    "tpu.region"() ({
      %run_scoped3A_80 = tpu.sem_alloc : memref<!tpu.dma_semaphore, #tpu.memory_space<semaphore_mem>>
      %dma_start3A_81 = arith.constant 0 : i32
      %dma_start3A_82 = tpu.memref_slice %arg8[%run_scoped3A_38, %dma_start3A_81] : memref<40x128xi32, #tpu.memory_space<vmem>> -> memref<1x128xi32, #tpu.memory_space<vmem>>
      %dma_start3A_83 = tpu.memref_squeeze %dma_start3A_82 : memref<1x128xi32, #tpu.memory_space<vmem>> -> memref<128xi32, #tpu.memory_space<vmem>>
      %dma_start3A_84 = arith.constant 0 : i32
      %dma_start3A_85 = arith.constant 0 : i32
      %dma_start3A_86 = tpu.memref_slice %arg11[%dma_start3A_84, %dma_start3A_85] : memref<10240x128xf32, #tpu.memory_space<vmem_shared>> -> memref<10240x128xf32, #tpu.memory_space<vmem_shared>>
      tpu.enqueue_indirect_dma source(%arg10 : memref<128x128xf32, #tpu.memory_space<vmem>>) target(%dma_start3A_86 : memref<10240x128xf32, #tpu.memory_space<vmem_shared>>) offsets(%dma_start3A_83 : memref<128xi32, #tpu.memory_space<vmem>>) semaphore(%run_scoped3A_80 : memref<!tpu.dma_semaphore, #tpu.memory_space<semaphore_mem>>) {add = true}
      %dma_wait3A_87 = arith.constant 0 : i32
      %dma_wait3A_88 = tpu.memref_slice %arg8[%run_scoped3A_38, %dma_wait3A_87] : memref<40x128xi32, #tpu.memory_space<vmem>> -> memref<1x128xi32, #tpu.memory_space<vmem>>
      %dma_wait3A_89 = tpu.memref_squeeze %dma_wait3A_88 : memref<1x128xi32, #tpu.memory_space<vmem>> -> memref<128xi32, #tpu.memory_space<vmem>>
      %dma_wait3A_90 = arith.constant 0 : i32
      %dma_wait3A_91 = arith.constant 0 : i32
      %dma_wait3A_92 = tpu.memref_slice %arg11[%dma_wait3A_90, %dma_wait3A_91] : memref<10240x128xf32, #tpu.memory_space<vmem_shared>> -> memref<10240x128xf32, #tpu.memory_space<vmem_shared>>
      tpu.wait_indirect_dma semaphore(%run_scoped3A_80 : memref<!tpu.dma_semaphore, #tpu.memory_space<semaphore_mem>>) src(%arg10 : memref<128x128xf32, #tpu.memory_space<vmem>>) dst(%dma_wait3A_92 : memref<10240x128xf32, #tpu.memory_space<vmem_shared>>)
      tpu.yield
    }) : () -> ()
    "tpu.region"() ({
      %run_scoped3A_80 = tpu.sem_alloc : memref<!tpu.dma_semaphore, #tpu.memory_space<semaphore_mem>>
      %dma_start3A_81 = arith.constant 40 : i32
      %dma_start3A_82 = arith.constant 0 : i32
      %dma_start3A_83 = tpu.memref_slice %arg3[%add3A, %dma_start3A_81, %dma_start3A_82] : memref<32x80x128xi32, #tpu.memory_space<hbm>> -> memref<1x40x128xi32, #tpu.memory_space<hbm>>
      %dma_start3A_84 = tpu.memref_squeeze %dma_start3A_83 : memref<1x40x128xi32, #tpu.memory_space<hbm>> -> memref<40x128xi32, #tpu.memory_space<hbm>>
      %dma_start3A_85 = arith.constant 40 : i32
      %dma_start3A_86 = arith.constant 0 : i32
      %dma_start3A_87 = tpu.memref_slice %arg3[%add3A, %dma_start3A_85, %dma_start3A_86] : memref<32x80x128xi32, #tpu.memory_space<hbm>> -> memref<1x40x128xi32, #tpu.memory_space<hbm>>
      %dma_start3A_88 = tpu.memref_squeeze %dma_start3A_87 : memref<1x40x128xi32, #tpu.memory_space<hbm>> -> memref<40x128xi32, #tpu.memory_space<hbm>>
      tpu.enqueue_dma source(%dma_start3A_88 : memref<40x128xi32, #tpu.memory_space<hbm>>) target(%arg7 : memref<40x128xi32, #tpu.memory_space<vmem>>) target_semaphore(%run_scoped3A_80 : memref<!tpu.dma_semaphore, #tpu.memory_space<semaphore_mem>>)
      %dma_wait3A_89 = arith.constant 40 : i32
      %dma_wait3A_90 = arith.constant 0 : i32
      %dma_wait3A_91 = tpu.memref_slice %arg3[%add3A, %dma_wait3A_89, %dma_wait3A_90] : memref<32x80x128xi32, #tpu.memory_space<hbm>> -> memref<1x40x128xi32, #tpu.memory_space<hbm>>
      %dma_wait3A_92 = tpu.memref_squeeze %dma_wait3A_91 : memref<1x40x128xi32, #tpu.memory_space<hbm>> -> memref<40x128xi32, #tpu.memory_space<hbm>>
      %dma_wait3A_93 = arith.constant 40 : i32
      %dma_wait3A_94 = arith.constant 0 : i32
      %dma_wait3A_95 = tpu.memref_slice %arg3[%add3A, %dma_wait3A_93, %dma_wait3A_94] : memref<32x80x128xi32, #tpu.memory_space<hbm>> -> memref<1x40x128xi32, #tpu.memory_space<hbm>>
      %dma_wait3A_96 = tpu.memref_squeeze %dma_wait3A_95 : memref<1x40x128xi32, #tpu.memory_space<hbm>> -> memref<40x128xi32, #tpu.memory_space<hbm>>
      tpu.wait_dma2 semaphore(%run_scoped3A_80 : memref<!tpu.dma_semaphore, #tpu.memory_space<semaphore_mem>>) src(%dma_wait3A_96 : memref<40x128xi32, #tpu.memory_space<hbm>>) dst(%arg7 : memref<40x128xi32, #tpu.memory_space<vmem>>)
      tpu.yield
    }) : () -> ()
    "tpu.region"() ({
      %run_scoped3A_80 = tpu.sem_alloc : memref<!tpu.dma_semaphore, #tpu.memory_space<semaphore_mem>>
      %dma_start3A_81 = arith.constant 40 : i32
      %dma_start3A_82 = arith.constant 0 : i32
      %dma_start3A_83 = tpu.memref_slice %arg4[%add3A, %dma_start3A_81, %dma_start3A_82] : memref<32x80x128xi32, #tpu.memory_space<hbm>> -> memref<1x40x128xi32, #tpu.memory_space<hbm>>
      %dma_start3A_84 = tpu.memref_squeeze %dma_start3A_83 : memref<1x40x128xi32, #tpu.memory_space<hbm>> -> memref<40x128xi32, #tpu.memory_space<hbm>>
      %dma_start3A_85 = arith.constant 40 : i32
      %dma_start3A_86 = arith.constant 0 : i32
      %dma_start3A_87 = tpu.memref_slice %arg4[%add3A, %dma_start3A_85, %dma_start3A_86] : memref<32x80x128xi32, #tpu.memory_space<hbm>> -> memref<1x40x128xi32, #tpu.memory_space<hbm>>
      %dma_start3A_88 = tpu.memref_squeeze %dma_start3A_87 : memref<1x40x128xi32, #tpu.memory_space<hbm>> -> memref<40x128xi32, #tpu.memory_space<hbm>>
      tpu.enqueue_dma source(%dma_start3A_88 : memref<40x128xi32, #tpu.memory_space<hbm>>) target(%arg8 : memref<40x128xi32, #tpu.memory_space<vmem>>) target_semaphore(%run_scoped3A_80 : memref<!tpu.dma_semaphore, #tpu.memory_space<semaphore_mem>>)
      %dma_wait3A_89 = arith.constant 40 : i32
      %dma_wait3A_90 = arith.constant 0 : i32
      %dma_wait3A_91 = tpu.memref_slice %arg4[%add3A, %dma_wait3A_89, %dma_wait3A_90] : memref<32x80x128xi32, #tpu.memory_space<hbm>> -> memref<1x40x128xi32, #tpu.memory_space<hbm>>
      %dma_wait3A_92 = tpu.memref_squeeze %dma_wait3A_91 : memref<1x40x128xi32, #tpu.memory_space<hbm>> -> memref<40x128xi32, #tpu.memory_space<hbm>>
      %dma_wait3A_93 = arith.constant 40 : i32
      %dma_wait3A_94 = arith.constant 0 : i32
      %dma_wait3A_95 = tpu.memref_slice %arg4[%add3A, %dma_wait3A_93, %dma_wait3A_94] : memref<32x80x128xi32, #tpu.memory_space<hbm>> -> memref<1x40x128xi32, #tpu.memory_space<hbm>>
      %dma_wait3A_96 = tpu.memref_squeeze %dma_wait3A_95 : memref<1x40x128xi32, #tpu.memory_space<hbm>> -> memref<40x128xi32, #tpu.memory_space<hbm>>
      tpu.wait_dma2 semaphore(%run_scoped3A_80 : memref<!tpu.dma_semaphore, #tpu.memory_space<semaphore_mem>>) src(%dma_wait3A_96 : memref<40x128xi32, #tpu.memory_space<hbm>>) dst(%arg8 : memref<40x128xi32, #tpu.memory_space<vmem>>)
      tpu.yield
    }) : () -> ()
    %dma_start3A_39 = arith.constant 0 : i32
    %dma_start3A_40 = arith.constant 0 : i32
    %dma_start3A_41 = tpu.memref_slice %arg7[%dma_start3A_39, %dma_start3A_40] : memref<40x128xi32, #tpu.memory_space<vmem>> -> memref<1x128xi32, #tpu.memory_space<vmem>>
    %dma_start3A_42 = tpu.memref_squeeze %dma_start3A_41 : memref<1x128xi32, #tpu.memory_space<vmem>> -> memref<128xi32, #tpu.memory_space<vmem>>
    %dma_start3A_43 = arith.constant 0 : i32
    %dma_start3A_44 = arith.constant 0 : i32
    %dma_start3A_45 = tpu.memref_slice %arg2[%dma_start3A_43, %dma_start3A_44] : memref<10000x128xf32, #tpu.memory_space<hbm>> -> memref<10000x128xf32, #tpu.memory_space<hbm>>
    tpu.enqueue_indirect_dma source(%dma_start3A_45 : memref<10000x128xf32, #tpu.memory_space<hbm>>) target(%arg9 : memref<128x128xf32, #tpu.memory_space<vmem>>) offsets(%dma_start3A_42 : memref<128xi32, #tpu.memory_space<vmem>>) semaphore(%arg12 : memref<!tpu.dma_semaphore, #tpu.memory_space<semaphore_mem>>)
    %dma_start3A_46 = arith.constant 1 : i32
    %dma_start3A_47 = arith.constant 0 : i32
    %dma_start3A_48 = tpu.memref_slice %arg7[%dma_start3A_46, %dma_start3A_47] : memref<40x128xi32, #tpu.memory_space<vmem>> -> memref<1x128xi32, #tpu.memory_space<vmem>>
    %dma_start3A_49 = tpu.memref_squeeze %dma_start3A_48 : memref<1x128xi32, #tpu.memory_space<vmem>> -> memref<128xi32, #tpu.memory_space<vmem>>
    %dma_start3A_50 = arith.constant 0 : i32
    %dma_start3A_51 = arith.constant 0 : i32
    %dma_start3A_52 = tpu.memref_slice %arg2[%dma_start3A_50, %dma_start3A_51] : memref<10000x128xf32, #tpu.memory_space<hbm>> -> memref<10000x128xf32, #tpu.memory_space<hbm>>
    tpu.enqueue_indirect_dma source(%dma_start3A_52 : memref<10000x128xf32, #tpu.memory_space<hbm>>) target(%arg10 : memref<128x128xf32, #tpu.memory_space<vmem>>) offsets(%dma_start3A_49 : memref<128xi32, #tpu.memory_space<vmem>>) semaphore(%arg13 : memref<!tpu.dma_semaphore, #tpu.memory_space<semaphore_mem>>)
    %scan3A_53 = arith.constant 0 : i32
    %scan3A_54 = arith.constant 0 : i32
    %scan3A_55 = arith.constant 19 : i32
    %scan3A_56 = arith.addi %scan3A_54, %scan3A_55 : i32
    %scan3A_57 = arith.constant 1 : i32
    scf.for %scan3A_80 = %scan3A_54 to %scan3A_56 step %scan3A_57  : i32 {
      %mul3A_81 = arith.constant 2 : i32
      %mul3A_82 = arith.muli %scan3A_80, %mul3A_81 : i32
      %dma_wait3A_83 = arith.constant 0 : i32
      %dma_wait3A_84 = tpu.memref_slice %arg7[%mul3A_82, %dma_wait3A_83] : memref<40x128xi32, #tpu.memory_space<vmem>> -> memref<1x128xi32, #tpu.memory_space<vmem>>
      %dma_wait3A_85 = tpu.memref_squeeze %dma_wait3A_84 : memref<1x128xi32, #tpu.memory_space<vmem>> -> memref<128xi32, #tpu.memory_space<vmem>>
      %dma_wait3A_86 = arith.constant 0 : i32
      %dma_wait3A_87 = arith.constant 0 : i32
      %dma_wait3A_88 = tpu.memref_slice %arg2[%dma_wait3A_86, %dma_wait3A_87] : memref<10000x128xf32, #tpu.memory_space<hbm>> -> memref<10000x128xf32, #tpu.memory_space<hbm>>
      tpu.wait_indirect_dma semaphore(%arg12 : memref<!tpu.dma_semaphore, #tpu.memory_space<semaphore_mem>>) src(%dma_wait3A_88 : memref<10000x128xf32, #tpu.memory_space<hbm>>) dst(%arg9 : memref<128x128xf32, #tpu.memory_space<vmem>>)
      "tpu.region"() ({
        %run_scoped3A_113 = tpu.sem_alloc : memref<!tpu.dma_semaphore, #tpu.memory_space<semaphore_mem>>
        %dma_start3A_114 = arith.constant 0 : i32
        %dma_start3A_115 = tpu.memref_slice %arg8[%mul3A_82, %dma_start3A_114] : memref<40x128xi32, #tpu.memory_space<vmem>> -> memref<1x128xi32, #tpu.memory_space<vmem>>
        %dma_start3A_116 = tpu.memref_squeeze %dma_start3A_115 : memref<1x128xi32, #tpu.memory_space<vmem>> -> memref<128xi32, #tpu.memory_space<vmem>>
        %dma_start3A_117 = arith.constant 0 : i32
        %dma_start3A_118 = arith.constant 0 : i32
        %dma_start3A_119 = tpu.memref_slice %arg11[%dma_start3A_117, %dma_start3A_118] : memref<10240x128xf32, #tpu.memory_space<vmem_shared>> -> memref<10240x128xf32, #tpu.memory_space<vmem_shared>>
        tpu.enqueue_indirect_dma source(%arg9 : memref<128x128xf32, #tpu.memory_space<vmem>>) target(%dma_start3A_119 : memref<10240x128xf32, #tpu.memory_space<vmem_shared>>) offsets(%dma_start3A_116 : memref<128xi32, #tpu.memory_space<vmem>>) semaphore(%run_scoped3A_113 : memref<!tpu.dma_semaphore, #tpu.memory_space<semaphore_mem>>) {add = true}
        %dma_wait3A_120 = arith.constant 0 : i32
        %dma_wait3A_121 = tpu.memref_slice %arg8[%mul3A_82, %dma_wait3A_120] : memref<40x128xi32, #tpu.memory_space<vmem>> -> memref<1x128xi32, #tpu.memory_space<vmem>>
        %dma_wait3A_122 = tpu.memref_squeeze %dma_wait3A_121 : memref<1x128xi32, #tpu.memory_space<vmem>> -> memref<128xi32, #tpu.memory_space<vmem>>
        %dma_wait3A_123 = arith.constant 0 : i32
        %dma_wait3A_124 = arith.constant 0 : i32
        %dma_wait3A_125 = tpu.memref_slice %arg11[%dma_wait3A_123, %dma_wait3A_124] : memref<10240x128xf32, #tpu.memory_space<vmem_shared>> -> memref<10240x128xf32, #tpu.memory_space<vmem_shared>>
        tpu.wait_indirect_dma semaphore(%run_scoped3A_113 : memref<!tpu.dma_semaphore, #tpu.memory_space<semaphore_mem>>) src(%arg9 : memref<128x128xf32, #tpu.memory_space<vmem>>) dst(%dma_wait3A_125 : memref<10240x128xf32, #tpu.memory_space<vmem_shared>>)
        tpu.yield
      }) : () -> ()
      %add3A_89 = arith.constant 2 : i32
      %add3A_90 = arith.addi %mul3A_82, %add3A_89 : i32
      %dma_start3A_91 = arith.constant 0 : i32
      %dma_start3A_92 = tpu.memref_slice %arg7[%add3A_90, %dma_start3A_91] : memref<40x128xi32, #tpu.memory_space<vmem>> -> memref<1x128xi32, #tpu.memory_space<vmem>>
      %dma_start3A_93 = tpu.memref_squeeze %dma_start3A_92 : memref<1x128xi32, #tpu.memory_space<vmem>> -> memref<128xi32, #tpu.memory_space<vmem>>
      %dma_start3A_94 = arith.constant 0 : i32
      %dma_start3A_95 = arith.constant 0 : i32
      %dma_start3A_96 = tpu.memref_slice %arg2[%dma_start3A_94, %dma_start3A_95] : memref<10000x128xf32, #tpu.memory_space<hbm>> -> memref<10000x128xf32, #tpu.memory_space<hbm>>
      tpu.enqueue_indirect_dma source(%dma_start3A_96 : memref<10000x128xf32, #tpu.memory_space<hbm>>) target(%arg9 : memref<128x128xf32, #tpu.memory_space<vmem>>) offsets(%dma_start3A_93 : memref<128xi32, #tpu.memory_space<vmem>>) semaphore(%arg12 : memref<!tpu.dma_semaphore, #tpu.memory_space<semaphore_mem>>)
      %dma_wait3A_97 = arith.constant 0 : i32
      %dma_wait3A_98 = tpu.memref_slice %arg7[%mul3A_82, %dma_wait3A_97] : memref<40x128xi32, #tpu.memory_space<vmem>> -> memref<1x128xi32, #tpu.memory_space<vmem>>
      %dma_wait3A_99 = tpu.memref_squeeze %dma_wait3A_98 : memref<1x128xi32, #tpu.memory_space<vmem>> -> memref<128xi32, #tpu.memory_space<vmem>>
      %dma_wait3A_100 = arith.constant 0 : i32
      %dma_wait3A_101 = arith.constant 0 : i32
      %dma_wait3A_102 = tpu.memref_slice %arg2[%dma_wait3A_100, %dma_wait3A_101] : memref<10000x128xf32, #tpu.memory_space<hbm>> -> memref<10000x128xf32, #tpu.memory_space<hbm>>
      tpu.wait_indirect_dma semaphore(%arg13 : memref<!tpu.dma_semaphore, #tpu.memory_space<semaphore_mem>>) src(%dma_wait3A_102 : memref<10000x128xf32, #tpu.memory_space<hbm>>) dst(%arg10 : memref<128x128xf32, #tpu.memory_space<vmem>>)
      %add3A_103 = arith.constant 1 : i32
      %add3A_104 = arith.addi %mul3A_82, %add3A_103 : i32
      "tpu.region"() ({
        %run_scoped3A_113 = tpu.sem_alloc : memref<!tpu.dma_semaphore, #tpu.memory_space<semaphore_mem>>
        %dma_start3A_114 = arith.constant 0 : i32
        %dma_start3A_115 = tpu.memref_slice %arg8[%add3A_104, %dma_start3A_114] : memref<40x128xi32, #tpu.memory_space<vmem>> -> memref<1x128xi32, #tpu.memory_space<vmem>>
        %dma_start3A_116 = tpu.memref_squeeze %dma_start3A_115 : memref<1x128xi32, #tpu.memory_space<vmem>> -> memref<128xi32, #tpu.memory_space<vmem>>
        %dma_start3A_117 = arith.constant 0 : i32
        %dma_start3A_118 = arith.constant 0 : i32
        %dma_start3A_119 = tpu.memref_slice %arg11[%dma_start3A_117, %dma_start3A_118] : memref<10240x128xf32, #tpu.memory_space<vmem_shared>> -> memref<10240x128xf32, #tpu.memory_space<vmem_shared>>
        tpu.enqueue_indirect_dma source(%arg10 : memref<128x128xf32, #tpu.memory_space<vmem>>) target(%dma_start3A_119 : memref<10240x128xf32, #tpu.memory_space<vmem_shared>>) offsets(%dma_start3A_116 : memref<128xi32, #tpu.memory_space<vmem>>) semaphore(%run_scoped3A_113 : memref<!tpu.dma_semaphore, #tpu.memory_space<semaphore_mem>>) {add = true}
        %dma_wait3A_120 = arith.constant 0 : i32
        %dma_wait3A_121 = tpu.memref_slice %arg8[%add3A_104, %dma_wait3A_120] : memref<40x128xi32, #tpu.memory_space<vmem>> -> memref<1x128xi32, #tpu.memory_space<vmem>>
        %dma_wait3A_122 = tpu.memref_squeeze %dma_wait3A_121 : memref<1x128xi32, #tpu.memory_space<vmem>> -> memref<128xi32, #tpu.memory_space<vmem>>
        %dma_wait3A_123 = arith.constant 0 : i32
        %dma_wait3A_124 = arith.constant 0 : i32
        %dma_wait3A_125 = tpu.memref_slice %arg11[%dma_wait3A_123, %dma_wait3A_124] : memref<10240x128xf32, #tpu.memory_space<vmem_shared>> -> memref<10240x128xf32, #tpu.memory_space<vmem_shared>>
        tpu.wait_indirect_dma semaphore(%run_scoped3A_113 : memref<!tpu.dma_semaphore, #tpu.memory_space<semaphore_mem>>) src(%arg10 : memref<128x128xf32, #tpu.memory_space<vmem>>) dst(%dma_wait3A_125 : memref<10240x128xf32, #tpu.memory_space<vmem_shared>>)
        tpu.yield
      }) : () -> ()
      %add3A_105 = arith.constant 3 : i32
      %add3A_106 = arith.addi %mul3A_82, %add3A_105 : i32
      %dma_start3A_107 = arith.constant 0 : i32
      %dma_start3A_108 = tpu.memref_slice %arg7[%add3A_106, %dma_start3A_107] : memref<40x128xi32, #tpu.memory_space<vmem>> -> memref<1x128xi32, #tpu.memory_space<vmem>>
      %dma_start3A_109 = tpu.memref_squeeze %dma_start3A_108 : memref<1x128xi32, #tpu.memory_space<vmem>> -> memref<128xi32, #tpu.memory_space<vmem>>
      %dma_start3A_110 = arith.constant 0 : i32
      %dma_start3A_111 = arith.constant 0 : i32
      %dma_start3A_112 = tpu.memref_slice %arg2[%dma_start3A_110, %dma_start3A_111] : memref<10000x128xf32, #tpu.memory_space<hbm>> -> memref<10000x128xf32, #tpu.memory_space<hbm>>
      tpu.enqueue_indirect_dma source(%dma_start3A_112 : memref<10000x128xf32, #tpu.memory_space<hbm>>) target(%arg10 : memref<128x128xf32, #tpu.memory_space<vmem>>) offsets(%dma_start3A_109 : memref<128xi32, #tpu.memory_space<vmem>>) semaphore(%arg13 : memref<!tpu.dma_semaphore, #tpu.memory_space<semaphore_mem>>)
    }
    %scan3A_58 = arith.constant 19 : i32
    %dma_wait3A_59 = arith.constant 0 : i32
    %dma_wait3A_60 = arith.constant 0 : i32
    %dma_wait3A_61 = tpu.memref_slice %arg7[%dma_wait3A_59, %dma_wait3A_60] : memref<40x128xi32, #tpu.memory_space<vmem>> -> memref<1x128xi32, #tpu.memory_space<vmem>>
    %dma_wait3A_62 = tpu.memref_squeeze %dma_wait3A_61 : memref<1x128xi32, #tpu.memory_space<vmem>> -> memref<128xi32, #tpu.memory_space<vmem>>
    %dma_wait3A_63 = arith.constant 0 : i32
    %dma_wait3A_64 = arith.constant 0 : i32
    %dma_wait3A_65 = tpu.memref_slice %arg2[%dma_wait3A_63, %dma_wait3A_64] : memref<10000x128xf32, #tpu.memory_space<hbm>> -> memref<10000x128xf32, #tpu.memory_space<hbm>>
    tpu.wait_indirect_dma semaphore(%arg12 : memref<!tpu.dma_semaphore, #tpu.memory_space<semaphore_mem>>) src(%dma_wait3A_65 : memref<10000x128xf32, #tpu.memory_space<hbm>>) dst(%arg9 : memref<128x128xf32, #tpu.memory_space<vmem>>)
    %run_scoped3A_66 = arith.constant 38 : i32
    "tpu.region"() ({
      %run_scoped3A_80 = tpu.sem_alloc : memref<!tpu.dma_semaphore, #tpu.memory_space<semaphore_mem>>
      %dma_start3A_81 = arith.constant 0 : i32
      %dma_start3A_82 = tpu.memref_slice %arg8[%run_scoped3A_66, %dma_start3A_81] : memref<40x128xi32, #tpu.memory_space<vmem>> -> memref<1x128xi32, #tpu.memory_space<vmem>>
      %dma_start3A_83 = tpu.memref_squeeze %dma_start3A_82 : memref<1x128xi32, #tpu.memory_space<vmem>> -> memref<128xi32, #tpu.memory_space<vmem>>
      %dma_start3A_84 = arith.constant 0 : i32
      %dma_start3A_85 = arith.constant 0 : i32
      %dma_start3A_86 = tpu.memref_slice %arg11[%dma_start3A_84, %dma_start3A_85] : memref<10240x128xf32, #tpu.memory_space<vmem_shared>> -> memref<10240x128xf32, #tpu.memory_space<vmem_shared>>
      tpu.enqueue_indirect_dma source(%arg9 : memref<128x128xf32, #tpu.memory_space<vmem>>) target(%dma_start3A_86 : memref<10240x128xf32, #tpu.memory_space<vmem_shared>>) offsets(%dma_start3A_83 : memref<128xi32, #tpu.memory_space<vmem>>) semaphore(%run_scoped3A_80 : memref<!tpu.dma_semaphore, #tpu.memory_space<semaphore_mem>>) {add = true}
      %dma_wait3A_87 = arith.constant 0 : i32
      %dma_wait3A_88 = tpu.memref_slice %arg8[%run_scoped3A_66, %dma_wait3A_87] : memref<40x128xi32, #tpu.memory_space<vmem>> -> memref<1x128xi32, #tpu.memory_space<vmem>>
      %dma_wait3A_89 = tpu.memref_squeeze %dma_wait3A_88 : memref<1x128xi32, #tpu.memory_space<vmem>> -> memref<128xi32, #tpu.memory_space<vmem>>
      %dma_wait3A_90 = arith.constant 0 : i32
      %dma_wait3A_91 = arith.constant 0 : i32
      %dma_wait3A_92 = tpu.memref_slice %arg11[%dma_wait3A_90, %dma_wait3A_91] : memref<10240x128xf32, #tpu.memory_space<vmem_shared>> -> memref<10240x128xf32, #tpu.memory_space<vmem_shared>>
      tpu.wait_indirect_dma semaphore(%run_scoped3A_80 : memref<!tpu.dma_semaphore, #tpu.memory_space<semaphore_mem>>) src(%arg9 : memref<128x128xf32, #tpu.memory_space<vmem>>) dst(%dma_wait3A_92 : memref<10240x128xf32, #tpu.memory_space<vmem_shared>>)
      tpu.yield
    }) : () -> ()
    %dma_wait3A_67 = arith.constant 0 : i32
    %dma_wait3A_68 = arith.constant 0 : i32
    %dma_wait3A_69 = tpu.memref_slice %arg7[%dma_wait3A_67, %dma_wait3A_68] : memref<40x128xi32, #tpu.memory_space<vmem>> -> memref<1x128xi32, #tpu.memory_space<vmem>>
    %dma_wait3A_70 = tpu.memref_squeeze %dma_wait3A_69 : memref<1x128xi32, #tpu.memory_space<vmem>> -> memref<128xi32, #tpu.memory_space<vmem>>
    %dma_wait3A_71 = arith.constant 0 : i32
    %dma_wait3A_72 = arith.constant 0 : i32
    %dma_wait3A_73 = tpu.memref_slice %arg2[%dma_wait3A_71, %dma_wait3A_72] : memref<10000x128xf32, #tpu.memory_space<hbm>> -> memref<10000x128xf32, #tpu.memory_space<hbm>>
    tpu.wait_indirect_dma semaphore(%arg13 : memref<!tpu.dma_semaphore, #tpu.memory_space<semaphore_mem>>) src(%dma_wait3A_73 : memref<10000x128xf32, #tpu.memory_space<hbm>>) dst(%arg10 : memref<128x128xf32, #tpu.memory_space<vmem>>)
    %run_scoped3A_74 = arith.constant 39 : i32
    "tpu.region"() ({
      %run_scoped3A_80 = tpu.sem_alloc : memref<!tpu.dma_semaphore, #tpu.memory_space<semaphore_mem>>
      %dma_start3A_81 = arith.constant 0 : i32
      %dma_start3A_82 = tpu.memref_slice %arg8[%run_scoped3A_74, %dma_start3A_81] : memref<40x128xi32, #tpu.memory_space<vmem>> -> memref<1x128xi32, #tpu.memory_space<vmem>>
      %dma_start3A_83 = tpu.memref_squeeze %dma_start3A_82 : memref<1x128xi32, #tpu.memory_space<vmem>> -> memref<128xi32, #tpu.memory_space<vmem>>
      %dma_start3A_84 = arith.constant 0 : i32
      %dma_start3A_85 = arith.constant 0 : i32
      %dma_start3A_86 = tpu.memref_slice %arg11[%dma_start3A_84, %dma_start3A_85] : memref<10240x128xf32, #tpu.memory_space<vmem_shared>> -> memref<10240x128xf32, #tpu.memory_space<vmem_shared>>
      tpu.enqueue_indirect_dma source(%arg10 : memref<128x128xf32, #tpu.memory_space<vmem>>) target(%dma_start3A_86 : memref<10240x128xf32, #tpu.memory_space<vmem_shared>>) offsets(%dma_start3A_83 : memref<128xi32, #tpu.memory_space<vmem>>) semaphore(%run_scoped3A_80 : memref<!tpu.dma_semaphore, #tpu.memory_space<semaphore_mem>>) {add = true}
      %dma_wait3A_87 = arith.constant 0 : i32
      %dma_wait3A_88 = tpu.memref_slice %arg8[%run_scoped3A_74, %dma_wait3A_87] : memref<40x128xi32, #tpu.memory_space<vmem>> -> memref<1x128xi32, #tpu.memory_space<vmem>>
      %dma_wait3A_89 = tpu.memref_squeeze %dma_wait3A_88 : memref<1x128xi32, #tpu.memory_space<vmem>> -> memref<128xi32, #tpu.memory_space<vmem>>
      %dma_wait3A_90 = arith.constant 0 : i32
      %dma_wait3A_91 = arith.constant 0 : i32
      %dma_wait3A_92 = tpu.memref_slice %arg11[%dma_wait3A_90, %dma_wait3A_91] : memref<10240x128xf32, #tpu.memory_space<vmem_shared>> -> memref<10240x128xf32, #tpu.memory_space<vmem_shared>>
      tpu.wait_indirect_dma semaphore(%run_scoped3A_80 : memref<!tpu.dma_semaphore, #tpu.memory_space<semaphore_mem>>) src(%arg10 : memref<128x128xf32, #tpu.memory_space<vmem>>) dst(%dma_wait3A_92 : memref<10240x128xf32, #tpu.memory_space<vmem_shared>>)
      tpu.yield
    }) : () -> ()
    %barrier3A_75 = arith.constant 0 : index
    tpu.barrier barrier_id(%barrier3A_75)
    %mul3A_76 = arith.constant 640 : i32
    %mul3A_77 = arith.muli %arg1, %mul3A_76 : i32
    %mul3A_78 = arith.constant 640 : i32
    %mul3A_79 = arith.muli %arg1, %mul3A_78 : i32
    "tpu.region"() ({
      %run_scoped3A_80 = tpu.sem_alloc : memref<!tpu.dma_semaphore, #tpu.memory_space<semaphore_mem>>
      %dma_start3A_81 = arith.constant 0 : i32
      %dma_start3A_82 = tpu.memref_slice %arg6[%arg0, %mul3A_79, %dma_start3A_81] : memref<2x10240x128xf32, #tpu.memory_space<hbm>> -> memref<1x640x128xf32, #tpu.memory_space<hbm>>
      %dma_start3A_83 = tpu.memref_squeeze %dma_start3A_82 : memref<1x640x128xf32, #tpu.memory_space<hbm>> -> memref<640x128xf32, #tpu.memory_space<hbm>>
      %dma_start3A_84 = arith.constant 0 : i32
      %dma_start3A_85 = tpu.memref_slice %arg11[%mul3A_77, %dma_start3A_84] : memref<10240x128xf32, #tpu.memory_space<vmem_shared>> -> memref<640x128xf32, #tpu.memory_space<vmem_shared>>
      tpu.enqueue_dma source(%dma_start3A_85 : memref<640x128xf32, #tpu.memory_space<vmem_shared>>) target(%dma_start3A_83 : memref<640x128xf32, #tpu.memory_space<hbm>>) target_semaphore(%run_scoped3A_80 : memref<!tpu.dma_semaphore, #tpu.memory_space<semaphore_mem>>)
      %dma_wait3A_86 = arith.constant 0 : i32
      %dma_wait3A_87 = tpu.memref_slice %arg6[%arg0, %mul3A_79, %dma_wait3A_86] : memref<2x10240x128xf32, #tpu.memory_space<hbm>> -> memref<1x640x128xf32, #tpu.memory_space<hbm>>
      %dma_wait3A_88 = tpu.memref_squeeze %dma_wait3A_87 : memref<1x640x128xf32, #tpu.memory_space<hbm>> -> memref<640x128xf32, #tpu.memory_space<hbm>>
      %dma_wait3A_89 = arith.constant 0 : i32
      %dma_wait3A_90 = tpu.memref_slice %arg11[%mul3A_77, %dma_wait3A_89] : memref<10240x128xf32, #tpu.memory_space<vmem_shared>> -> memref<640x128xf32, #tpu.memory_space<vmem_shared>>
      tpu.wait_dma2 semaphore(%run_scoped3A_80 : memref<!tpu.dma_semaphore, #tpu.memory_space<semaphore_mem>>) src(%dma_wait3A_90 : memref<640x128xf32, #tpu.memory_space<vmem_shared>>) dst(%dma_wait3A_88 : memref<640x128xf32, #tpu.memory_space<hbm>>)
      tpu.yield
    }) : () -> ()
    return
  }
}

#map = affine_map<(d0, d1) -> (0, 0)>
#map1 = affine_map<(d0, d1) -> (0, 0, 0)>
module attributes {stable_mosaic.version = 14 : i64} {
  func.func @_pair_gather_kernel(%arg0: i32, %arg1: i32, %arg2: memref<20000x128xf32, #tpu.memory_space<hbm>>, %arg3: memref<32x32x128xi32, #tpu.memory_space<hbm>>, %arg4: memref<131072x128xf32, #tpu.memory_space<hbm>>, %arg5: memref<32x128xi32, #tpu.memory_space<vmem>>, %arg6: memref<128x128xf32, #tpu.memory_space<vmem>>, %arg7: memref<128x128xf32, #tpu.memory_space<vmem>>, %arg8: memref<!tpu.dma_semaphore, #tpu.memory_space<semaphore_mem>>, %arg9: memref<!tpu.dma_semaphore, #tpu.memory_space<semaphore_mem>>) attributes {dimension_semantics = [#tpu.dimension_semantics<core_parallel>, #tpu.dimension_semantics<subcore_parallel>], iteration_bounds = array<i64: 2, 16>, scalar_prefetch = 0 : i64, scratch_operands = 5 : i64, tpu.core_type = #tpu.core_type<sc_vector_subcore>, window_params = [{transform_indices = #map}, {transform_indices = #map1}, {transform_indices = #map}]} {
    %mul3A = arith.constant 16 : i32
    %mul3A_0 = arith.muli %arg0, %mul3A : i32
    %add3A = arith.addi %mul3A_0, %arg1 : i32
    "tpu.region"() ({
      %run_scoped3A = tpu.sem_alloc : memref<!tpu.dma_semaphore, #tpu.memory_space<semaphore_mem>>
      %dma_start3A_38 = arith.constant 0 : i32
      %dma_start3A_39 = arith.constant 0 : i32
      %dma_start3A_40 = tpu.memref_slice %arg3[%add3A, %dma_start3A_38, %dma_start3A_39] : memref<32x32x128xi32, #tpu.memory_space<hbm>> -> memref<1x32x128xi32, #tpu.memory_space<hbm>>
      %dma_start3A_41 = tpu.memref_squeeze %dma_start3A_40 : memref<1x32x128xi32, #tpu.memory_space<hbm>> -> memref<32x128xi32, #tpu.memory_space<hbm>>
      %dma_start3A_42 = arith.constant 0 : i32
      %dma_start3A_43 = arith.constant 0 : i32
      %dma_start3A_44 = tpu.memref_slice %arg3[%add3A, %dma_start3A_42, %dma_start3A_43] : memref<32x32x128xi32, #tpu.memory_space<hbm>> -> memref<1x32x128xi32, #tpu.memory_space<hbm>>
      %dma_start3A_45 = tpu.memref_squeeze %dma_start3A_44 : memref<1x32x128xi32, #tpu.memory_space<hbm>> -> memref<32x128xi32, #tpu.memory_space<hbm>>
      tpu.enqueue_dma source(%dma_start3A_45 : memref<32x128xi32, #tpu.memory_space<hbm>>) target(%arg5 : memref<32x128xi32, #tpu.memory_space<vmem>>) target_semaphore(%run_scoped3A : memref<!tpu.dma_semaphore, #tpu.memory_space<semaphore_mem>>)
      %dma_wait3A_46 = arith.constant 0 : i32
      %dma_wait3A_47 = arith.constant 0 : i32
      %dma_wait3A_48 = tpu.memref_slice %arg3[%add3A, %dma_wait3A_46, %dma_wait3A_47] : memref<32x32x128xi32, #tpu.memory_space<hbm>> -> memref<1x32x128xi32, #tpu.memory_space<hbm>>
      %dma_wait3A_49 = tpu.memref_squeeze %dma_wait3A_48 : memref<1x32x128xi32, #tpu.memory_space<hbm>> -> memref<32x128xi32, #tpu.memory_space<hbm>>
      %dma_wait3A_50 = arith.constant 0 : i32
      %dma_wait3A_51 = arith.constant 0 : i32
      %dma_wait3A_52 = tpu.memref_slice %arg3[%add3A, %dma_wait3A_50, %dma_wait3A_51] : memref<32x32x128xi32, #tpu.memory_space<hbm>> -> memref<1x32x128xi32, #tpu.memory_space<hbm>>
      %dma_wait3A_53 = tpu.memref_squeeze %dma_wait3A_52 : memref<1x32x128xi32, #tpu.memory_space<hbm>> -> memref<32x128xi32, #tpu.memory_space<hbm>>
      tpu.wait_dma2 semaphore(%run_scoped3A : memref<!tpu.dma_semaphore, #tpu.memory_space<semaphore_mem>>) src(%dma_wait3A_53 : memref<32x128xi32, #tpu.memory_space<hbm>>) dst(%arg5 : memref<32x128xi32, #tpu.memory_space<vmem>>)
      tpu.yield
    }) : () -> ()
    %mul3A_1 = arith.constant 4096 : i32
    %mul3A_2 = arith.muli %add3A, %mul3A_1 : i32
    %dma_start3A = arith.constant 0 : i32
    %dma_start3A_3 = arith.constant 0 : i32
    %dma_start3A_4 = tpu.memref_slice %arg5[%dma_start3A, %dma_start3A_3] : memref<32x128xi32, #tpu.memory_space<vmem>> -> memref<1x128xi32, #tpu.memory_space<vmem>>
    %dma_start3A_5 = tpu.memref_squeeze %dma_start3A_4 : memref<1x128xi32, #tpu.memory_space<vmem>> -> memref<128xi32, #tpu.memory_space<vmem>>
    %dma_start3A_6 = arith.constant 0 : i32
    %dma_start3A_7 = arith.constant 0 : i32
    %dma_start3A_8 = tpu.memref_slice %arg2[%dma_start3A_6, %dma_start3A_7] : memref<20000x128xf32, #tpu.memory_space<hbm>> -> memref<20000x128xf32, #tpu.memory_space<hbm>>
    tpu.enqueue_indirect_dma source(%dma_start3A_8 : memref<20000x128xf32, #tpu.memory_space<hbm>>) target(%arg6 : memref<128x128xf32, #tpu.memory_space<vmem>>) offsets(%dma_start3A_5 : memref<128xi32, #tpu.memory_space<vmem>>) semaphore(%arg8 : memref<!tpu.dma_semaphore, #tpu.memory_space<semaphore_mem>>)
    %dma_start3A_9 = arith.constant 1 : i32
    %dma_start3A_10 = arith.constant 0 : i32
    %dma_start3A_11 = tpu.memref_slice %arg5[%dma_start3A_9, %dma_start3A_10] : memref<32x128xi32, #tpu.memory_space<vmem>> -> memref<1x128xi32, #tpu.memory_space<vmem>>
    %dma_start3A_12 = tpu.memref_squeeze %dma_start3A_11 : memref<1x128xi32, #tpu.memory_space<vmem>> -> memref<128xi32, #tpu.memory_space<vmem>>
    %dma_start3A_13 = arith.constant 0 : i32
    %dma_start3A_14 = arith.constant 0 : i32
    %dma_start3A_15 = tpu.memref_slice %arg2[%dma_start3A_13, %dma_start3A_14] : memref<20000x128xf32, #tpu.memory_space<hbm>> -> memref<20000x128xf32, #tpu.memory_space<hbm>>
    tpu.enqueue_indirect_dma source(%dma_start3A_15 : memref<20000x128xf32, #tpu.memory_space<hbm>>) target(%arg7 : memref<128x128xf32, #tpu.memory_space<vmem>>) offsets(%dma_start3A_12 : memref<128xi32, #tpu.memory_space<vmem>>) semaphore(%arg9 : memref<!tpu.dma_semaphore, #tpu.memory_space<semaphore_mem>>)
    %scan3A = arith.constant 0 : i32
    %scan3A_16 = arith.constant 0 : i32
    %scan3A_17 = arith.constant 15 : i32
    %scan3A_18 = arith.addi %scan3A_16, %scan3A_17 : i32
    %scan3A_19 = arith.constant 1 : i32
    scf.for %scan3A_38 = %scan3A_16 to %scan3A_18 step %scan3A_19  : i32 {
      %mul3A_39 = arith.constant 2 : i32
      %mul3A_40 = arith.muli %scan3A_38, %mul3A_39 : i32
      %dma_wait3A_41 = arith.constant 0 : i32
      %dma_wait3A_42 = tpu.memref_slice %arg5[%mul3A_40, %dma_wait3A_41] : memref<32x128xi32, #tpu.memory_space<vmem>> -> memref<1x128xi32, #tpu.memory_space<vmem>>
      %dma_wait3A_43 = tpu.memref_squeeze %dma_wait3A_42 : memref<1x128xi32, #tpu.memory_space<vmem>> -> memref<128xi32, #tpu.memory_space<vmem>>
      %dma_wait3A_44 = arith.constant 0 : i32
      %dma_wait3A_45 = arith.constant 0 : i32
      %dma_wait3A_46 = tpu.memref_slice %arg2[%dma_wait3A_44, %dma_wait3A_45] : memref<20000x128xf32, #tpu.memory_space<hbm>> -> memref<20000x128xf32, #tpu.memory_space<hbm>>
      tpu.wait_indirect_dma semaphore(%arg8 : memref<!tpu.dma_semaphore, #tpu.memory_space<semaphore_mem>>) src(%dma_wait3A_46 : memref<20000x128xf32, #tpu.memory_space<hbm>>) dst(%arg6 : memref<128x128xf32, #tpu.memory_space<vmem>>)
      %mul3A_47 = arith.constant 128 : i32
      %mul3A_48 = arith.muli %mul3A_40, %mul3A_47 : i32
      %add3A_49 = arith.addi %mul3A_2, %mul3A_48 : i32
      "tpu.region"() ({
        %run_scoped3A = tpu.sem_alloc : memref<!tpu.dma_semaphore, #tpu.memory_space<semaphore_mem>>
        %dma_start3A_77 = arith.constant 0 : i32
        %dma_start3A_78 = tpu.memref_slice %arg4[%add3A_49, %dma_start3A_77] : memref<131072x128xf32, #tpu.memory_space<hbm>> -> memref<128x128xf32, #tpu.memory_space<hbm>>
        %dma_start3A_79 = arith.constant 0 : i32
        %dma_start3A_80 = tpu.memref_slice %arg4[%add3A_49, %dma_start3A_79] : memref<131072x128xf32, #tpu.memory_space<hbm>> -> memref<128x128xf32, #tpu.memory_space<hbm>>
        tpu.enqueue_dma source(%arg6 : memref<128x128xf32, #tpu.memory_space<vmem>>) target(%dma_start3A_80 : memref<128x128xf32, #tpu.memory_space<hbm>>) target_semaphore(%run_scoped3A : memref<!tpu.dma_semaphore, #tpu.memory_space<semaphore_mem>>)
        %dma_wait3A_81 = arith.constant 0 : i32
        %dma_wait3A_82 = tpu.memref_slice %arg4[%add3A_49, %dma_wait3A_81] : memref<131072x128xf32, #tpu.memory_space<hbm>> -> memref<128x128xf32, #tpu.memory_space<hbm>>
        %dma_wait3A_83 = arith.constant 0 : i32
        %dma_wait3A_84 = tpu.memref_slice %arg4[%add3A_49, %dma_wait3A_83] : memref<131072x128xf32, #tpu.memory_space<hbm>> -> memref<128x128xf32, #tpu.memory_space<hbm>>
        tpu.wait_dma2 semaphore(%run_scoped3A : memref<!tpu.dma_semaphore, #tpu.memory_space<semaphore_mem>>) src(%arg6 : memref<128x128xf32, #tpu.memory_space<vmem>>) dst(%dma_wait3A_84 : memref<128x128xf32, #tpu.memory_space<hbm>>)
        tpu.yield
      }) : () -> ()
      %add3A_50 = arith.constant 2 : i32
      %add3A_51 = arith.addi %mul3A_40, %add3A_50 : i32
      %dma_start3A_52 = arith.constant 0 : i32
      %dma_start3A_53 = tpu.memref_slice %arg5[%add3A_51, %dma_start3A_52] : memref<32x128xi32, #tpu.memory_space<vmem>> -> memref<1x128xi32, #tpu.memory_space<vmem>>
      %dma_start3A_54 = tpu.memref_squeeze %dma_start3A_53 : memref<1x128xi32, #tpu.memory_space<vmem>> -> memref<128xi32, #tpu.memory_space<vmem>>
      %dma_start3A_55 = arith.constant 0 : i32
      %dma_start3A_56 = arith.constant 0 : i32
      %dma_start3A_57 = tpu.memref_slice %arg2[%dma_start3A_55, %dma_start3A_56] : memref<20000x128xf32, #tpu.memory_space<hbm>> -> memref<20000x128xf32, #tpu.memory_space<hbm>>
      tpu.enqueue_indirect_dma source(%dma_start3A_57 : memref<20000x128xf32, #tpu.memory_space<hbm>>) target(%arg6 : memref<128x128xf32, #tpu.memory_space<vmem>>) offsets(%dma_start3A_54 : memref<128xi32, #tpu.memory_space<vmem>>) semaphore(%arg8 : memref<!tpu.dma_semaphore, #tpu.memory_space<semaphore_mem>>)
      %dma_wait3A_58 = arith.constant 0 : i32
      %dma_wait3A_59 = tpu.memref_slice %arg5[%mul3A_40, %dma_wait3A_58] : memref<32x128xi32, #tpu.memory_space<vmem>> -> memref<1x128xi32, #tpu.memory_space<vmem>>
      %dma_wait3A_60 = tpu.memref_squeeze %dma_wait3A_59 : memref<1x128xi32, #tpu.memory_space<vmem>> -> memref<128xi32, #tpu.memory_space<vmem>>
      %dma_wait3A_61 = arith.constant 0 : i32
      %dma_wait3A_62 = arith.constant 0 : i32
      %dma_wait3A_63 = tpu.memref_slice %arg2[%dma_wait3A_61, %dma_wait3A_62] : memref<20000x128xf32, #tpu.memory_space<hbm>> -> memref<20000x128xf32, #tpu.memory_space<hbm>>
      tpu.wait_indirect_dma semaphore(%arg9 : memref<!tpu.dma_semaphore, #tpu.memory_space<semaphore_mem>>) src(%dma_wait3A_63 : memref<20000x128xf32, #tpu.memory_space<hbm>>) dst(%arg7 : memref<128x128xf32, #tpu.memory_space<vmem>>)
      %add3A_64 = arith.constant 1 : i32
      %add3A_65 = arith.addi %mul3A_40, %add3A_64 : i32
      %mul3A_66 = arith.constant 128 : i32
      %mul3A_67 = arith.muli %add3A_65, %mul3A_66 : i32
      %add3A_68 = arith.addi %mul3A_2, %mul3A_67 : i32
      "tpu.region"() ({
        %run_scoped3A = tpu.sem_alloc : memref<!tpu.dma_semaphore, #tpu.memory_space<semaphore_mem>>
        %dma_start3A_77 = arith.constant 0 : i32
        %dma_start3A_78 = tpu.memref_slice %arg4[%add3A_68, %dma_start3A_77] : memref<131072x128xf32, #tpu.memory_space<hbm>> -> memref<128x128xf32, #tpu.memory_space<hbm>>
        %dma_start3A_79 = arith.constant 0 : i32
        %dma_start3A_80 = tpu.memref_slice %arg4[%add3A_68, %dma_start3A_79] : memref<131072x128xf32, #tpu.memory_space<hbm>> -> memref<128x128xf32, #tpu.memory_space<hbm>>
        tpu.enqueue_dma source(%arg7 : memref<128x128xf32, #tpu.memory_space<vmem>>) target(%dma_start3A_80 : memref<128x128xf32, #tpu.memory_space<hbm>>) target_semaphore(%run_scoped3A : memref<!tpu.dma_semaphore, #tpu.memory_space<semaphore_mem>>)
        %dma_wait3A_81 = arith.constant 0 : i32
        %dma_wait3A_82 = tpu.memref_slice %arg4[%add3A_68, %dma_wait3A_81] : memref<131072x128xf32, #tpu.memory_space<hbm>> -> memref<128x128xf32, #tpu.memory_space<hbm>>
        %dma_wait3A_83 = arith.constant 0 : i32
        %dma_wait3A_84 = tpu.memref_slice %arg4[%add3A_68, %dma_wait3A_83] : memref<131072x128xf32, #tpu.memory_space<hbm>> -> memref<128x128xf32, #tpu.memory_space<hbm>>
        tpu.wait_dma2 semaphore(%run_scoped3A : memref<!tpu.dma_semaphore, #tpu.memory_space<semaphore_mem>>) src(%arg7 : memref<128x128xf32, #tpu.memory_space<vmem>>) dst(%dma_wait3A_84 : memref<128x128xf32, #tpu.memory_space<hbm>>)
        tpu.yield
      }) : () -> ()
      %add3A_69 = arith.constant 3 : i32
      %add3A_70 = arith.addi %mul3A_40, %add3A_69 : i32
      %dma_start3A_71 = arith.constant 0 : i32
      %dma_start3A_72 = tpu.memref_slice %arg5[%add3A_70, %dma_start3A_71] : memref<32x128xi32, #tpu.memory_space<vmem>> -> memref<1x128xi32, #tpu.memory_space<vmem>>
      %dma_start3A_73 = tpu.memref_squeeze %dma_start3A_72 : memref<1x128xi32, #tpu.memory_space<vmem>> -> memref<128xi32, #tpu.memory_space<vmem>>
      %dma_start3A_74 = arith.constant 0 : i32
      %dma_start3A_75 = arith.constant 0 : i32
      %dma_start3A_76 = tpu.memref_slice %arg2[%dma_start3A_74, %dma_start3A_75] : memref<20000x128xf32, #tpu.memory_space<hbm>> -> memref<20000x128xf32, #tpu.memory_space<hbm>>
      tpu.enqueue_indirect_dma source(%dma_start3A_76 : memref<20000x128xf32, #tpu.memory_space<hbm>>) target(%arg7 : memref<128x128xf32, #tpu.memory_space<vmem>>) offsets(%dma_start3A_73 : memref<128xi32, #tpu.memory_space<vmem>>) semaphore(%arg9 : memref<!tpu.dma_semaphore, #tpu.memory_space<semaphore_mem>>)
    }
    %scan3A_20 = arith.constant 15 : i32
    %dma_wait3A = arith.constant 0 : i32
    %dma_wait3A_21 = arith.constant 0 : i32
    %dma_wait3A_22 = tpu.memref_slice %arg5[%dma_wait3A, %dma_wait3A_21] : memref<32x128xi32, #tpu.memory_space<vmem>> -> memref<1x128xi32, #tpu.memory_space<vmem>>
    %dma_wait3A_23 = tpu.memref_squeeze %dma_wait3A_22 : memref<1x128xi32, #tpu.memory_space<vmem>> -> memref<128xi32, #tpu.memory_space<vmem>>
    %dma_wait3A_24 = arith.constant 0 : i32
    %dma_wait3A_25 = arith.constant 0 : i32
    %dma_wait3A_26 = tpu.memref_slice %arg2[%dma_wait3A_24, %dma_wait3A_25] : memref<20000x128xf32, #tpu.memory_space<hbm>> -> memref<20000x128xf32, #tpu.memory_space<hbm>>
    tpu.wait_indirect_dma semaphore(%arg8 : memref<!tpu.dma_semaphore, #tpu.memory_space<semaphore_mem>>) src(%dma_wait3A_26 : memref<20000x128xf32, #tpu.memory_space<hbm>>) dst(%arg6 : memref<128x128xf32, #tpu.memory_space<vmem>>)
    %add3A_27 = arith.constant 3840 : i32
    %add3A_28 = arith.addi %mul3A_2, %add3A_27 : i32
    "tpu.region"() ({
      %run_scoped3A = tpu.sem_alloc : memref<!tpu.dma_semaphore, #tpu.memory_space<semaphore_mem>>
      %dma_start3A_38 = arith.constant 0 : i32
      %dma_start3A_39 = tpu.memref_slice %arg4[%add3A_28, %dma_start3A_38] : memref<131072x128xf32, #tpu.memory_space<hbm>> -> memref<128x128xf32, #tpu.memory_space<hbm>>
      %dma_start3A_40 = arith.constant 0 : i32
      %dma_start3A_41 = tpu.memref_slice %arg4[%add3A_28, %dma_start3A_40] : memref<131072x128xf32, #tpu.memory_space<hbm>> -> memref<128x128xf32, #tpu.memory_space<hbm>>
      tpu.enqueue_dma source(%arg6 : memref<128x128xf32, #tpu.memory_space<vmem>>) target(%dma_start3A_41 : memref<128x128xf32, #tpu.memory_space<hbm>>) target_semaphore(%run_scoped3A : memref<!tpu.dma_semaphore, #tpu.memory_space<semaphore_mem>>)
      %dma_wait3A_42 = arith.constant 0 : i32
      %dma_wait3A_43 = tpu.memref_slice %arg4[%add3A_28, %dma_wait3A_42] : memref<131072x128xf32, #tpu.memory_space<hbm>> -> memref<128x128xf32, #tpu.memory_space<hbm>>
      %dma_wait3A_44 = arith.constant 0 : i32
      %dma_wait3A_45 = tpu.memref_slice %arg4[%add3A_28, %dma_wait3A_44] : memref<131072x128xf32, #tpu.memory_space<hbm>> -> memref<128x128xf32, #tpu.memory_space<hbm>>
      tpu.wait_dma2 semaphore(%run_scoped3A : memref<!tpu.dma_semaphore, #tpu.memory_space<semaphore_mem>>) src(%arg6 : memref<128x128xf32, #tpu.memory_space<vmem>>) dst(%dma_wait3A_45 : memref<128x128xf32, #tpu.memory_space<hbm>>)
      tpu.yield
    }) : () -> ()
    %dma_wait3A_29 = arith.constant 0 : i32
    %dma_wait3A_30 = arith.constant 0 : i32
    %dma_wait3A_31 = tpu.memref_slice %arg5[%dma_wait3A_29, %dma_wait3A_30] : memref<32x128xi32, #tpu.memory_space<vmem>> -> memref<1x128xi32, #tpu.memory_space<vmem>>
    %dma_wait3A_32 = tpu.memref_squeeze %dma_wait3A_31 : memref<1x128xi32, #tpu.memory_space<vmem>> -> memref<128xi32, #tpu.memory_space<vmem>>
    %dma_wait3A_33 = arith.constant 0 : i32
    %dma_wait3A_34 = arith.constant 0 : i32
    %dma_wait3A_35 = tpu.memref_slice %arg2[%dma_wait3A_33, %dma_wait3A_34] : memref<20000x128xf32, #tpu.memory_space<hbm>> -> memref<20000x128xf32, #tpu.memory_space<hbm>>
    tpu.wait_indirect_dma semaphore(%arg9 : memref<!tpu.dma_semaphore, #tpu.memory_space<semaphore_mem>>) src(%dma_wait3A_35 : memref<20000x128xf32, #tpu.memory_space<hbm>>) dst(%arg7 : memref<128x128xf32, #tpu.memory_space<vmem>>)
    %add3A_36 = arith.constant 3968 : i32
    %add3A_37 = arith.addi %mul3A_2, %add3A_36 : i32
    "tpu.region"() ({
      %run_scoped3A = tpu.sem_alloc : memref<!tpu.dma_semaphore, #tpu.memory_space<semaphore_mem>>
      %dma_start3A_38 = arith.constant 0 : i32
      %dma_start3A_39 = tpu.memref_slice %arg4[%add3A_37, %dma_start3A_38] : memref<131072x128xf32, #tpu.memory_space<hbm>> -> memref<128x128xf32, #tpu.memory_space<hbm>>
      %dma_start3A_40 = arith.constant 0 : i32
      %dma_start3A_41 = tpu.memref_slice %arg4[%add3A_37, %dma_start3A_40] : memref<131072x128xf32, #tpu.memory_space<hbm>> -> memref<128x128xf32, #tpu.memory_space<hbm>>
      tpu.enqueue_dma source(%arg7 : memref<128x128xf32, #tpu.memory_space<vmem>>) target(%dma_start3A_41 : memref<128x128xf32, #tpu.memory_space<hbm>>) target_semaphore(%run_scoped3A : memref<!tpu.dma_semaphore, #tpu.memory_space<semaphore_mem>>)
      %dma_wait3A_42 = arith.constant 0 : i32
      %dma_wait3A_43 = tpu.memref_slice %arg4[%add3A_37, %dma_wait3A_42] : memref<131072x128xf32, #tpu.memory_space<hbm>> -> memref<128x128xf32, #tpu.memory_space<hbm>>
      %dma_wait3A_44 = arith.constant 0 : i32
      %dma_wait3A_45 = tpu.memref_slice %arg4[%add3A_37, %dma_wait3A_44] : memref<131072x128xf32, #tpu.memory_space<hbm>> -> memref<128x128xf32, #tpu.memory_space<hbm>>
      tpu.wait_dma2 semaphore(%run_scoped3A : memref<!tpu.dma_semaphore, #tpu.memory_space<semaphore_mem>>) src(%arg7 : memref<128x128xf32, #tpu.memory_space<vmem>>) dst(%dma_wait3A_45 : memref<128x128xf32, #tpu.memory_space<hbm>>)
      tpu.yield
    }) : () -> ()
    return
  }
}

module attributes {stable_mosaic.version = 14 : i64} {
  func.func @_mm_body(%arg0: memref<10000x128xf32, #tpu.memory_space<vmem>>, %arg1: memref<128x128xf32, #tpu.memory_space<vmem>>, %arg2: memref<10000x128xf32, #tpu.memory_space<vmem>>) attributes {dimension_semantics = [], scalar_prefetch = 0 : i64, scratch_operands = 0 : i64, tpu.core_type = #tpu.core_type<tc>} {
    %get3A = arith.constant 0 : index
    %get3A_0 = arith.constant 0 : index
    %get3A_1 = vector.load %arg0[%get3A, %get3A_0] : memref<10000x128xf32, #tpu.memory_space<vmem>>, vector<10000x128xf32>
    %get3A_2 = arith.constant 0 : index
    %get3A_3 = arith.constant 0 : index
    %get3A_4 = vector.load %arg1[%get3A_2, %get3A_3] : memref<128x128xf32, #tpu.memory_space<vmem>>, vector<128x128xf32>
    %dot_general3A = arith.constant dense<0.000000e+00> : vector<10000x128xf32>
    %dot_general3A_5 = tpu.matmul %get3A_1, %get3A_4, %dot_general3A {dimension_numbers = #tpu.dot_dimension_numbers<[1], [0], [0], [1], [0, 0, 1, 1], [], []>, transpose_lhs_hint = false} : vector<10000x128xf32>, vector<128x128xf32>, vector<10000x128xf32> -> vector<10000x128xf32>
    %swap3A = arith.constant 0 : index
    %swap3A_6 = arith.constant 0 : index
    %swap3A_7 = vector.load %arg2[%swap3A, %swap3A_6] : memref<10000x128xf32, #tpu.memory_space<vmem>>, vector<10000x128xf32>
    tpu.vector_store %arg2[%swap3A, %swap3A_6], %dot_general3A_5 {strides = array<i32>} : memref<10000x128xf32, #tpu.memory_space<vmem>>, vector<10000x128xf32>,
    return
  }
}

module attributes {stable_mosaic.version = 14 : i64} {
  func.func @_scale_body(%arg0: memref<10000x128xf32, #tpu.memory_space<vmem>>, %arg1: memref<2x10240x1xf32, #tpu.memory_space<vmem>>, %arg2: memref<10000x128xf32, #tpu.memory_space<vmem>>, %arg3: memref<10000x1xf32, #tpu.memory_space<vmem>>) attributes {dimension_semantics = [], scalar_prefetch = 0 : i64, scratch_operands = 0 : i64, tpu.core_type = #tpu.core_type<tc>} {
    %get3A = arith.constant 0 : index
    %get3A_0 = arith.constant 0 : index
    %get3A_1 = arith.constant 0 : index
    %get3A_2 = vector.load %arg1[%get3A, %get3A_0, %get3A_1] : memref<2x10240x1xf32, #tpu.memory_space<vmem>>, vector<1x10000x1xf32>
    %get3A_3 = vector.shape_cast %get3A_2 : vector<1x10000x1xf32> to vector<10000x1xf32>
    %get3A_4 = arith.constant 1 : index
    %get3A_5 = arith.constant 0 : index
    %get3A_6 = arith.constant 0 : index
    %get3A_7 = vector.load %arg1[%get3A_4, %get3A_5, %get3A_6] : memref<2x10240x1xf32, #tpu.memory_space<vmem>>, vector<1x10000x1xf32>
    %get3A_8 = vector.shape_cast %get3A_7 : vector<1x10000x1xf32> to vector<10000x1xf32>
    %add3A = arith.addf %get3A_3, %get3A_8 : vector<10000x1xf32>
    %add3A_9 = arith.constant 1.000000e+00 : f32
    %add3A_10 = vector.broadcast %add3A_9 : f32 to vector<10000x1xf32>
    %add3A_11 = arith.addf %add3A, %add3A_10 : vector<10000x1xf32>
    %rsqrt3A = math.rsqrt %add3A_11 : vector<10000x1xf32>
    %get3A_12 = arith.constant 0 : index
    %get3A_13 = arith.constant 0 : index
    %get3A_14 = vector.load %arg0[%get3A_12, %get3A_13] : memref<10000x128xf32, #tpu.memory_space<vmem>>, vector<10000x128xf32>
    %mul3A = vector.broadcast %rsqrt3A : vector<10000x1xf32> to vector<10000x128xf32>
    %mul3A_15 = arith.mulf %get3A_14, %mul3A : vector<10000x128xf32>
    %swap3A = arith.constant 0 : index
    %swap3A_16 = arith.constant 0 : index
    %swap3A_17 = vector.load %arg2[%swap3A, %swap3A_16] : memref<10000x128xf32, #tpu.memory_space<vmem>>, vector<10000x128xf32>
    tpu.vector_store %arg2[%swap3A, %swap3A_16], %mul3A_15 {strides = array<i32>} : memref<10000x128xf32, #tpu.memory_space<vmem>>, vector<10000x128xf32>,
    %swap3A_18 = arith.constant 0 : index
    %swap3A_19 = arith.constant 0 : index
    %swap3A_20 = vector.load %arg3[%swap3A_18, %swap3A_19] : memref<10000x1xf32, #tpu.memory_space<vmem>>, vector<10000x1xf32>
    tpu.vector_store %arg3[%swap3A_18, %swap3A_19], %rsqrt3A {strides = array<i32>} : memref<10000x1xf32, #tpu.memory_space<vmem>>, vector<10000x1xf32>,
    return
  }
}

module attributes {stable_mosaic.version = 14 : i64} {
  func.func @_fin_mm_body(%arg0: memref<2x10240x128xf32, #tpu.memory_space<vmem>>, %arg1: memref<10000x128xf32, #tpu.memory_space<vmem>>, %arg2: memref<10000x1xf32, #tpu.memory_space<vmem>>, %arg3: memref<1x128xf32, #tpu.memory_space<vmem>>, %arg4: memref<128x128xf32, #tpu.memory_space<vmem>>, %arg5: memref<10000x128xf32, #tpu.memory_space<vmem>>) attributes {dimension_semantics = [], scalar_prefetch = 0 : i64, scratch_operands = 0 : i64, tpu.core_type = #tpu.core_type<tc>} {
    %get3A = arith.constant 0 : index
    %get3A_0 = arith.constant 0 : index
    %get3A_1 = vector.load %arg2[%get3A, %get3A_0] : memref<10000x1xf32, #tpu.memory_space<vmem>>, vector<10000x1xf32>
    %get3A_2 = arith.constant 0 : index
    %get3A_3 = arith.constant 0 : index
    %get3A_4 = arith.constant 0 : index
    %get3A_5 = vector.load %arg0[%get3A_2, %get3A_3, %get3A_4] : memref<2x10240x128xf32, #tpu.memory_space<vmem>>, vector<1x10000x128xf32>
    %get3A_6 = vector.shape_cast %get3A_5 : vector<1x10000x128xf32> to vector<10000x128xf32>
    %get3A_7 = arith.constant 1 : index
    %get3A_8 = arith.constant 0 : index
    %get3A_9 = arith.constant 0 : index
    %get3A_10 = vector.load %arg0[%get3A_7, %get3A_8, %get3A_9] : memref<2x10240x128xf32, #tpu.memory_space<vmem>>, vector<1x10000x128xf32>
    %get3A_11 = vector.shape_cast %get3A_10 : vector<1x10000x128xf32> to vector<10000x128xf32>
    %add3A = arith.addf %get3A_6, %get3A_11 : vector<10000x128xf32>
    %get3A_12 = arith.constant 0 : index
    %get3A_13 = arith.constant 0 : index
    %get3A_14 = vector.load %arg1[%get3A_12, %get3A_13] : memref<10000x128xf32, #tpu.memory_space<vmem>>, vector<10000x128xf32>
    %add3A_15 = arith.addf %add3A, %get3A_14 : vector<10000x128xf32>
    %mul3A = vector.broadcast %get3A_1 : vector<10000x1xf32> to vector<10000x128xf32>
    %mul3A_16 = arith.mulf %mul3A, %add3A_15 : vector<10000x128xf32>
    %get3A_17 = arith.constant 0 : index
    %get3A_18 = arith.constant 0 : index
    %get3A_19 = vector.load %arg3[%get3A_17, %get3A_18] : memref<1x128xf32, #tpu.memory_space<vmem>>, vector<1x128xf32>
    %add3A_20 = vector.broadcast %get3A_19 : vector<1x128xf32> to vector<10000x128xf32>
    %add3A_21 = arith.addf %mul3A_16, %add3A_20 : vector<10000x128xf32>
    %max3A = arith.constant 0.000000e+00 : f32
    %max3A_22 = vector.broadcast %max3A : f32 to vector<10000x128xf32>
    %max3A_23 = arith.maximumf %add3A_21, %max3A_22 : vector<10000x128xf32>
    %get3A_24 = arith.constant 0 : index
    %get3A_25 = arith.constant 0 : index
    %get3A_26 = vector.load %arg4[%get3A_24, %get3A_25] : memref<128x128xf32, #tpu.memory_space<vmem>>, vector<128x128xf32>
    %dot_general3A = arith.constant dense<0.000000e+00> : vector<10000x128xf32>
    %dot_general3A_27 = tpu.matmul %max3A_23, %get3A_26, %dot_general3A {dimension_numbers = #tpu.dot_dimension_numbers<[1], [0], [0], [1], [0, 0, 1, 1], [], []>, transpose_lhs_hint = false} : vector<10000x128xf32>, vector<128x128xf32>, vector<10000x128xf32> -> vector<10000x128xf32>
    %get3A_28 = arith.constant 0 : index
    %get3A_29 = arith.constant 0 : index
    %get3A_30 = vector.load %arg2[%get3A_28, %get3A_29] : memref<10000x1xf32, #tpu.memory_space<vmem>>, vector<10000x1xf32>
    %mul3A_31 = vector.broadcast %get3A_30 : vector<10000x1xf32> to vector<10000x128xf32>
    %mul3A_32 = arith.mulf %dot_general3A_27, %mul3A_31 : vector<10000x128xf32>
    %swap3A = arith.constant 0 : index
    %swap3A_33 = arith.constant 0 : index
    %swap3A_34 = vector.load %arg5[%swap3A, %swap3A_33] : memref<10000x128xf32, #tpu.memory_space<vmem>>, vector<10000x128xf32>
    tpu.vector_store %arg5[%swap3A, %swap3A_33], %mul3A_32 {strides = array<i32>} : memref<10000x128xf32, #tpu.memory_space<vmem>>, vector<10000x128xf32>,
    return
  }
}

module attributes {stable_mosaic.version = 14 : i64} {
  func.func @_uv_body(%arg0: i32, %arg1: memref<2x10240x128xf32, #tpu.memory_space<vmem>>, %arg2: memref<10000x128xf32, #tpu.memory_space<vmem>>, %arg3: memref<10000x1xf32, #tpu.memory_space<vmem>>, %arg4: memref<1x128xf32, #tpu.memory_space<vmem>>, %arg5: memref<1x128x128xf32, #tpu.memory_space<vmem>>, %arg6: memref<1x10000x128xf32, #tpu.memory_space<vmem>>) attributes {dimension_semantics = [#tpu.dimension_semantics<arbitrary>], iteration_bounds = array<i64: 2>, scalar_prefetch = 0 : i64, scratch_operands = 0 : i64, tpu.core_type = #tpu.core_type<tc>, window_params = [{pipeline_mode = #tpu.pipeline_mode<synchronous>, transform_indices = @transform_0, window_bounds = array<i64: 2, 10240, 128>}, {pipeline_mode = #tpu.pipeline_mode<synchronous>, transform_indices = @transform_1, window_bounds = array<i64: 10000, 128>}, {pipeline_mode = #tpu.pipeline_mode<synchronous>, transform_indices = @transform_2, window_bounds = array<i64: 10000, 1>}, {pipeline_mode = #tpu.pipeline_mode<synchronous>, transform_indices = @transform_3, window_bounds = array<i64: 1, 128>}, {transform_indices = @transform_4, window_bounds = array<i64: 1, 128, 128>}, {transform_indices = @transform_5, window_bounds = array<i64: 1, 10000, 128>}]} {
    %get3A = arith.constant 0 : index
    %get3A_0 = arith.constant 0 : index
    %get3A_1 = vector.load %arg3[%get3A, %get3A_0] : memref<10000x1xf32, #tpu.memory_space<vmem>>, vector<10000x1xf32>
    %get3A_2 = arith.constant 0 : index
    %get3A_3 = arith.constant 0 : index
    %get3A_4 = arith.constant 0 : index
    %get3A_5 = vector.load %arg1[%get3A_2, %get3A_3, %get3A_4] : memref<2x10240x128xf32, #tpu.memory_space<vmem>>, vector<1x10000x128xf32>
    %get3A_6 = vector.shape_cast %get3A_5 : vector<1x10000x128xf32> to vector<10000x128xf32>
    %get3A_7 = arith.constant 1 : index
    %get3A_8 = arith.constant 0 : index
    %get3A_9 = arith.constant 0 : index
    %get3A_10 = vector.load %arg1[%get3A_7, %get3A_8, %get3A_9] : memref<2x10240x128xf32, #tpu.memory_space<vmem>>, vector<1x10000x128xf32>
    %get3A_11 = vector.shape_cast %get3A_10 : vector<1x10000x128xf32> to vector<10000x128xf32>
    %add3A = arith.addf %get3A_6, %get3A_11 : vector<10000x128xf32>
    %get3A_12 = arith.constant 0 : index
    %get3A_13 = arith.constant 0 : index
    %get3A_14 = vector.load %arg2[%get3A_12, %get3A_13] : memref<10000x128xf32, #tpu.memory_space<vmem>>, vector<10000x128xf32>
    %add3A_15 = arith.addf %add3A, %get3A_14 : vector<10000x128xf32>
    %mul3A = vector.broadcast %get3A_1 : vector<10000x1xf32> to vector<10000x128xf32>
    %mul3A_16 = arith.mulf %mul3A, %add3A_15 : vector<10000x128xf32>
    %get3A_17 = arith.constant 0 : index
    %get3A_18 = arith.constant 0 : index
    %get3A_19 = vector.load %arg4[%get3A_17, %get3A_18] : memref<1x128xf32, #tpu.memory_space<vmem>>, vector<1x128xf32>
    %add3A_20 = vector.broadcast %get3A_19 : vector<1x128xf32> to vector<10000x128xf32>
    %add3A_21 = arith.addf %mul3A_16, %add3A_20 : vector<10000x128xf32>
    %get3A_22 = arith.constant 0 : index
    %get3A_23 = arith.constant 0 : index
    %get3A_24 = arith.constant 0 : index
    %get3A_25 = vector.load %arg5[%get3A_22, %get3A_23, %get3A_24] : memref<1x128x128xf32, #tpu.memory_space<vmem>>, vector<1x128x128xf32>
    %get3A_26 = vector.shape_cast %get3A_25 : vector<1x128x128xf32> to vector<128x128xf32>
    %dot_general3A = arith.constant dense<0.000000e+00> : vector<10000x128xf32>
    %dot_general3A_27 = tpu.matmul %add3A_21, %get3A_26, %dot_general3A {dimension_numbers = #tpu.dot_dimension_numbers<[1], [0], [0], [1], [0, 0, 1, 1], [], []>, transpose_lhs_hint = false} : vector<10000x128xf32>, vector<128x128xf32>, vector<10000x128xf32> -> vector<10000x128xf32>
    %swap3A = arith.constant 0 : index
    %swap3A_28 = arith.constant 0 : index
    %swap3A_29 = arith.constant 0 : index
    %swap3A_30 = vector.load %arg6[%swap3A, %swap3A_28, %swap3A_29] : memref<1x10000x128xf32, #tpu.memory_space<vmem>>, vector<1x10000x128xf32>
    %swap3A_31 = vector.shape_cast %swap3A_30 : vector<1x10000x128xf32> to vector<10000x128xf32>
    %swap3A_32 = vector.shape_cast %dot_general3A_27 : vector<10000x128xf32> to vector<1x10000x128xf32>
    tpu.vector_store %arg6[%swap3A, %swap3A_28, %swap3A_29], %swap3A_32 {strides = array<i32>} : memref<1x10000x128xf32, #tpu.memory_space<vmem>>, vector<1x10000x128xf32>,
    return
  }
  func.func @transform_0(%arg0: i32) -> (i32, i32, i32) {
    %c0_i32 = arith.constant 0 : i32
    %c0_i32_0 = arith.constant 0 : i32
    %c0_i32_1 = arith.constant 0 : i32
    %c0_i32_2 = arith.constant 0 : i32
    return %c0_i32, %c0_i32_0, %c0_i32_1 : i32, i32, i32
  }
  func.func @transform_1(%arg0: i32) -> (i32, i32) {
    %c0_i32 = arith.constant 0 : i32
    %c0_i32_0 = arith.constant 0 : i32
    %c0_i32_1 = arith.constant 0 : i32
    return %c0_i32, %c0_i32_0 : i32, i32
  }
  func.func @transform_2(%arg0: i32) -> (i32, i32) {
    %c0_i32 = arith.constant 0 : i32
    %c0_i32_0 = arith.constant 0 : i32
    %c0_i32_1 = arith.constant 0 : i32
    return %c0_i32, %c0_i32_0 : i32, i32
  }
  func.func @transform_3(%arg0: i32) -> (i32, i32) {
    %c0_i32 = arith.constant 0 : i32
    %c0_i32_0 = arith.constant 0 : i32
    %c0_i32_1 = arith.constant 0 : i32
    return %c0_i32, %c0_i32_0 : i32, i32
  }
  func.func @transform_4(%arg0: i32) -> (i32, i32, i32) {
    %c0_i32 = arith.constant 0 : i32
    %c0_i32_0 = arith.constant 0 : i32
    %c0_i32_1 = arith.constant 0 : i32
    return %arg0, %c0_i32, %c0_i32_0 : i32, i32, i32
  }
  func.func @transform_5(%arg0: i32) -> (i32, i32, i32) {
    %c0_i32 = arith.constant 0 : i32
    %c0_i32_0 = arith.constant 0 : i32
    %c0_i32_1 = arith.constant 0 : i32
    return %arg0, %c0_i32, %c0_i32_0 : i32, i32, i32
  }
}

module attributes {stable_mosaic.version = 14 : i64} {
  func.func @_link_body(%arg0: i32, %arg1: memref<8192x128xf32, #tpu.memory_space<vmem>>, %arg2: memref<8192x128xf32, #tpu.memory_space<vmem>>, %arg3: memref<1x128xf32, #tpu.memory_space<vmem>>, %arg4: memref<1x128xf32, #tpu.memory_space<vmem>>, %arg5: memref<1x1xf32, #tpu.memory_space<vmem>>, %arg6: memref<8192xf32, #tpu.memory_space<vmem>>) attributes {dimension_semantics = [#tpu.dimension_semantics<arbitrary>], iteration_bounds = array<i64: 8>, scalar_prefetch = 0 : i64, scratch_operands = 0 : i64, tpu.core_type = #tpu.core_type<tc>, window_params = [{transform_indices = @transform_0, window_bounds = array<i64: 8192, 128>}, {transform_indices = @transform_1, window_bounds = array<i64: 8192, 128>}, {pipeline_mode = #tpu.pipeline_mode<synchronous>, transform_indices = @transform_2, window_bounds = array<i64: 1, 128>}, {pipeline_mode = #tpu.pipeline_mode<synchronous>, transform_indices = @transform_3, window_bounds = array<i64: 1, 128>}, {pipeline_mode = #tpu.pipeline_mode<synchronous>, transform_indices = @transform_4, window_bounds = array<i64: 1, 1>}, {transform_indices = @transform_5, window_bounds = array<i64: 8192>}]} {
    %get3A = arith.constant 0 : index
    %get3A_0 = arith.constant 0 : index
    %get3A_1 = vector.load %arg1[%get3A, %get3A_0] : memref<8192x128xf32, #tpu.memory_space<vmem>>, vector<8192x128xf32>
    %get3A_2 = arith.constant 0 : index
    %get3A_3 = arith.constant 0 : index
    %get3A_4 = vector.load %arg2[%get3A_2, %get3A_3] : memref<8192x128xf32, #tpu.memory_space<vmem>>, vector<8192x128xf32>
    %add3A = arith.addf %get3A_1, %get3A_4 : vector<8192x128xf32>
    %get3A_5 = arith.constant 0 : index
    %get3A_6 = arith.constant 0 : index
    %get3A_7 = vector.load %arg3[%get3A_5, %get3A_6] : memref<1x128xf32, #tpu.memory_space<vmem>>, vector<1x128xf32>
    %add3A_8 = vector.broadcast %get3A_7 : vector<1x128xf32> to vector<8192x128xf32>
    %add3A_9 = arith.addf %add3A, %add3A_8 : vector<8192x128xf32>
    %max3A = arith.constant 0.000000e+00 : f32
    %max3A_10 = vector.broadcast %max3A : f32 to vector<8192x128xf32>
    %max3A_11 = arith.maximumf %add3A_9, %max3A_10 : vector<8192x128xf32>
    %get3A_12 = arith.constant 0 : index
    %get3A_13 = arith.constant 0 : index
    %get3A_14 = vector.load %arg4[%get3A_12, %get3A_13] : memref<1x128xf32, #tpu.memory_space<vmem>>, vector<1x128xf32>
    %mul3A = vector.broadcast %get3A_14 : vector<1x128xf32> to vector<8192x128xf32>
    %mul3A_15 = arith.mulf %max3A_11, %mul3A : vector<8192x128xf32>
    %reduce_sum3A = arith.constant dense<0.000000e+00> : vector<8192xf32>
    %reduce_sum3A_16 = vector.multi_reduction <add>, %mul3A_15, %reduce_sum3A [1] : vector<8192x128xf32> to vector<8192xf32>
    %get3A_17 = arith.constant 0 : index
    %get3A_18 = arith.constant 0 : index
    %get3A_19 = vector.load %arg5[%get3A_17, %get3A_18] : memref<1x1xf32, #tpu.memory_space<vmem>>, vector<1x1xf32>
    %get3A_20 = vector.extract %get3A_19[0, 0] : f32 from vector<1x1xf32>
    %add3A_21 = vector.broadcast %get3A_20 : f32 to vector<8192xf32>
    %add3A_22 = arith.addf %reduce_sum3A_16, %add3A_21 : vector<8192xf32>
    %neg3A = arith.constant 0.000000e+00 : f32
    %neg3A_23 = vector.broadcast %neg3A : f32 to vector<8192xf32>
    %neg3A_24 = arith.subf %neg3A_23, %add3A_22 : vector<8192xf32>
    %exp3A = math.exp %neg3A_24 : vector<8192xf32>
    %add3A_25 = arith.constant 1.000000e+00 : f32
    %add3A_26 = vector.broadcast %add3A_25 : f32 to vector<8192xf32>
    %add3A_27 = arith.addf %add3A_26, %exp3A : vector<8192xf32>
    %div3A = arith.constant 1.000000e+00 : f32
    %div3A_28 = vector.broadcast %div3A : f32 to vector<8192xf32>
    %div3A_29 = arith.divf %div3A_28, %add3A_27 : vector<8192xf32>
    %swap3A = arith.constant 0 : index
    %swap3A_30 = vector.load %arg6[%swap3A] : memref<8192xf32, #tpu.memory_space<vmem>>, vector<8192xf32>
    tpu.vector_store %arg6[%swap3A], %div3A_29 {strides = array<i32>} : memref<8192xf32, #tpu.memory_space<vmem>>, vector<8192xf32>,
    return
  }
  func.func @transform_0(%arg0: i32) -> (i32, i32) {
    %c0_i32 = arith.constant 0 : i32
    %c0_i32_0 = arith.constant 0 : i32
    return %arg0, %c0_i32 : i32, i32
  }
  func.func @transform_1(%arg0: i32) -> (i32, i32) {
    %add3A = arith.constant 8 : i32
    %add3A_0 = arith.addi %arg0, %add3A : i32
    %c0_i32 = arith.constant 0 : i32
    %c0_i32_1 = arith.constant 0 : i32
    return %add3A_0, %c0_i32 : i32, i32
  }
  func.func @transform_2(%arg0: i32) -> (i32, i32) {
    %c0_i32 = arith.constant 0 : i32
    %c0_i32_0 = arith.constant 0 : i32
    %c0_i32_1 = arith.constant 0 : i32
    return %c0_i32, %c0_i32_0 : i32, i32
  }
  func.func @transform_3(%arg0: i32) -> (i32, i32) {
    %c0_i32 = arith.constant 0 : i32
    %c0_i32_0 = arith.constant 0 : i32
    %c0_i32_1 = arith.constant 0 : i32
    return %c0_i32, %c0_i32_0 : i32, i32
  }
  func.func @transform_4(%arg0: i32) -> (i32, i32) {
    %c0_i32 = arith.constant 0 : i32
    %c0_i32_0 = arith.constant 0 : i32
    %c0_i32_1 = arith.constant 0 : i32
    return %c0_i32, %c0_i32_0 : i32, i32
  }
  func.func @transform_5(%arg0: i32) -> i32 {
    %c0_i32 = arith.constant 0 : i32
    return %arg0 : i32
  }
}

</mosaic_0001>

<sc_bundles>
// kernel: kernel.11.cloned.1.call-start
scs
__scs_entry_jumppad:
0x0: {  	(pc) =	sbr.rel $0x88, $3  }
0x1: {  	(tag) =	ssettag $0x0;
	lr =	simm.s32 $0x1  }
0x2: {  	[smem:$0x3F96] =	sst lr;
	_ =	strace $0xD0000000  }
0x3: {  	_ = 	snop  }
0x4: {  	_ = 	snop  }
0x5: {  	_ = 	snop  }
0x6: {  	_ = 	snop  }
0x7: {  	_ = 	snop  }
__scs_overlays_trampoline_lowered:
0x8: {  	[smem:$0x3FA5] =	sst s0  }
0x9: {  	[smem:$0x3FA6] =	sst s1  }
0xa: {  	[smem:$0x3FA7] =	sst s2  }
0xb: {  	[smem:$0x3FA8] =	sst s3  }
0xc: {  	[smem:$0x3FA9] =	sst s4  }
0xd: {  	[smem:$0x3FAA] =	sst s5  }
0xe: {  	[smem:$0x3FAB] =	sst s6  }
0xf: {  	[smem:$0x3FAC] =	sst s7  }
0x10: {  	[smem:$0x3FAD] =	sst s8  }
0x11: {  	[smem:$0x3FAE] =	sst s9;
	s0 =	simm.s32 @!p0 $0x0  }
0x12: {  	s1 =	sld [smem:$0x3F94];
	s0 =	simm.s32 @p0 $0x1  }
0x13: {  	[smem:$0x3FAF] =	sst s0;
	s0 =	simm.s32 @!p1 $0x0  }
0x14: {  	s2 =	sld [smem:$0x3F93];
	s0 =	simm.s32 @p1 $0x1  }
0x15: {  	[smem:$0x3FB0] =	sst s0;
	s0 =	simm.s32 @!p2 $0x0  }
0x16: {  	s3 =	sld [smem:$0x3FDB];
	s0 =	simm.s32 @p2 $0x1  }
0x17: {  	s4 =	simm.s32 $0x1BF5;
	[smem:$0x3FB2] =	sst s0  }
0x18: {  	s0 =	sld [smem:$0x3F95];
	_ =	swait.ge [sflag:s4], $0x0  }
0x19: {  	s7 =	sld [smem:$0x3F96]  }
0x1a: {  	s8 =	sadd.s32 $0xFFFFE003, lr  }
0x1b: {  	s9 =	sadd.s32 $0xFFFFFEF7, lr;
	s5 =	simm.s32 $0xFFFFFFFF;
	p2 =	slt.u32 s8, $0xFFFFF086  }
0x1c: {  	p1 =	slt.u32 s9, $0xF7A;
	s5 =	simm.s32 @!p2 $0x0  }
0x1d: {  	s5 =	simm.s32 @p1 $0x1;
	p0 =	seq.s32 s7, s2  }
0x1e: {  	s7 =	smul.u32 @!p0 $0xF7A, s2;
	p2 =	seq.s32 @!p0 s5, $0x0  }
0x1f: {  	s9 =	smul.u32 $0xF7A, s1;
	s8 =	simm.s32 @!p0 $0x1BF5;
	p2 =	por !p2, p0  }
0x20: {  	[sflag:s8] =	ssyncset.s32 @!p0 $0xFFFFF086;
	s6 =	sadd.s32 @!p0 s3, s7;
	s7 =	simm.s32 @!p0 $0x108  }
0x21: {  	s3 =	sadd.s32 s3, s9;
	s6 =	sadd.s32 @!p0 $0x88, s6;
	s7 =	simm.s32 @p2 $0x1082  }
0x22: {  	[simem:s7], [sflag:s8] =	dma.local @!p0 [hbm:s6], $0xF7A  }
0x23: {  	s9 =	sor.u32 $0xD0000000, s2;
	s6 =	simm.s32 $0x108;
	_ =	swait.ge @!p0 [sflag:s8], $0x0  }
0x24: {  	s3 =	sadd.s32 $0x88, s3;
	s6 =	simm.s32 @!p1 $0x1082;
	[sflag:s4] =	ssyncset.s32 $0xFFFFF086  }
0x25: {  	[simem:s6], [sflag:s4] =	dma.local [hbm:s3], $0xF7A  }
0x26: {  	[smem:$0x3F96] =	sst s1;
	(tag) =	ssettag s2;
	_ =	strace s9  }
0x27: {  	s1 =	sld [smem:$0x3FA6]  }
0x28: {  	s2 =	sld [smem:$0x3FA7]  }
0x29: {  	s4 =	sld [smem:$0x3FA9]  }
0x2a: {  	p0 =	seq.s32 s5, $0x0;
	s5 =	sld [smem:$0x3FAA]  }
0x2b: {  	s6 =	sld [smem:$0x3FAB]  }
0x2c: {  	s7 =	sld [smem:$0x3FAC]  }
0x2d: {  	s3 =	simm.s32 $0x108;
	s8 =	sld [smem:$0x3FAD]  }
0x2e: {  	s3 =	simm.s32 @!p0 $0x1082;
	s9 =	sld [smem:$0x3FAE]  }
0x2f: {  	lr =	sadd.s32 s0, s3;
	s0 =	sld [smem:$0x3FA5]  }
0x30: {  	s3 =	sld [smem:$0x3FA8]  }
0x31: {  	[smem:$0x3FB1] =	sst s10  }
0x32: {  	s10 =	sld [smem:$0x3FAF];
	_ =	sdelay $0x3  }
0x33: {  	p0 =	seq.s32 s10, $0x1;
	s10 =	sld [smem:$0x3FB1];
	_ =	sdelay $0x3  }
0x34: {  	[smem:$0x3FB1] =	sst s10  }
0x35: {  	s10 =	sld [smem:$0x3FB0];
	_ =	sdelay $0x3  }
0x36: {  	p1 =	seq.s32 s10, $0x1;
	s10 =	sld [smem:$0x3FB1];
	_ =	sdelay $0x3  }
0x37: {  	[smem:$0x3FB1] =	sst s10  }
0x38: {  	s10 =	sld [smem:$0x3FB2]  }
0x39: {  	_ = 	snop;
	(pc) =	sbr.ind lr, $3  }
0x3a: {  	_ = 	snop  }
0x3b: {  	_ = 	snop  }
0x3c: {  	p2 =	seq.s32 s10, $0x1;
	s10 =	sld [smem:$0x3FB1]  }
0x3d: {  	_ =	shalt  }
0x3e: {  	_ =	shalt  }
0x3f: {  	_ =	shalt  }
0x40: {  	_ =	shalt  }
0x41: {  	_ =	shalt  }
0x42: {  	_ =	shalt  }
0x43: {  	_ =	shalt  }
0x44: {  	_ =	shalt  }
0x45: {  	_ =	shalt  }
0x46: {  	_ =	shalt  }
0x47: {  	_ =	shalt  }
0x48: {  	_ =	shalt  }
0x49: {  	_ =	shalt  }
0x4a: {  	_ =	shalt  }
0x4b: {  	_ =	shalt  }
0x4c: {  	_ =	shalt  }
0x4d: {  	_ =	shalt  }
0x4e: {  	_ =	shalt  }
0x4f: {  	_ =	shalt  }
0x50: {  	_ =	shalt  }
0x51: {  	_ =	shalt  }
0x52: {  	_ =	shalt  }
0x53: {  	_ =	shalt  }
0x54: {  	_ =	shalt  }
0x55: {  	_ =	shalt  }
0x56: {  	_ =	shalt  }
0x57: {  	_ =	shalt  }
0x58: {  	_ =	shalt  }
0x59: {  	_ =	shalt  }
0x5a: {  	_ =	shalt  }
0x5b: {  	_ =	shalt  }
0x5c: {  	_ =	shalt  }
0x5d: {  	_ =	shalt  }
0x5e: {  	_ =	shalt  }
0x5f: {  	_ =	shalt  }
0x60: {  	_ =	shalt  }
0x61: {  	_ =	shalt  }
0x62: {  	_ =	shalt  }
0x63: {  	_ =	shalt  }
0x64: {  	_ =	shalt  }
0x65: {  	_ =	shalt  }
0x66: {  	_ =	shalt  }
0x67: {  	_ =	shalt  }
0x68: {  	_ =	shalt  }
0x69: {  	_ =	shalt  }
0x6a: {  	_ =	shalt  }
0x6b: {  	_ =	shalt  }
0x6c: {  	_ =	shalt  }
0x6d: {  	_ =	shalt  }
0x6e: {  	_ =	shalt  }
0x6f: {  	_ =	shalt  }
0x70: {  	_ =	shalt  }
0x71: {  	_ =	shalt  }
0x72: {  	_ =	shalt  }
0x73: {  	_ =	shalt  }
0x74: {  	_ =	shalt  }
0x75: {  	_ =	shalt  }
0x76: {  	_ =	shalt  }
0x77: {  	_ =	shalt  }
0x78: {  	_ =	shalt  }
0x79: {  	_ =	shalt  }
0x7a: {  	_ =	shalt  }
0x7b: {  	_ =	shalt  }
0x7c: {  	_ =	shalt  }
0x7d: {  	_ =	shalt  }
0x7e: {  	_ =	shalt  }
0x7f: {  	_ =	shalt  }
0x80: {  	_ =	shalt  }
0x81: {  	_ =	shalt  }
0x82: {  	_ =	shalt  }
0x83: {  	_ =	shalt  }
0x84: {  	_ =	shalt  }
0x85: {  	_ =	shalt  }
0x86: {  	_ =	shalt  }
0x87: {  	_ =	shalt  }
.Lfunc_end0:
.L_simem_size_0:
called_computation_lowered:
.L_overlay_start_0:
0x88: {  	s2 =	sld [smem:$0x3FD9]  }
0x89: {  	s3 =	sld [smem:$0x3FFE];
	_ =	sdelay $0x1  }
0x8a: {  	s1 =	srdreg.scid  }
0x8b: {  	s0 =	sand.u32 $0x1, s1  }
0x8c: {  	s17 =	sshll.u32 s0, $0xA;
	s2 =	sadd.s32 s3, s2  }
0x8d: {  	s2 =	sadd.s32 s2, s17  }
0x8e: {  	[smem:$0x3FBD] =	sst s2  }
0x8f: {  	_ = 	snop  }
0x90: {  	s2 =	sld [smem:$0x3FD0];
	(tm) =	ssettm $0x1  }
0x91: {  	s18 =	sld [smem:$0x3FFB];
	_ =	sdelay $0x3  }
0x92: {  	_ =	strace s18  }
0x93: {  	s3 =	sld [smem:$0x3FFC];
	_ =	sdelay $0x3  }
0x94: {  	_ =	strace s3  }
0x95: {  	s3 =	sld [smem:$0x3FFD];
	_ =	sdelay $0x3  }
0x96: {  	_ =	strace s3  }
0x97: {  	_ =	strace $0x8FFFFFFF  }
0x98: {  	s19 =	sld [smem:$0x3FDB];
	_ =	sdelay $0x1  }
0x99: {  	s4 =	simm.s32 $_scs_section_size  }
0x9a: {  	s5 =	simm.s32 $_size__tile_overlayer_lowered;
	s6 =	simm.s32 $_tile_overlayer_lowered  }
0x9b: {  	s22 =	simm.s32 $0x1BFF;
	s21 =	sshll.u32 s6, $0x1;
	s3 =	sadd.s32 s4, s19  }
0x9c: {  	s7 =	simm.s32 $0x0;
	s20 =	sshll.u32 s5, $0x1;
	s5 =	sadd.s32 s21, s3  }
0x9d: {  	[timem:s7], [sflag:s22] =	dma.local [hbm:s5], s20  }
0x9e: {  	_ =	swait.ge [sflag:s22], s20  }
0x9f: {  	s4 =	ssub.s32 $0x0, s20;
	[sflag:s22] =	ssyncset.done $0x0  }
0xa0: {  	[sflag:s22] =	ssyncadd.s32 s4;
	_ =	sdelay $0x1  }
0xa1: {  	s23 =	simm.s32 $0x1B8B  }
0xa2: {  	_ =	swait.ge [sflag:s23], $0x1  }
0xa3: {  	[sflag:s23] =	ssyncset.done $0x0  }
0xa4: {  	s25 =	simm.s32 $0x1B8E;
	s24 =	sld [smem:$0x3FFE];
	[sflag:s23] =	ssyncadd.s32 $0xFFFFFFFF  }
0xa5: {  	s26 =	simm.s32 $execute0_lowered;
	[smem:$0x3FD2] =	sst s25  }
0xa6: {  	s5 =	sshll.u32 s26, $0x1;
	_ =	strace $0x80000046;
	[dreg:$0x1] =	wrdreg $0xFFFFFFFF  }
0xa7: {  	s28 =	simm.s32 $_size_execute0_lowered;
	s3 =	sadd.s32 s3, s5;
	[dreg:$0x0] =	wrdreg $0x0  }
0xa8: {  	s5 =	sshll.u32 s28, $0x1;
	[dreg:$0x2] =	wrdreg s3  }
0xa9: {  	[dreg:$0x3] =	wrdreg s5  }
0xaa: {  	[dreg:$0x4] =	wrdreg $0xC0  }
0xab: {  	_ =	task [dreg:s7], $0x5FFFF  }
0xac: {  	[dreg:$0x1] =	wrdreg $0xFFFFFFFF  }
0xad: {  	[dreg:$0x0] =	wrdreg $0x60  }
0xae: {  	[dreg:$0x2] =	wrdreg s24  }
0xaf: {  	[dreg:$0x3] =	wrdreg s2  }
0xb0: {  	[dreg:$0x4] =	wrdreg $0x28800  }
0xb1: {  	[dreg:$0x5] =	wrdreg $0x9  }
0xb2: {  	_ =	task.clear_ibuf [dreg:s7], $0x6FFFF;
	_ =	strace $0x90000046  }
0xb3: {  	s29 =	simm.s32 $0x9;
	_ =	strace $0x80000048  }
0xb4: {  	_ =	swait.ge [sflag:s29], $0x1  }
0xb5: {  	[sflag:s29] =	ssyncadd.s32 $0xFFFFFFFF  }
0xb6: {  	_ =	strace $0x90000048  }
0xb7: {  	_ =	sfence  }
0xb8: {  	s30 =	sld [smem:$0x0];
	_ =	sdelay $0x2  }
0xb9: {  	s31 =	sshll.u32 s1, $0xD;
	s1 =	sshrl.u32 s1, $0x2  }
0xba: {  	s3 =	sand.u32 $0x4000, s31;
	s1 =	sadd.s32 s1, s30  }
0xbb: {  	s0 =	sor.u32 s3, s0;
	s1 =	sshll.u32 s1, $0x11  }
0xbc: {  	s0 =	sor.u32 s1, s0  }
0xbd: {  	s0 =	sadd.s32 $0x8F2B, s0  }
0xbe: {  	[sflag:s0] =	ssyncadd.remote.s32 $0x1  }
0xbf: {  	_ =	sfence.sel $0xFFFF  }
0xc0: {  	[dreg:$0x0] =	wrdreg $0xFFFFFFFF;
	(pc) =	sbr.abs _section_cstart, $3  }
0xc1: {  	[dreg:$0x1] =	wrdreg $0xFFFFFFFF  }
0xc2: {  	_ =	task.clear_ibuf [dreg:s7], $0x2FFFF;
	_ =	strace $0x9FFFFFFF  }
0xc3: {  	(tm) =	ssettm $0x7FFFFFFF  }
tec
execute0_lowered:
.L_overlay_start_1:
0x0: {  	(tag) =	ssettag $0x1  }
0x1: {  	s5 =	rddreg [dreg:$0x0]  }
0x2: {  	s8 =	rddreg [dreg:$0x1]  }
0x3: {  	s0 =	srdreg.scid;
	s2 =	rddreg [dreg:$0x2];
	s3 =	simm.s32 $0x0  }
0x4: {  	s13 =	simm.s32 $0x80;
	s14 =	simm.s32 $0x20;
	s15 =	simm.s32 $0x10  }
0x5: {  	s16 =	simm.s32 $0x0;
	s6 =	sand.u32 $0x1, s0;
	s0 =	stileid.u32  }
0x6: {  	[smem:$0x7FF] =	sst s3;
	s1 =	sshll.u32 s6, $0x4;
	s10 =	smul.u32 $0xA00, s0  }
0x7: {  	s9 =	ssub.s32 $0x2, s6;
	s12 =	smul.u32 $0x500, s0;
	s6 =	sshll.u32 s6, $0x7  }
0x8: {  	s30 =	sshll.u32 s0, $0x6;
	s4 =	sor.u32 s0, s1;
	s1 =	rddreg [dreg:$0x3]  }
0x9: {  	_ =	strace $0x80000047;
	s11 =	sshrl.u32 s9, $0x1;
	s4 =	smul.u32 $0x500, s4  }
0xa: {  	s9 =	ssub.s32 s9, s11;
	s10 =	sshrl.u32 s10, $0x2;
	s12 =	sor.u32 s6, s12  }
0xb: {  	s6 =	sor.u32 $0x1C01, s30;
	s11 =	simm.s32 $0x1;
	s10 =	sadd.s32 s10, s2  }
0xc: {  	s31 =	sshrl.u32 s12, $0x3;
	s9 =	smax.u32 s9, $0x1;
	s12 =	simm.s32 $0x2800  }
0xd: {  	s7 =	sadd.s32 s4, s5;
	s4 =	sadd.s32 $0x17A00, s5;
	s5 =	sadd.s32 $0x17800, s5  }
0xe: {  	s8 =	sadd.s32 s8, s31;
	s10 =	sshrl.u32 s10, $0x3;
	s7 =	sadd.s32 $0x3800, s7  }
.LBB2_1:
0xf: {  	[spmem:s10], [sflag:s6] =	dma.local [hbm:s5], $0x50  }
0x10: {  	_ =	swait.ge [sflag:s11], $0x50  }
0x11: {  	[sflag:s11] =	ssyncset.done $0x0  }
0x12: {  	[sflag:s11] =	ssyncadd.s32 $0xFFFFFFB0  }
0x13: {  	[tilespmem:s12], [sflag:$0x1] =	stream.linear.gather [hbm4b:s4+s3], $0x80, $0x38;
	[tilespmem:$0x2B00] =	vst v63  }
0x14: {  	_ =	swait.ge [sflag:s11], $0x80  }
0x15: {  	[sflag:s11] =	ssyncset.done $0x0  }
0x16: {  	[sflag:s11] =	ssyncadd.s32 $0xFFFFFF80  }
0x17: {  	[tilespmem:s3], [sflag:$0x1] =	stream.linear.gather [hbm4b:s7+s3], $0x2800, $0x38;
	[tilespmem:$0x2B00] =	vst v63  }
0x18: {  	_ =	swait.ge [sflag:s11], $0x2800  }
0x19: {  	[sflag:s11] =	ssyncset.done $0x0  }
0x1a: {  	[sflag:s11] =	ssyncadd.s32 $0xFFFFD800  }
0x1b: {  	s17 =	simm.s32 $0x0;
	[bflag:$0x0] =	sbarrier.arrive $0xFFFF  }
0x1c: {  	[spmem:s2] =	stream.indirect.scatter.add.f32 [tilespmem:s12], [sflag:$0x1], $0x1, s17, s13, $0xb8;
	[tilespmem:$0x2B00] =	vst v63  }
0x1d: {  	_ =	swait.ge [sflag:s11], $0x80  }
0x1e: {  	s17 =	simm.s32 $0x200;
	[sflag:s11] =	ssyncset.done $0x0  }
.LBB2_2:
0x1f: {  	s18 =	sshra.s32 s17, $0x2;
	[sflag:s11] =	ssyncadd.s32 $0xFFFFFF80;
	p0 =	sne.s32 s17, $0x9E00  }
0x20: {  	[spmem:s2] =	stream.indirect.scatter.add.f32 [tilespmem:s12], [sflag:$0x1], $0x1, s18, s13, $0xb8;
	[tilespmem:$0x2B00] =	vst v63  }
.Ltmp0:
0x21: {  	_ = 	snop;
	(pc) =	sbr.rel @p0 .LBB2_2-.Ltmp0, $4  }
0x22: {  	_ = 	snop  }
0x23: {  	s17 =	sadd.s32 $0x200, s17  }
0x24: {  	_ =	swait.ge [sflag:s11], $0x80  }
0x25: {  	[sflag:s11] =	ssyncset.done $0x0  }
0x26: {  	s16 =	sadd.s32 $0x1, s16  }
0x27: {  	[sflag:s11] =	ssyncadd.s32 $0xFFFFFF80;
	p0 =	sne.s32 s16, s9  }
.Ltmp1:
0x28: {  	[bflag:$0x0] =	sbarrier.arrive $0xFFFF;
	(pc) =	sbr.rel @p0 .LBB2_1-.Ltmp1, $4  }
0x29: {  	[hbm:s8@s14], [sflag:s6] =	dma.strided [spmem:s10@s15], $0x50, s11, $0x10   }
0x2a: {  	_ =	swait.ge [sflag:s11], $0x50  }
0x2b: {  	[sflag:s11] =	ssyncset.done $0x0  }
0x2c: {  	[sflag:s11] =	ssyncadd.s32 $0xFFFFFFB0  }
0x2d: {  	_ =	sfence.sel $0x180000  }
0x2e: {  	[bflag:$0x0] =	sbarrier.arrive $0xFFFF  }
0x2f: {  	p0 =	sne.s32 s0, $0x0;
	_ =	strace $0x90000047  }
0x30: {  	s0 =	sadd.s32 @!p0 $0x100000, s1;
	[bflag:$0x2] =	sbarrier.arrive $0xFFFF  }
0x31: {  	[sflag:s0] =	ssyncadd.tile.s32 @!p0 $0x1;
	_ =	shalt  }
.Lfunc_end2:
_tile_overlayer_lowered:
.L_overlay_start_2:
0x32: {  	(tag) =	ssettag $0x2  }
0x33: {  	s0 =	rddreg [dreg:$0x0];
	s2 =	stileid.u32  }
0x34: {  	s1 =	rddreg [dreg:$0x1];
	p0 =	sne.s32 s2, $0x0  }
0x35: {  	s3 =	rddreg [dreg:$0x2];
	[bflag:$0x3] =	sbarrier.arrive $0xFFFF;
	s2 =	simm.s32 @!p0 $0x1C01  }
0x36: {  	[timem:s3], [sflag:s2] =	dma.local @!p0 [hbm:s0], s1  }
0x37: {  	s0 =	simm.s32 @!p0 $0x1  }
0x38: {  	_ =	swait.ge @!p0 [sflag:s0], s1  }
0x39: {  	s1 =	ssub.s32 @!p0 $0x0, s1;
	[sflag:s0] =	ssyncset.done @!p0 $0x0  }
0x3a: {  	[sflag:s0] =	ssyncadd.s32 @!p0 s1  }
0x3b: {  	[bflag:$0x3] =	sbarrier.arrive $0xFFFF  }
0x3c: {  	_ =	shalt  }

// kernel: kernel.14.cloned.1.call-start
scs
__scs_entry_jumppad:
0x0: {  	(pc) =	sbr.rel $0x88, $3  }
0x1: {  	(tag) =	ssettag $0x0;
	lr =	simm.s32 $0x1  }
0x2: {  	[smem:$0x3F96] =	sst lr;
	_ =	strace $0xD0000000  }
0x3: {  	_ = 	snop  }
0x4: {  	_ = 	snop  }
0x5: {  	_ = 	snop  }
0x6: {  	_ = 	snop  }
0x7: {  	_ = 	snop  }
__scs_overlays_trampoline_lowered:
0x8: {  	[smem:$0x3FA5] =	sst s0  }
0x9: {  	[smem:$0x3FA6] =	sst s1  }
0xa: {  	[smem:$0x3FA7] =	sst s2  }
0xb: {  	[smem:$0x3FA8] =	sst s3  }
0xc: {  	[smem:$0x3FA9] =	sst s4  }
0xd: {  	[smem:$0x3FAA] =	sst s5  }
0xe: {  	[smem:$0x3FAB] =	sst s6  }
0xf: {  	[smem:$0x3FAC] =	sst s7  }
0x10: {  	[smem:$0x3FAD] =	sst s8  }
0x11: {  	[smem:$0x3FAE] =	sst s9;
	s0 =	simm.s32 @!p0 $0x0  }
0x12: {  	s1 =	sld [smem:$0x3F94];
	s0 =	simm.s32 @p0 $0x1  }
0x13: {  	[smem:$0x3FAF] =	sst s0;
	s0 =	simm.s32 @!p1 $0x0  }
0x14: {  	s2 =	sld [smem:$0x3F93];
	s0 =	simm.s32 @p1 $0x1  }
0x15: {  	[smem:$0x3FB0] =	sst s0;
	s0 =	simm.s32 @!p2 $0x0  }
0x16: {  	s3 =	sld [smem:$0x3FDB];
	s0 =	simm.s32 @p2 $0x1  }
0x17: {  	s4 =	simm.s32 $0x1BF5;
	[smem:$0x3FB2] =	sst s0  }
0x18: {  	s0 =	sld [smem:$0x3F95];
	_ =	swait.ge [sflag:s4], $0x0  }
0x19: {  	s7 =	sld [smem:$0x3F96]  }
0x1a: {  	s8 =	sadd.s32 $0xFFFFE003, lr  }
0x1b: {  	s9 =	sadd.s32 $0xFFFFFEF7, lr;
	s5 =	simm.s32 $0xFFFFFFFF;
	p2 =	slt.u32 s8, $0xFFFFF086  }
0x1c: {  	p1 =	slt.u32 s9, $0xF7A;
	s5 =	simm.s32 @!p2 $0x0  }
0x1d: {  	s5 =	simm.s32 @p1 $0x1;
	p0 =	seq.s32 s7, s2  }
0x1e: {  	s7 =	smul.u32 @!p0 $0xF7A, s2;
	p2 =	seq.s32 @!p0 s5, $0x0  }
0x1f: {  	s9 =	smul.u32 $0xF7A, s1;
	s8 =	simm.s32 @!p0 $0x1BF5;
	p2 =	por !p2, p0  }
0x20: {  	[sflag:s8] =	ssyncset.s32 @!p0 $0xFFFFF086;
	s6 =	sadd.s32 @!p0 s3, s7;
	s7 =	simm.s32 @!p0 $0x108  }
0x21: {  	s3 =	sadd.s32 s3, s9;
	s6 =	sadd.s32 @!p0 $0x88, s6;
	s7 =	simm.s32 @p2 $0x1082  }
0x22: {  	[simem:s7], [sflag:s8] =	dma.local @!p0 [hbm:s6], $0xF7A  }
0x23: {  	s9 =	sor.u32 $0xD0000000, s2;
	s6 =	simm.s32 $0x108;
	_ =	swait.ge @!p0 [sflag:s8], $0x0  }
0x24: {  	s3 =	sadd.s32 $0x88, s3;
	s6 =	simm.s32 @!p1 $0x1082;
	[sflag:s4] =	ssyncset.s32 $0xFFFFF086  }
0x25: {  	[simem:s6], [sflag:s4] =	dma.local [hbm:s3], $0xF7A  }
0x26: {  	[smem:$0x3F96] =	sst s1;
	(tag) =	ssettag s2;
	_ =	strace s9  }
0x27: {  	s1 =	sld [smem:$0x3FA6]  }
0x28: {  	s2 =	sld [smem:$0x3FA7]  }
0x29: {  	s4 =	sld [smem:$0x3FA9]  }
0x2a: {  	p0 =	seq.s32 s5, $0x0;
	s5 =	sld [smem:$0x3FAA]  }
0x2b: {  	s6 =	sld [smem:$0x3FAB]  }
0x2c: {  	s7 =	sld [smem:$0x3FAC]  }
0x2d: {  	s3 =	simm.s32 $0x108;
	s8 =	sld [smem:$0x3FAD]  }
0x2e: {  	s3 =	simm.s32 @!p0 $0x1082;
	s9 =	sld [smem:$0x3FAE]  }
0x2f: {  	lr =	sadd.s32 s0, s3;
	s0 =	sld [smem:$0x3FA5]  }
0x30: {  	s3 =	sld [smem:$0x3FA8]  }
0x31: {  	[smem:$0x3FB1] =	sst s10  }
0x32: {  	s10 =	sld [smem:$0x3FAF];
	_ =	sdelay $0x3  }
0x33: {  	p0 =	seq.s32 s10, $0x1;
	s10 =	sld [smem:$0x3FB1];
	_ =	sdelay $0x3  }
0x34: {  	[smem:$0x3FB1] =	sst s10  }
0x35: {  	s10 =	sld [smem:$0x3FB0];
	_ =	sdelay $0x3  }
0x36: {  	p1 =	seq.s32 s10, $0x1;
	s10 =	sld [smem:$0x3FB1];
	_ =	sdelay $0x3  }
0x37: {  	[smem:$0x3FB1] =	sst s10  }
0x38: {  	s10 =	sld [smem:$0x3FB2]  }
0x39: {  	_ = 	snop;
	(pc) =	sbr.ind lr, $3  }
0x3a: {  	_ = 	snop  }
0x3b: {  	_ = 	snop  }
0x3c: {  	p2 =	seq.s32 s10, $0x1;
	s10 =	sld [smem:$0x3FB1]  }
0x3d: {  	_ =	shalt  }
0x3e: {  	_ =	shalt  }
0x3f: {  	_ =	shalt  }
0x40: {  	_ =	shalt  }
0x41: {  	_ =	shalt  }
0x42: {  	_ =	shalt  }
0x43: {  	_ =	shalt  }
0x44: {  	_ =	shalt  }
0x45: {  	_ =	shalt  }
0x46: {  	_ =	shalt  }
0x47: {  	_ =	shalt  }
0x48: {  	_ =	shalt  }
0x49: {  	_ =	shalt  }
0x4a: {  	_ =	shalt  }
0x4b: {  	_ =	shalt  }
0x4c: {  	_ =	shalt  }
0x4d: {  	_ =	shalt  }
0x4e: {  	_ =	shalt  }
0x4f: {  	_ =	shalt  }
0x50: {  	_ =	shalt  }
0x51: {  	_ =	shalt  }
0x52: {  	_ =	shalt  }
0x53: {  	_ =	shalt  }
0x54: {  	_ =	shalt  }
0x55: {  	_ =	shalt  }
0x56: {  	_ =	shalt  }
0x57: {  	_ =	shalt  }
0x58: {  	_ =	shalt  }
0x59: {  	_ =	shalt  }
0x5a: {  	_ =	shalt  }
0x5b: {  	_ =	shalt  }
0x5c: {  	_ =	shalt  }
0x5d: {  	_ =	shalt  }
0x5e: {  	_ =	shalt  }
0x5f: {  	_ =	shalt  }
0x60: {  	_ =	shalt  }
0x61: {  	_ =	shalt  }
0x62: {  	_ =	shalt  }
0x63: {  	_ =	shalt  }
0x64: {  	_ =	shalt  }
0x65: {  	_ =	shalt  }
0x66: {  	_ =	shalt  }
0x67: {  	_ =	shalt  }
0x68: {  	_ =	shalt  }
0x69: {  	_ =	shalt  }
0x6a: {  	_ =	shalt  }
0x6b: {  	_ =	shalt  }
0x6c: {  	_ =	shalt  }
0x6d: {  	_ =	shalt  }
0x6e: {  	_ =	shalt  }
0x6f: {  	_ =	shalt  }
0x70: {  	_ =	shalt  }
0x71: {  	_ =	shalt  }
0x72: {  	_ =	shalt  }
0x73: {  	_ =	shalt  }
0x74: {  	_ =	shalt  }
0x75: {  	_ =	shalt  }
0x76: {  	_ =	shalt  }
0x77: {  	_ =	shalt  }
0x78: {  	_ =	shalt  }
0x79: {  	_ =	shalt  }
0x7a: {  	_ =	shalt  }
0x7b: {  	_ =	shalt  }
0x7c: {  	_ =	shalt  }
0x7d: {  	_ =	shalt  }
0x7e: {  	_ =	shalt  }
0x7f: {  	_ =	shalt  }
0x80: {  	_ =	shalt  }
0x81: {  	_ =	shalt  }
0x82: {  	_ =	shalt  }
0x83: {  	_ =	shalt  }
0x84: {  	_ =	shalt  }
0x85: {  	_ =	shalt  }
0x86: {  	_ =	shalt  }
0x87: {  	_ =	shalt  }
.Lfunc_end0:
.L_simem_size_0:
called_computation.1_lowered:
.L_overlay_start_0:
0x88: {  	s2 =	sld [smem:$0x3FD9]  }
0x89: {  	s3 =	sld [smem:$0x3FFE];
	_ =	sdelay $0x1  }
0x8a: {  	s1 =	srdreg.scid  }
0x8b: {  	s0 =	sand.u32 $0x1, s1  }
0x8c: {  	s16 =	sshll.u32 s0, $0xA;
	s2 =	sadd.s32 s3, s2  }
0x8d: {  	s2 =	sadd.s32 s2, s16  }
0x8e: {  	[smem:$0x3FBD] =	sst s2  }
0x8f: {  	_ = 	snop  }
0x90: {  	(tm) =	ssettm $0x1  }
0x91: {  	s17 =	sld [smem:$0x3FFB];
	_ =	sdelay $0x3  }
0x92: {  	_ =	strace s17  }
0x93: {  	s2 =	sld [smem:$0x3FFC];
	_ =	sdelay $0x3  }
0x94: {  	_ =	strace s2  }
0x95: {  	s2 =	sld [smem:$0x3FFD];
	_ =	sdelay $0x3  }
0x96: {  	_ =	strace s2  }
0x97: {  	_ =	strace $0x8FFFFFFF  }
0x98: {  	s18 =	sld [smem:$0x3FDB];
	_ =	sdelay $0x1  }
0x99: {  	s19 =	simm.s32 $_scs_section_size  }
0x9a: {  	s4 =	simm.s32 $_size__tile_overlayer_lowered;
	s5 =	simm.s32 $_tile_overlayer_lowered  }
0x9b: {  	s22 =	simm.s32 $0x1BFF;
	s21 =	sshll.u32 s5, $0x1;
	s2 =	sadd.s32 s19, s18  }
0x9c: {  	s6 =	simm.s32 $0x0;
	s20 =	sshll.u32 s4, $0x1;
	s4 =	sadd.s32 s21, s2  }
0x9d: {  	[timem:s6], [sflag:s22] =	dma.local [hbm:s4], s20  }
0x9e: {  	_ =	swait.ge [sflag:s22], s20  }
0x9f: {  	s3 =	ssub.s32 $0x0, s20;
	[sflag:s22] =	ssyncset.done $0x0  }
0xa0: {  	[sflag:s22] =	ssyncadd.s32 s3;
	_ =	sdelay $0x1  }
0xa1: {  	s23 =	simm.s32 $0x1B8B  }
0xa2: {  	_ =	swait.ge [sflag:s23], $0x1  }
0xa3: {  	[sflag:s23] =	ssyncset.done $0x0  }
0xa4: {  	s25 =	simm.s32 $0x1B8E;
	s24 =	sld [smem:$0x3FFE];
	[sflag:s23] =	ssyncadd.s32 $0xFFFFFFFF  }
0xa5: {  	s26 =	simm.s32 $execute0_lowered;
	[smem:$0x3FD2] =	sst s25  }
0xa6: {  	s4 =	sshll.u32 s26, $0x1;
	_ =	strace $0x80000049;
	[dreg:$0x1] =	wrdreg $0xFFFFFFFF  }
0xa7: {  	s28 =	simm.s32 $_size_execute0_lowered;
	s2 =	sadd.s32 s2, s4;
	[dreg:$0x0] =	wrdreg $0x0  }
0xa8: {  	s4 =	sshll.u32 s28, $0x1;
	[dreg:$0x2] =	wrdreg s2  }
0xa9: {  	[dreg:$0x3] =	wrdreg s4  }
0xaa: {  	[dreg:$0x4] =	wrdreg $0xC0  }
0xab: {  	_ =	task [dreg:s6], $0x5FFFF  }
0xac: {  	[dreg:$0x1] =	wrdreg $0xFFFFFFFF  }
0xad: {  	[dreg:$0x0] =	wrdreg $0x60  }
0xae: {  	[dreg:$0x2] =	wrdreg s24  }
0xaf: {  	[dreg:$0x3] =	wrdreg $0xA8000  }
0xb0: {  	[dreg:$0x4] =	wrdreg $0x9  }
0xb1: {  	_ =	task.clear_ibuf [dreg:s6], $0x5FFFF;
	_ =	strace $0x90000049  }
0xb2: {  	s29 =	simm.s32 $0x9;
	_ =	strace $0x8000004B  }
0xb3: {  	_ =	swait.ge [sflag:s29], $0x1  }
0xb4: {  	[sflag:s29] =	ssyncadd.s32 $0xFFFFFFFF  }
0xb5: {  	_ =	strace $0x9000004B  }
0xb6: {  	_ =	sfence  }
0xb7: {  	s30 =	sld [smem:$0x0];
	_ =	sdelay $0x2  }
0xb8: {  	s31 =	sshll.u32 s1, $0xD;
	s1 =	sshrl.u32 s1, $0x2  }
0xb9: {  	s3 =	sand.u32 $0x4000, s31;
	s1 =	sadd.s32 s1, s30  }
0xba: {  	s0 =	sor.u32 s3, s0;
	s1 =	sshll.u32 s1, $0x11  }
0xbb: {  	s0 =	sor.u32 s1, s0  }
0xbc: {  	s0 =	sadd.s32 $0x8F2B, s0  }
0xbd: {  	[sflag:s0] =	ssyncadd.remote.s32 $0x1  }
0xbe: {  	_ =	sfence.sel $0xFFFF  }
0xbf: {  	[dreg:$0x0] =	wrdreg $0xFFFFFFFF;
	(pc) =	sbr.abs _section_cstart, $3  }
0xc0: {  	[dreg:$0x1] =	wrdreg $0xFFFFFFFF  }
0xc1: {  	_ =	task.clear_ibuf [dreg:s6], $0x2FFFF;
	_ =	strace $0x9FFFFFFF  }
0xc2: {  	(tm) =	ssettm $0x7FFFFFFF  }
0xc3: {  	_ =	shalt  }
tec
execute0_lowered:
.L_overlay_start_1:
0x0: {  	(tag) =	ssettag $0x1  }
0x1: {  	s6 =	rddreg [dreg:$0x0]  }
0x2: {  	s1 =	rddreg [dreg:$0x1]  }
0x3: {  	s2 =	srdreg.scid;
	s0 =	rddreg [dreg:$0x2]  }
0x4: {  	s3 =	simm.s32 $0x0;
	s17 =	simm.s32 $0x80;
	s18 =	simm.s32 $0x2800  }
0x5: {  	s19 =	simm.s32 $0x6800;
	s20 =	simm.s32 $0x3;
	s21 =	simm.s32 $0x1  }
0x6: {  	s22 =	simm.s32 $0x2;
	s23 =	simm.s32 $0x2700;
	s24 =	simm.s32 $0x2780  }
0x7: {  	s5 =	sand.u32 $0x1, s2;
	s2 =	stileid.u32;
	[smem:$0x7FF] =	sst s3  }
0x8: {  	s4 =	sadd.s32 $0x17800, s6;
	s10 =	sadd.s32 $0xD800, s6;
	s7 =	smul.u32 $0x140000, s5  }
0x9: {  	s11 =	sadd.s32 $0x3800, s6;
	s8 =	smul.u32 $0x14000, s2;
	_ =	strace $0x8000004A  }
0xa: {  	s25 =	sshll.u32 s5, $0x4;
	s9 =	ssub.s32 $0x2, s5;
	s28 =	smul.u32 $0x50000, s2  }
0xb: {  	s5 =	sadd.s32 $0x3EA00, s6;
	s26 =	sor.u32 s2, s25;
	s12 =	sshrl.u32 s9, $0x1  }
0xc: {  	s25 =	simm.s32 $0x0;
	s7 =	sadd.s32 s8, s7;
	s13 =	smul.u32 $0x2800, s26  }
0xd: {  	s15 =	ssub.s32 s9, s12;
	s29 =	sshrl.u32 s28, $0x2;
	s7 =	sshrl.u32 s7, $0x3  }
0xe: {  	s16 =	sadd.s32 s29, s1;
	s14 =	sadd.s32 s7, s6;
	s6 =	sshll.u32 s2, $0x6  }
0xf: {  	s30 =	sshrl.u32 s13, $0x3;
	s13 =	smax.u32 s15, $0x1;
	s15 =	simm.s32 $0x4  }
0x10: {  	s7 =	sor.u32 $0x1C03, s6;
	s31 =	sadd.s32 $0x280, s30;
	s8 =	sadd.s32 s10, s30  }
0x11: {  	s9 =	sadd.s32 s11, s30;
	s12 =	sadd.s32 $0x41200, s14;
	s14 =	sshrl.u32 s16, $0x3  }
0x12: {  	s16 =	simm.s32 $0x1400;
	s10 =	sadd.s32 s10, s31;
	s11 =	sadd.s32 s11, s31  }
.LBB2_1:
0x13: {  	[spmem:s14], [sflag:s7] =	dma.local [hbm:s5], $0x2800  }
0x14: {  	[tilespmem:s3], [sflag:$0x4] =	stream.linear.gather [hbm4b:s8+s3], $0x1400, $0x38;
	[tilespmem:$0x1E800] =	vst v63  }
0x15: {  	_ =	swait.ge [sflag:s15], $0x1400  }
0x16: {  	[sflag:s15] =	ssyncset.done $0x0  }
0x17: {  	[sflag:s15] =	ssyncadd.s32 $0xFFFFEC00  }
0x18: {  	[tilespmem:s16], [sflag:$0x4] =	stream.linear.gather [hbm4b:s9+s3], $0x1400, $0x38;
	[tilespmem:$0x1E800] =	vst v63  }
0x19: {  	_ =	swait.ge [sflag:s15], $0x1400  }
0x1a: {  	[sflag:s15] =	ssyncset.done $0x0  }
0x1b: {  	[sflag:s15] =	ssyncadd.s32 $0xFFFFEC00  }
0x1c: {  	[tilespmem:s18], [sflag:$0x1] =	stream.indirect.gather [hbm4b:s4+s17], $0x80, s3, s17, $0xb8;
	[tilespmem:$0x1E800] =	vst v63  }
0x1d: {  	_ = 	snop  }
0x1e: {  	[tilespmem:s19], [sflag:$0x2] =	stream.indirect.gather [hbm4b:s4+s17], $0x80, s17, s17, $0xb8;
	[tilespmem:$0x1E800] =	vst v63  }
0x1f: {  	_ =	swait.ge [sflag:s20], $0x2800  }
0x20: {  	[sflag:s20] =	ssyncset.done $0x0  }
0x21: {  	[sflag:s20] =	ssyncadd.s32 $0xFFFFD800  }
0x22: {  	[bflag:$0x0] =	sbarrier.arrive $0xFFFF  }
0x23: {  	_ =	swait.ge [sflag:s21], $0x4000  }
0x24: {  	[sflag:s21] =	ssyncset.done $0x0  }
0x25: {  	s26 =	simm.s32 $0x1400;
	[sflag:s21] =	ssyncadd.s32 $0xFFFFC000  }
0x26: {  	[spmem:s1] =	stream.indirect.scatter.add.f32 [tilespmem:s18], [sflag:$0x4], $0x80, s26, s17, $0xb8;
	[tilespmem:$0x1E800] =	vst v63  }
0x27: {  	_ =	swait.ge [sflag:s15], $0x4000  }
0x28: {  	[sflag:s15] =	ssyncset.done $0x0  }
0x29: {  	s30 =	simm.s32 $0x100;
	[sflag:s15] =	ssyncadd.s32 $0xFFFFC000  }
0x2a: {  	[tilespmem:s18], [sflag:$0x1] =	stream.indirect.gather [hbm4b:s4+s17], $0x80, s30, s17, $0xb8;
	[tilespmem:$0x1E800] =	vst v63  }
0x2b: {  	_ =	swait.ge [sflag:s22], $0x4000  }
0x2c: {  	[sflag:s22] =	ssyncset.done $0x0  }
0x2d: {  	s31 =	simm.s32 $0x1480;
	[sflag:s22] =	ssyncadd.s32 $0xFFFFC000  }
0x2e: {  	[spmem:s1] =	stream.indirect.scatter.add.f32 [tilespmem:s19], [sflag:$0x4], $0x80, s31, s17, $0xb8;
	[tilespmem:$0x1E800] =	vst v63  }
0x2f: {  	_ =	swait.ge [sflag:s15], $0x4000  }
0x30: {  	[sflag:s15] =	ssyncset.done $0x0  }
0x31: {  	s28 =	simm.s32 $0x180;
	s26 =	simm.s32 $0x400;
	[sflag:s15] =	ssyncadd.s32 $0xFFFFC000  }
.LBB2_2:
0x32: {  	[tilespmem:s19], [sflag:$0x2] =	stream.indirect.gather [hbm4b:s4+s17], $0x80, s28, s17, $0xb8;
	[tilespmem:$0x1E800] =	vst v63  }
0x33: {  	s28 =	smov.u32 s26  }
0x34: {  	p0 =	sne.s32 s26, $0x4800;
	s26 =	sadd.s32 $0x400, s26;
	_ =	swait.ge [sflag:s21], $0x4000  }
0x35: {  	s28 =	sshra.s32 s28, $0x2;
	[sflag:s21] =	ssyncset.done $0x0  }
0x36: {  	s29 =	sadd.s32 $0x1400, s28;
	[sflag:s21] =	ssyncadd.s32 $0xFFFFC000  }
0x37: {  	[spmem:s1] =	stream.indirect.scatter.add.f32 [tilespmem:s18], [sflag:$0x4], $0x80, s29, s17, $0xb8;
	[tilespmem:$0x1E800] =	vst v63  }
0x38: {  	_ =	swait.ge [sflag:s15], $0x4000  }
0x39: {  	[sflag:s15] =	ssyncset.done $0x0  }
0x3a: {  	s29 =	sadd.s32 $0x100, s28;
	[sflag:s15] =	ssyncadd.s32 $0xFFFFC000  }
0x3b: {  	[tilespmem:s18], [sflag:$0x1] =	stream.indirect.gather [hbm4b:s4+s17], $0x80, s29, s17, $0xb8;
	[tilespmem:$0x1E800] =	vst v63  }
0x3c: {  	_ =	swait.ge [sflag:s22], $0x4000  }
0x3d: {  	[sflag:s22] =	ssyncset.done $0x0  }
.Ltmp0:
0x3e: {  	s29 =	sadd.s32 $0x1480, s28;
	[sflag:s22] =	ssyncadd.s32 $0xFFFFC000;
	(pc) =	sbr.rel @p0 .LBB2_2-.Ltmp0, $4  }
0x3f: {  	[spmem:s1] =	stream.indirect.scatter.add.f32 [tilespmem:s19], [sflag:$0x4], $0x80, s29, s17, $0xb8;
	[tilespmem:$0x1E800] =	vst v63  }
0x40: {  	_ =	swait.ge [sflag:s15], $0x4000  }
0x41: {  	[sflag:s15] =	ssyncset.done $0x0  }
0x42: {  	s28 =	sadd.s32 $0x180, s28;
	[sflag:s15] =	ssyncadd.s32 $0xFFFFC000  }
0x43: {  	[tilespmem:s19], [sflag:$0x2] =	stream.indirect.gather [hbm4b:s4+s17], $0x80, s28, s17, $0xb8;
	[tilespmem:$0x1E800] =	vst v63  }
0x44: {  	_ =	swait.ge [sflag:s21], $0x4000  }
0x45: {  	[sflag:s21] =	ssyncset.done $0x0  }
0x46: {  	[sflag:s21] =	ssyncadd.s32 $0xFFFFC000  }
0x47: {  	[spmem:s1] =	stream.indirect.scatter.add.f32 [tilespmem:s18], [sflag:$0x4], $0x80, s23, s17, $0xb8;
	[tilespmem:$0x1E800] =	vst v63  }
0x48: {  	_ =	swait.ge [sflag:s15], $0x4000  }
0x49: {  	[sflag:s15] =	ssyncset.done $0x0  }
0x4a: {  	[sflag:s15] =	ssyncadd.s32 $0xFFFFC000  }
0x4b: {  	_ =	swait.ge [sflag:s22], $0x4000  }
0x4c: {  	[sflag:s22] =	ssyncset.done $0x0  }
0x4d: {  	[sflag:s22] =	ssyncadd.s32 $0xFFFFC000  }
0x4e: {  	[spmem:s1] =	stream.indirect.scatter.add.f32 [tilespmem:s19], [sflag:$0x4], $0x80, s24, s17, $0xb8;
	[tilespmem:$0x1E800] =	vst v63  }
0x4f: {  	_ =	swait.ge [sflag:s15], $0x4000  }
0x50: {  	[sflag:s15] =	ssyncset.done $0x0  }
0x51: {  	s26 =	simm.s32 $0x0;
	[sflag:s15] =	ssyncadd.s32 $0xFFFFC000  }
0x52: {  	[tilespmem:s26], [sflag:$0x4] =	stream.linear.gather [hbm4b:s10+s26], $0x1400, $0x38;
	[tilespmem:$0x1E800] =	vst v63  }
0x53: {  	_ =	swait.ge [sflag:s15], $0x1400  }
0x54: {  	[sflag:s15] =	ssyncset.done $0x0  }
0x55: {  	[sflag:s15] =	ssyncadd.s32 $0xFFFFEC00  }
0x56: {  	[tilespmem:s16], [sflag:$0x4] =	stream.linear.gather [hbm4b:s11+s26], $0x1400, $0x38;
	[tilespmem:$0x1E800] =	vst v63  }
0x57: {  	_ =	swait.ge [sflag:s15], $0x1400  }
0x58: {  	[sflag:s15] =	ssyncset.done $0x0  }
0x59: {  	[sflag:s15] =	ssyncadd.s32 $0xFFFFEC00  }
0x5a: {  	[tilespmem:s18], [sflag:$0x1] =	stream.indirect.gather [hbm4b:s4+s17], $0x80, s26, s17, $0xb8;
	[tilespmem:$0x1E800] =	vst v63  }
0x5b: {  	_ = 	snop  }
0x5c: {  	[tilespmem:s19], [sflag:$0x2] =	stream.indirect.gather [hbm4b:s4+s17], $0x80, s17, s17, $0xb8;
	[tilespmem:$0x1E800] =	vst v63  }
0x5d: {  	_ =	swait.ge [sflag:s21], $0x4000  }
0x5e: {  	[sflag:s21] =	ssyncset.done $0x0  }
0x5f: {  	s29 =	simm.s32 $0x1400;
	[sflag:s21] =	ssyncadd.s32 $0xFFFFC000  }
0x60: {  	[spmem:s1] =	stream.indirect.scatter.add.f32 [tilespmem:s18], [sflag:$0x4], $0x80, s29, s17, $0xb8;
	[tilespmem:$0x1E800] =	vst v63  }
0x61: {  	_ =	swait.ge [sflag:s15], $0x4000  }
0x62: {  	[sflag:s15] =	ssyncset.done $0x0  }
0x63: {  	s30 =	simm.s32 $0x100;
	[sflag:s15] =	ssyncadd.s32 $0xFFFFC000  }
0x64: {  	[tilespmem:s18], [sflag:$0x1] =	stream.indirect.gather [hbm4b:s4+s17], $0x80, s30, s17, $0xb8;
	[tilespmem:$0x1E800] =	vst v63  }
0x65: {  	_ =	swait.ge [sflag:s22], $0x4000  }
0x66: {  	[sflag:s22] =	ssyncset.done $0x0  }
0x67: {  	s31 =	simm.s32 $0x1480;
	[sflag:s22] =	ssyncadd.s32 $0xFFFFC000  }
0x68: {  	[spmem:s1] =	stream.indirect.scatter.add.f32 [tilespmem:s19], [sflag:$0x4], $0x80, s31, s17, $0xb8;
	[tilespmem:$0x1E800] =	vst v63  }
0x69: {  	_ =	swait.ge [sflag:s15], $0x4000  }
0x6a: {  	[sflag:s15] =	ssyncset.done $0x0  }
0x6b: {  	s28 =	simm.s32 $0x180;
	s26 =	simm.s32 $0x400;
	[sflag:s15] =	ssyncadd.s32 $0xFFFFC000  }
.LBB2_4:
0x6c: {  	[tilespmem:s19], [sflag:$0x2] =	stream.indirect.gather [hbm4b:s4+s17], $0x80, s28, s17, $0xb8;
	[tilespmem:$0x1E800] =	vst v63  }
0x6d: {  	s28 =	smov.u32 s26  }
0x6e: {  	p0 =	sne.s32 s26, $0x4800;
	s26 =	sadd.s32 $0x400, s26;
	_ =	swait.ge [sflag:s21], $0x4000  }
0x6f: {  	s28 =	sshra.s32 s28, $0x2;
	[sflag:s21] =	ssyncset.done $0x0  }
0x70: {  	s29 =	sadd.s32 $0x1400, s28;
	[sflag:s21] =	ssyncadd.s32 $0xFFFFC000  }
0x71: {  	[spmem:s1] =	stream.indirect.scatter.add.f32 [tilespmem:s18], [sflag:$0x4], $0x80, s29, s17, $0xb8;
	[tilespmem:$0x1E800] =	vst v63  }
0x72: {  	_ =	swait.ge [sflag:s15], $0x4000  }
0x73: {  	[sflag:s15] =	ssyncset.done $0x0  }
0x74: {  	s29 =	sadd.s32 $0x100, s28;
	[sflag:s15] =	ssyncadd.s32 $0xFFFFC000  }
0x75: {  	[tilespmem:s18], [sflag:$0x1] =	stream.indirect.gather [hbm4b:s4+s17], $0x80, s29, s17, $0xb8;
	[tilespmem:$0x1E800] =	vst v63  }
0x76: {  	_ =	swait.ge [sflag:s22], $0x4000  }
0x77: {  	[sflag:s22] =	ssyncset.done $0x0  }
.Ltmp1:
0x78: {  	s29 =	sadd.s32 $0x1480, s28;
	[sflag:s22] =	ssyncadd.s32 $0xFFFFC000;
	(pc) =	sbr.rel @p0 .LBB2_4-.Ltmp1, $4  }
0x79: {  	[spmem:s1] =	stream.indirect.scatter.add.f32 [tilespmem:s19], [sflag:$0x4], $0x80, s29, s17, $0xb8;
	[tilespmem:$0x1E800] =	vst v63  }
0x7a: {  	_ =	swait.ge [sflag:s15], $0x4000  }
0x7b: {  	[sflag:s15] =	ssyncset.done $0x0  }
0x7c: {  	s28 =	sadd.s32 $0x180, s28;
	[sflag:s15] =	ssyncadd.s32 $0xFFFFC000  }
0x7d: {  	[tilespmem:s19], [sflag:$0x2] =	stream.indirect.gather [hbm4b:s4+s17], $0x80, s28, s17, $0xb8;
	[tilespmem:$0x1E800] =	vst v63  }
0x7e: {  	_ =	swait.ge [sflag:s21], $0x4000  }
0x7f: {  	[sflag:s21] =	ssyncset.done $0x0  }
0x80: {  	[sflag:s21] =	ssyncadd.s32 $0xFFFFC000  }
0x81: {  	[spmem:s1] =	stream.indirect.scatter.add.f32 [tilespmem:s18], [sflag:$0x4], $0x80, s23, s17, $0xb8;
	[tilespmem:$0x1E800] =	vst v63  }
0x82: {  	_ =	swait.ge [sflag:s15], $0x4000  }
0x83: {  	[sflag:s15] =	ssyncset.done $0x0  }
0x84: {  	[sflag:s15] =	ssyncadd.s32 $0xFFFFC000  }
0x85: {  	_ =	swait.ge [sflag:s22], $0x4000  }
0x86: {  	[sflag:s22] =	ssyncset.done $0x0  }
0x87: {  	[sflag:s22] =	ssyncadd.s32 $0xFFFFC000  }
0x88: {  	[spmem:s1] =	stream.indirect.scatter.add.f32 [tilespmem:s19], [sflag:$0x4], $0x80, s24, s17, $0xb8;
	[tilespmem:$0x1E800] =	vst v63  }
0x89: {  	_ =	swait.ge [sflag:s15], $0x4000  }
0x8a: {  	s25 =	sadd.s32 $0x1, s25;
	[sflag:s15] =	ssyncset.done $0x0  }
0x8b: {  	p0 =	sne.s32 s25, s13;
	[sflag:s15] =	ssyncadd.s32 $0xFFFFC000  }
.Ltmp2:
0x8c: {  	s26 =	sor.u32 $0x1C04, s6;
	[bflag:$0x0] =	sbarrier.arrive $0xFFFF;
	(pc) =	sbr.rel @p0 .LBB2_1-.Ltmp2, $4  }
0x8d: {  	[hbm:s12], [sflag:s26] =	dma.local [spmem:s14], $0x2800  }
0x8e: {  	_ =	swait.ge [sflag:s15], $0x2800  }
0x8f: {  	[sflag:s15] =	ssyncset.done $0x0  }
0x90: {  	[sflag:s15] =	ssyncadd.s32 $0xFFFFD800  }
0x91: {  	_ =	sfence.sel $0x180000  }
0x92: {  	[bflag:$0x0] =	sbarrier.arrive $0xFFFF  }
0x93: {  	p0 =	sne.s32 s2, $0x0;
	_ =	strace $0x9000004A  }
0x94: {  	s0 =	sadd.s32 @!p0 $0x100000, s0;
	[bflag:$0x2] =	sbarrier.arrive $0xFFFF  }
0x95: {  	[sflag:s0] =	ssyncadd.tile.s32 @!p0 $0x1;
	_ =	shalt  }
.Lfunc_end2:
_tile_overlayer_lowered:
.L_overlay_start_2:
0x96: {  	(tag) =	ssettag $0x2  }
0x97: {  	s0 =	rddreg [dreg:$0x0];
	s2 =	stileid.u32  }
0x98: {  	s1 =	rddreg [dreg:$0x1];
	p0 =	sne.s32 s2, $0x0  }
0x99: {  	s3 =	rddreg [dreg:$0x2];
	[bflag:$0x3] =	sbarrier.arrive $0xFFFF;
	s2 =	simm.s32 @!p0 $0x1C04  }
0x9a: {  	[timem:s3], [sflag:s2] =	dma.local @!p0 [hbm:s0], s1  }
0x9b: {  	s0 =	simm.s32 @!p0 $0x4  }
0x9c: {  	_ =	swait.ge @!p0 [sflag:s0], s1  }
0x9d: {  	s1 =	ssub.s32 @!p0 $0x0, s1;
	[sflag:s0] =	ssyncset.done @!p0 $0x0  }
0x9e: {  	[sflag:s0] =	ssyncadd.s32 @!p0 s1  }
0x9f: {  	[bflag:$0x3] =	sbarrier.arrive $0xFFFF  }
0xa0: {  	_ =	shalt  }

// kernel: kernel.17.cloned.1.call-start
scs
__scs_entry_jumppad:
0x0: {  	(pc) =	sbr.rel $0x88, $3  }
0x1: {  	(tag) =	ssettag $0x0;
	lr =	simm.s32 $0x1  }
0x2: {  	[smem:$0x3F96] =	sst lr;
	_ =	strace $0xD0000000  }
0x3: {  	_ = 	snop  }
0x4: {  	_ = 	snop  }
0x5: {  	_ = 	snop  }
0x6: {  	_ = 	snop  }
0x7: {  	_ = 	snop  }
__scs_overlays_trampoline_lowered:
0x8: {  	[smem:$0x3FA5] =	sst s0  }
0x9: {  	[smem:$0x3FA6] =	sst s1  }
0xa: {  	[smem:$0x3FA7] =	sst s2  }
0xb: {  	[smem:$0x3FA8] =	sst s3  }
0xc: {  	[smem:$0x3FA9] =	sst s4  }
0xd: {  	[smem:$0x3FAA] =	sst s5  }
0xe: {  	[smem:$0x3FAB] =	sst s6  }
0xf: {  	[smem:$0x3FAC] =	sst s7  }
0x10: {  	[smem:$0x3FAD] =	sst s8  }
0x11: {  	[smem:$0x3FAE] =	sst s9;
	s0 =	simm.s32 @!p0 $0x0  }
0x12: {  	s1 =	sld [smem:$0x3F94];
	s0 =	simm.s32 @p0 $0x1  }
0x13: {  	[smem:$0x3FAF] =	sst s0;
	s0 =	simm.s32 @!p1 $0x0  }
0x14: {  	s2 =	sld [smem:$0x3F93];
	s0 =	simm.s32 @p1 $0x1  }
0x15: {  	[smem:$0x3FB0] =	sst s0;
	s0 =	simm.s32 @!p2 $0x0  }
0x16: {  	s3 =	sld [smem:$0x3FDB];
	s0 =	simm.s32 @p2 $0x1  }
0x17: {  	s4 =	simm.s32 $0x1BF5;
	[smem:$0x3FB2] =	sst s0  }
0x18: {  	s0 =	sld [smem:$0x3F95];
	_ =	swait.ge [sflag:s4], $0x0  }
0x19: {  	s7 =	sld [smem:$0x3F96]  }
0x1a: {  	s8 =	sadd.s32 $0xFFFFE003, lr  }
0x1b: {  	s9 =	sadd.s32 $0xFFFFFEF7, lr;
	s5 =	simm.s32 $0xFFFFFFFF;
	p2 =	slt.u32 s8, $0xFFFFF086  }
0x1c: {  	p1 =	slt.u32 s9, $0xF7A;
	s5 =	simm.s32 @!p2 $0x0  }
0x1d: {  	s5 =	simm.s32 @p1 $0x1;
	p0 =	seq.s32 s7, s2  }
0x1e: {  	s7 =	smul.u32 @!p0 $0xF7A, s2;
	p2 =	seq.s32 @!p0 s5, $0x0  }
0x1f: {  	s9 =	smul.u32 $0xF7A, s1;
	s8 =	simm.s32 @!p0 $0x1BF5;
	p2 =	por !p2, p0  }
0x20: {  	[sflag:s8] =	ssyncset.s32 @!p0 $0xFFFFF086;
	s6 =	sadd.s32 @!p0 s3, s7;
	s7 =	simm.s32 @!p0 $0x108  }
0x21: {  	s3 =	sadd.s32 s3, s9;
	s6 =	sadd.s32 @!p0 $0x88, s6;
	s7 =	simm.s32 @p2 $0x1082  }
0x22: {  	[simem:s7], [sflag:s8] =	dma.local @!p0 [hbm:s6], $0xF7A  }
0x23: {  	s9 =	sor.u32 $0xD0000000, s2;
	s6 =	simm.s32 $0x108;
	_ =	swait.ge @!p0 [sflag:s8], $0x0  }
0x24: {  	s3 =	sadd.s32 $0x88, s3;
	s6 =	simm.s32 @!p1 $0x1082;
	[sflag:s4] =	ssyncset.s32 $0xFFFFF086  }
0x25: {  	[simem:s6], [sflag:s4] =	dma.local [hbm:s3], $0xF7A  }
0x26: {  	[smem:$0x3F96] =	sst s1;
	(tag) =	ssettag s2;
	_ =	strace s9  }
0x27: {  	s1 =	sld [smem:$0x3FA6]  }
0x28: {  	s2 =	sld [smem:$0x3FA7]  }
0x29: {  	s4 =	sld [smem:$0x3FA9]  }
0x2a: {  	p0 =	seq.s32 s5, $0x0;
	s5 =	sld [smem:$0x3FAA]  }
0x2b: {  	s6 =	sld [smem:$0x3FAB]  }
0x2c: {  	s7 =	sld [smem:$0x3FAC]  }
0x2d: {  	s3 =	simm.s32 $0x108;
	s8 =	sld [smem:$0x3FAD]  }
0x2e: {  	s3 =	simm.s32 @!p0 $0x1082;
	s9 =	sld [smem:$0x3FAE]  }
0x2f: {  	lr =	sadd.s32 s0, s3;
	s0 =	sld [smem:$0x3FA5]  }
0x30: {  	s3 =	sld [smem:$0x3FA8]  }
0x31: {  	[smem:$0x3FB1] =	sst s10  }
0x32: {  	s10 =	sld [smem:$0x3FAF];
	_ =	sdelay $0x3  }
0x33: {  	p0 =	seq.s32 s10, $0x1;
	s10 =	sld [smem:$0x3FB1];
	_ =	sdelay $0x3  }
0x34: {  	[smem:$0x3FB1] =	sst s10  }
0x35: {  	s10 =	sld [smem:$0x3FB0];
	_ =	sdelay $0x3  }
0x36: {  	p1 =	seq.s32 s10, $0x1;
	s10 =	sld [smem:$0x3FB1];
	_ =	sdelay $0x3  }
0x37: {  	[smem:$0x3FB1] =	sst s10  }
0x38: {  	s10 =	sld [smem:$0x3FB2]  }
0x39: {  	_ = 	snop;
	(pc) =	sbr.ind lr, $3  }
0x3a: {  	_ = 	snop  }
0x3b: {  	_ = 	snop  }
0x3c: {  	p2 =	seq.s32 s10, $0x1;
	s10 =	sld [smem:$0x3FB1]  }
0x3d: {  	_ =	shalt  }
0x3e: {  	_ =	shalt  }
0x3f: {  	_ =	shalt  }
0x40: {  	_ =	shalt  }
0x41: {  	_ =	shalt  }
0x42: {  	_ =	shalt  }
0x43: {  	_ =	shalt  }
0x44: {  	_ =	shalt  }
0x45: {  	_ =	shalt  }
0x46: {  	_ =	shalt  }
0x47: {  	_ =	shalt  }
0x48: {  	_ =	shalt  }
0x49: {  	_ =	shalt  }
0x4a: {  	_ =	shalt  }
0x4b: {  	_ =	shalt  }
0x4c: {  	_ =	shalt  }
0x4d: {  	_ =	shalt  }
0x4e: {  	_ =	shalt  }
0x4f: {  	_ =	shalt  }
0x50: {  	_ =	shalt  }
0x51: {  	_ =	shalt  }
0x52: {  	_ =	shalt  }
0x53: {  	_ =	shalt  }
0x54: {  	_ =	shalt  }
0x55: {  	_ =	shalt  }
0x56: {  	_ =	shalt  }
0x57: {  	_ =	shalt  }
0x58: {  	_ =	shalt  }
0x59: {  	_ =	shalt  }
0x5a: {  	_ =	shalt  }
0x5b: {  	_ =	shalt  }
0x5c: {  	_ =	shalt  }
0x5d: {  	_ =	shalt  }
0x5e: {  	_ =	shalt  }
0x5f: {  	_ =	shalt  }
0x60: {  	_ =	shalt  }
0x61: {  	_ =	shalt  }
0x62: {  	_ =	shalt  }
0x63: {  	_ =	shalt  }
0x64: {  	_ =	shalt  }
0x65: {  	_ =	shalt  }
0x66: {  	_ =	shalt  }
0x67: {  	_ =	shalt  }
0x68: {  	_ =	shalt  }
0x69: {  	_ =	shalt  }
0x6a: {  	_ =	shalt  }
0x6b: {  	_ =	shalt  }
0x6c: {  	_ =	shalt  }
0x6d: {  	_ =	shalt  }
0x6e: {  	_ =	shalt  }
0x6f: {  	_ =	shalt  }
0x70: {  	_ =	shalt  }
0x71: {  	_ =	shalt  }
0x72: {  	_ =	shalt  }
0x73: {  	_ =	shalt  }
0x74: {  	_ =	shalt  }
0x75: {  	_ =	shalt  }
0x76: {  	_ =	shalt  }
0x77: {  	_ =	shalt  }
0x78: {  	_ =	shalt  }
0x79: {  	_ =	shalt  }
0x7a: {  	_ =	shalt  }
0x7b: {  	_ =	shalt  }
0x7c: {  	_ =	shalt  }
0x7d: {  	_ =	shalt  }
0x7e: {  	_ =	shalt  }
0x7f: {  	_ =	shalt  }
0x80: {  	_ =	shalt  }
0x81: {  	_ =	shalt  }
0x82: {  	_ =	shalt  }
0x83: {  	_ =	shalt  }
0x84: {  	_ =	shalt  }
0x85: {  	_ =	shalt  }
0x86: {  	_ =	shalt  }
0x87: {  	_ =	shalt  }
.Lfunc_end0:
.L_simem_size_0:
called_computation.2_lowered:
.L_overlay_start_0:
0x88: {  	s2 =	sld [smem:$0x3FD9]  }
0x89: {  	s3 =	sld [smem:$0x3FFE];
	_ =	sdelay $0x1  }
0x8a: {  	s1 =	srdreg.scid  }
0x8b: {  	s0 =	sand.u32 $0x1, s1  }
0x8c: {  	s16 =	sshll.u32 s0, $0xA;
	s2 =	sadd.s32 s3, s2  }
0x8d: {  	s2 =	sadd.s32 s2, s16  }
0x8e: {  	[smem:$0x3FBD] =	sst s2  }
0x8f: {  	_ = 	snop  }
0x90: {  	(tm) =	ssettm $0x1  }
0x91: {  	s17 =	sld [smem:$0x3FFB];
	_ =	sdelay $0x3  }
0x92: {  	_ =	strace s17  }
0x93: {  	s2 =	sld [smem:$0x3FFC];
	_ =	sdelay $0x3  }
0x94: {  	_ =	strace s2  }
0x95: {  	s2 =	sld [smem:$0x3FFD];
	_ =	sdelay $0x3  }
0x96: {  	_ =	strace s2  }
0x97: {  	_ =	strace $0x8FFFFFFF  }
0x98: {  	s18 =	sld [smem:$0x3FDB];
	_ =	sdelay $0x1  }
0x99: {  	s19 =	simm.s32 $_scs_section_size  }
0x9a: {  	s4 =	simm.s32 $_size__tile_overlayer_lowered;
	s5 =	simm.s32 $_tile_overlayer_lowered  }
0x9b: {  	s22 =	simm.s32 $0x1BFF;
	s21 =	sshll.u32 s5, $0x1;
	s2 =	sadd.s32 s19, s18  }
0x9c: {  	s6 =	simm.s32 $0x0;
	s20 =	sshll.u32 s4, $0x1;
	s4 =	sadd.s32 s21, s2  }
0x9d: {  	[timem:s6], [sflag:s22] =	dma.local [hbm:s4], s20  }
0x9e: {  	_ =	swait.ge [sflag:s22], s20  }
0x9f: {  	s3 =	ssub.s32 $0x0, s20;
	[sflag:s22] =	ssyncset.done $0x0  }
0xa0: {  	[sflag:s22] =	ssyncadd.s32 s3;
	_ =	sdelay $0x1  }
0xa1: {  	s23 =	simm.s32 $0x1B8B  }
0xa2: {  	_ =	swait.ge [sflag:s23], $0x1  }
0xa3: {  	[sflag:s23] =	ssyncset.done $0x0  }
0xa4: {  	s25 =	simm.s32 $0x1B8E;
	s24 =	sld [smem:$0x3FFE];
	[sflag:s23] =	ssyncadd.s32 $0xFFFFFFFF  }
0xa5: {  	s26 =	simm.s32 $execute0_lowered;
	[smem:$0x3FD2] =	sst s25  }
0xa6: {  	s4 =	sshll.u32 s26, $0x1;
	_ =	strace $0x8000004C;
	[dreg:$0x1] =	wrdreg $0xFFFFFFFF  }
0xa7: {  	s28 =	simm.s32 $_size_execute0_lowered;
	s2 =	sadd.s32 s2, s4;
	[dreg:$0x0] =	wrdreg $0x0  }
0xa8: {  	s4 =	sshll.u32 s28, $0x1;
	[dreg:$0x2] =	wrdreg s2  }
0xa9: {  	[dreg:$0x3] =	wrdreg s4  }
0xaa: {  	[dreg:$0x4] =	wrdreg $0xC0  }
0xab: {  	_ =	task [dreg:s6], $0x5FFFF  }
0xac: {  	[dreg:$0x1] =	wrdreg $0xFFFFFFFF  }
0xad: {  	[dreg:$0x0] =	wrdreg $0x60  }
0xae: {  	[dreg:$0x2] =	wrdreg s24  }
0xaf: {  	[dreg:$0x3] =	wrdreg $0xA8000  }
0xb0: {  	[dreg:$0x4] =	wrdreg $0x9  }
0xb1: {  	_ =	task.clear_ibuf [dreg:s6], $0x5FFFF;
	_ =	strace $0x9000004C  }
0xb2: {  	s29 =	simm.s32 $0x9;
	_ =	strace $0x8000004E  }
0xb3: {  	_ =	swait.ge [sflag:s29], $0x1  }
0xb4: {  	[sflag:s29] =	ssyncadd.s32 $0xFFFFFFFF  }
0xb5: {  	_ =	strace $0x9000004E  }
0xb6: {  	_ =	sfence  }
0xb7: {  	s30 =	sld [smem:$0x0];
	_ =	sdelay $0x2  }
0xb8: {  	s31 =	sshll.u32 s1, $0xD;
	s1 =	sshrl.u32 s1, $0x2  }
0xb9: {  	s3 =	sand.u32 $0x4000, s31;
	s1 =	sadd.s32 s1, s30  }
0xba: {  	s0 =	sor.u32 s3, s0;
	s1 =	sshll.u32 s1, $0x11  }
0xbb: {  	s0 =	sor.u32 s1, s0  }
0xbc: {  	s0 =	sadd.s32 $0x8F2B, s0  }
0xbd: {  	[sflag:s0] =	ssyncadd.remote.s32 $0x1  }
0xbe: {  	_ =	sfence.sel $0xFFFF  }
0xbf: {  	[dreg:$0x0] =	wrdreg $0xFFFFFFFF;
	(pc) =	sbr.abs _section_cstart, $3  }
0xc0: {  	[dreg:$0x1] =	wrdreg $0xFFFFFFFF  }
0xc1: {  	_ =	task.clear_ibuf [dreg:s6], $0x2FFFF;
	_ =	strace $0x9FFFFFFF  }
0xc2: {  	(tm) =	ssettm $0x7FFFFFFF  }
0xc3: {  	_ =	shalt  }
tec
execute0_lowered:
.L_overlay_start_1:
0x0: {  	(tag) =	ssettag $0x1  }
0x1: {  	s6 =	rddreg [dreg:$0x0]  }
0x2: {  	s1 =	rddreg [dreg:$0x1]  }
0x3: {  	s2 =	srdreg.scid;
	s0 =	rddreg [dreg:$0x2]  }
0x4: {  	s3 =	simm.s32 $0x0;
	s17 =	simm.s32 $0x80;
	s18 =	simm.s32 $0x2800  }
0x5: {  	s19 =	simm.s32 $0x6800;
	s20 =	simm.s32 $0x3;
	s21 =	simm.s32 $0x1  }
0x6: {  	s22 =	simm.s32 $0x2;
	s23 =	simm.s32 $0x2700;
	s24 =	simm.s32 $0x2780  }
0x7: {  	s5 =	sand.u32 $0x1, s2;
	s2 =	stileid.u32;
	[smem:$0x7FF] =	sst s3  }
0x8: {  	s4 =	sadd.s32 $0x17800, s6;
	s10 =	sadd.s32 $0xD800, s6;
	s7 =	smul.u32 $0x140000, s5  }
0x9: {  	s11 =	sadd.s32 $0x3800, s6;
	s8 =	smul.u32 $0x14000, s2;
	_ =	strace $0x8000004D  }
0xa: {  	s25 =	sshll.u32 s5, $0x4;
	s9 =	ssub.s32 $0x2, s5;
	s28 =	smul.u32 $0x50000, s2  }
0xb: {  	s5 =	sadd.s32 $0x3EA00, s6;
	s26 =	sor.u32 s2, s25;
	s12 =	sshrl.u32 s9, $0x1  }
0xc: {  	s25 =	simm.s32 $0x0;
	s7 =	sadd.s32 s8, s7;
	s13 =	smul.u32 $0x2800, s26  }
0xd: {  	s15 =	ssub.s32 s9, s12;
	s29 =	sshrl.u32 s28, $0x2;
	s7 =	sshrl.u32 s7, $0x3  }
0xe: {  	s16 =	sadd.s32 s29, s1;
	s14 =	sadd.s32 s7, s6;
	s6 =	sshll.u32 s2, $0x6  }
0xf: {  	s30 =	sshrl.u32 s13, $0x3;
	s13 =	smax.u32 s15, $0x1;
	s15 =	simm.s32 $0x4  }
0x10: {  	s7 =	sor.u32 $0x1C03, s6;
	s31 =	sadd.s32 $0x280, s30;
	s8 =	sadd.s32 s10, s30  }
0x11: {  	s9 =	sadd.s32 s11, s30;
	s12 =	sadd.s32 $0x41200, s14;
	s14 =	sshrl.u32 s16, $0x3  }
0x12: {  	s16 =	simm.s32 $0x1400;
	s10 =	sadd.s32 s10, s31;
	s11 =	sadd.s32 s11, s31  }
.LBB2_1:
0x13: {  	[spmem:s14], [sflag:s7] =	dma.local [hbm:s5], $0x2800  }
0x14: {  	[tilespmem:s3], [sflag:$0x4] =	stream.linear.gather [hbm4b:s8+s3], $0x1400, $0x38;
	[tilespmem:$0x1E800] =	vst v63  }
0x15: {  	_ =	swait.ge [sflag:s15], $0x1400  }
0x16: {  	[sflag:s15] =	ssyncset.done $0x0  }
0x17: {  	[sflag:s15] =	ssyncadd.s32 $0xFFFFEC00  }
0x18: {  	[tilespmem:s16], [sflag:$0x4] =	stream.linear.gather [hbm4b:s9+s3], $0x1400, $0x38;
	[tilespmem:$0x1E800] =	vst v63  }
0x19: {  	_ =	swait.ge [sflag:s15], $0x1400  }
0x1a: {  	[sflag:s15] =	ssyncset.done $0x0  }
0x1b: {  	[sflag:s15] =	ssyncadd.s32 $0xFFFFEC00  }
0x1c: {  	[tilespmem:s18], [sflag:$0x1] =	stream.indirect.gather [hbm4b:s4+s17], $0x80, s3, s17, $0xb8;
	[tilespmem:$0x1E800] =	vst v63  }
0x1d: {  	_ = 	snop  }
0x1e: {  	[tilespmem:s19], [sflag:$0x2] =	stream.indirect.gather [hbm4b:s4+s17], $0x80, s17, s17, $0xb8;
	[tilespmem:$0x1E800] =	vst v63  }
0x1f: {  	_ =	swait.ge [sflag:s20], $0x2800  }
0x20: {  	[sflag:s20] =	ssyncset.done $0x0  }
0x21: {  	[sflag:s20] =	ssyncadd.s32 $0xFFFFD800  }
0x22: {  	[bflag:$0x0] =	sbarrier.arrive $0xFFFF  }
0x23: {  	_ =	swait.ge [sflag:s21], $0x4000  }
0x24: {  	[sflag:s21] =	ssyncset.done $0x0  }
0x25: {  	s26 =	simm.s32 $0x1400;
	[sflag:s21] =	ssyncadd.s32 $0xFFFFC000  }
0x26: {  	[spmem:s1] =	stream.indirect.scatter.add.f32 [tilespmem:s18], [sflag:$0x4], $0x80, s26, s17, $0xb8;
	[tilespmem:$0x1E800] =	vst v63  }
0x27: {  	_ =	swait.ge [sflag:s15], $0x4000  }
0x28: {  	[sflag:s15] =	ssyncset.done $0x0  }
0x29: {  	s30 =	simm.s32 $0x100;
	[sflag:s15] =	ssyncadd.s32 $0xFFFFC000  }
0x2a: {  	[tilespmem:s18], [sflag:$0x1] =	stream.indirect.gather [hbm4b:s4+s17], $0x80, s30, s17, $0xb8;
	[tilespmem:$0x1E800] =	vst v63  }
0x2b: {  	_ =	swait.ge [sflag:s22], $0x4000  }
0x2c: {  	[sflag:s22] =	ssyncset.done $0x0  }
0x2d: {  	s31 =	simm.s32 $0x1480;
	[sflag:s22] =	ssyncadd.s32 $0xFFFFC000  }
0x2e: {  	[spmem:s1] =	stream.indirect.scatter.add.f32 [tilespmem:s19], [sflag:$0x4], $0x80, s31, s17, $0xb8;
	[tilespmem:$0x1E800] =	vst v63  }
0x2f: {  	_ =	swait.ge [sflag:s15], $0x4000  }
0x30: {  	[sflag:s15] =	ssyncset.done $0x0  }
0x31: {  	s28 =	simm.s32 $0x180;
	s26 =	simm.s32 $0x400;
	[sflag:s15] =	ssyncadd.s32 $0xFFFFC000  }
.LBB2_2:
0x32: {  	[tilespmem:s19], [sflag:$0x2] =	stream.indirect.gather [hbm4b:s4+s17], $0x80, s28, s17, $0xb8;
	[tilespmem:$0x1E800] =	vst v63  }
0x33: {  	s28 =	smov.u32 s26  }
0x34: {  	p0 =	sne.s32 s26, $0x4800;
	s26 =	sadd.s32 $0x400, s26;
	_ =	swait.ge [sflag:s21], $0x4000  }
0x35: {  	s28 =	sshra.s32 s28, $0x2;
	[sflag:s21] =	ssyncset.done $0x0  }
0x36: {  	s29 =	sadd.s32 $0x1400, s28;
	[sflag:s21] =	ssyncadd.s32 $0xFFFFC000  }
0x37: {  	[spmem:s1] =	stream.indirect.scatter.add.f32 [tilespmem:s18], [sflag:$0x4], $0x80, s29, s17, $0xb8;
	[tilespmem:$0x1E800] =	vst v63  }
0x38: {  	_ =	swait.ge [sflag:s15], $0x4000  }
0x39: {  	[sflag:s15] =	ssyncset.done $0x0  }
0x3a: {  	s29 =	sadd.s32 $0x100, s28;
	[sflag:s15] =	ssyncadd.s32 $0xFFFFC000  }
0x3b: {  	[tilespmem:s18], [sflag:$0x1] =	stream.indirect.gather [hbm4b:s4+s17], $0x80, s29, s17, $0xb8;
	[tilespmem:$0x1E800] =	vst v63  }
0x3c: {  	_ =	swait.ge [sflag:s22], $0x4000  }
0x3d: {  	[sflag:s22] =	ssyncset.done $0x0  }
.Ltmp0:
0x3e: {  	s29 =	sadd.s32 $0x1480, s28;
	[sflag:s22] =	ssyncadd.s32 $0xFFFFC000;
	(pc) =	sbr.rel @p0 .LBB2_2-.Ltmp0, $4  }
0x3f: {  	[spmem:s1] =	stream.indirect.scatter.add.f32 [tilespmem:s19], [sflag:$0x4], $0x80, s29, s17, $0xb8;
	[tilespmem:$0x1E800] =	vst v63  }
0x40: {  	_ =	swait.ge [sflag:s15], $0x4000  }
0x41: {  	[sflag:s15] =	ssyncset.done $0x0  }
0x42: {  	s28 =	sadd.s32 $0x180, s28;
	[sflag:s15] =	ssyncadd.s32 $0xFFFFC000  }
0x43: {  	[tilespmem:s19], [sflag:$0x2] =	stream.indirect.gather [hbm4b:s4+s17], $0x80, s28, s17, $0xb8;
	[tilespmem:$0x1E800] =	vst v63  }
0x44: {  	_ =	swait.ge [sflag:s21], $0x4000  }
0x45: {  	[sflag:s21] =	ssyncset.done $0x0  }
0x46: {  	[sflag:s21] =	ssyncadd.s32 $0xFFFFC000  }
0x47: {  	[spmem:s1] =	stream.indirect.scatter.add.f32 [tilespmem:s18], [sflag:$0x4], $0x80, s23, s17, $0xb8;
	[tilespmem:$0x1E800] =	vst v63  }
0x48: {  	_ =	swait.ge [sflag:s15], $0x4000  }
0x49: {  	[sflag:s15] =	ssyncset.done $0x0  }
0x4a: {  	[sflag:s15] =	ssyncadd.s32 $0xFFFFC000  }
0x4b: {  	_ =	swait.ge [sflag:s22], $0x4000  }
0x4c: {  	[sflag:s22] =	ssyncset.done $0x0  }
0x4d: {  	[sflag:s22] =	ssyncadd.s32 $0xFFFFC000  }
0x4e: {  	[spmem:s1] =	stream.indirect.scatter.add.f32 [tilespmem:s19], [sflag:$0x4], $0x80, s24, s17, $0xb8;
	[tilespmem:$0x1E800] =	vst v63  }
0x4f: {  	_ =	swait.ge [sflag:s15], $0x4000  }
0x50: {  	[sflag:s15] =	ssyncset.done $0x0  }
0x51: {  	s26 =	simm.s32 $0x0;
	[sflag:s15] =	ssyncadd.s32 $0xFFFFC000  }
0x52: {  	[tilespmem:s26], [sflag:$0x4] =	stream.linear.gather [hbm4b:s10+s26], $0x1400, $0x38;
	[tilespmem:$0x1E800] =	vst v63  }
0x53: {  	_ =	swait.ge [sflag:s15], $0x1400  }
0x54: {  	[sflag:s15] =	ssyncset.done $0x0  }
0x55: {  	[sflag:s15] =	ssyncadd.s32 $0xFFFFEC00  }
0x56: {  	[tilespmem:s16], [sflag:$0x4] =	stream.linear.gather [hbm4b:s11+s26], $0x1400, $0x38;
	[tilespmem:$0x1E800] =	vst v63  }
0x57: {  	_ =	swait.ge [sflag:s15], $0x1400  }
0x58: {  	[sflag:s15] =	ssyncset.done $0x0  }
0x59: {  	[sflag:s15] =	ssyncadd.s32 $0xFFFFEC00  }
0x5a: {  	[tilespmem:s18], [sflag:$0x1] =	stream.indirect.gather [hbm4b:s4+s17], $0x80, s26, s17, $0xb8;
	[tilespmem:$0x1E800] =	vst v63  }
0x5b: {  	_ = 	snop  }
0x5c: {  	[tilespmem:s19], [sflag:$0x2] =	stream.indirect.gather [hbm4b:s4+s17], $0x80, s17, s17, $0xb8;
	[tilespmem:$0x1E800] =	vst v63  }
0x5d: {  	_ =	swait.ge [sflag:s21], $0x4000  }
0x5e: {  	[sflag:s21] =	ssyncset.done $0x0  }
0x5f: {  	s29 =	simm.s32 $0x1400;
	[sflag:s21] =	ssyncadd.s32 $0xFFFFC000  }
0x60: {  	[spmem:s1] =	stream.indirect.scatter.add.f32 [tilespmem:s18], [sflag:$0x4], $0x80, s29, s17, $0xb8;
	[tilespmem:$0x1E800] =	vst v63  }
0x61: {  	_ =	swait.ge [sflag:s15], $0x4000  }
0x62: {  	[sflag:s15] =	ssyncset.done $0x0  }
0x63: {  	s30 =	simm.s32 $0x100;
	[sflag:s15] =	ssyncadd.s32 $0xFFFFC000  }
0x64: {  	[tilespmem:s18], [sflag:$0x1] =	stream.indirect.gather [hbm4b:s4+s17], $0x80, s30, s17, $0xb8;
	[tilespmem:$0x1E800] =	vst v63  }
0x65: {  	_ =	swait.ge [sflag:s22], $0x4000  }
0x66: {  	[sflag:s22] =	ssyncset.done $0x0  }
0x67: {  	s31 =	simm.s32 $0x1480;
	[sflag:s22] =	ssyncadd.s32 $0xFFFFC000  }
0x68: {  	[spmem:s1] =	stream.indirect.scatter.add.f32 [tilespmem:s19], [sflag:$0x4], $0x80, s31, s17, $0xb8;
	[tilespmem:$0x1E800] =	vst v63  }
0x69: {  	_ =	swait.ge [sflag:s15], $0x4000  }
0x6a: {  	[sflag:s15] =	ssyncset.done $0x0  }
0x6b: {  	s28 =	simm.s32 $0x180;
	s26 =	simm.s32 $0x400;
	[sflag:s15] =	ssyncadd.s32 $0xFFFFC000  }
.LBB2_4:
0x6c: {  	[tilespmem:s19], [sflag:$0x2] =	stream.indirect.gather [hbm4b:s4+s17], $0x80, s28, s17, $0xb8;
	[tilespmem:$0x1E800] =	vst v63  }
0x6d: {  	s28 =	smov.u32 s26  }
0x6e: {  	p0 =	sne.s32 s26, $0x4800;
	s26 =	sadd.s32 $0x400, s26;
	_ =	swait.ge [sflag:s21], $0x4000  }
0x6f: {  	s28 =	sshra.s32 s28, $0x2;
	[sflag:s21] =	ssyncset.done $0x0  }
0x70: {  	s29 =	sadd.s32 $0x1400, s28;
	[sflag:s21] =	ssyncadd.s32 $0xFFFFC000  }
0x71: {  	[spmem:s1] =	stream.indirect.scatter.add.f32 [tilespmem:s18], [sflag:$0x4], $0x80, s29, s17, $0xb8;
	[tilespmem:$0x1E800] =	vst v63  }
0x72: {  	_ =	swait.ge [sflag:s15], $0x4000  }
0x73: {  	[sflag:s15] =	ssyncset.done $0x0  }
0x74: {  	s29 =	sadd.s32 $0x100, s28;
	[sflag:s15] =	ssyncadd.s32 $0xFFFFC000  }
0x75: {  	[tilespmem:s18], [sflag:$0x1] =	stream.indirect.gather [hbm4b:s4+s17], $0x80, s29, s17, $0xb8;
	[tilespmem:$0x1E800] =	vst v63  }
0x76: {  	_ =	swait.ge [sflag:s22], $0x4000  }
0x77: {  	[sflag:s22] =	ssyncset.done $0x0  }
.Ltmp1:
0x78: {  	s29 =	sadd.s32 $0x1480, s28;
	[sflag:s22] =	ssyncadd.s32 $0xFFFFC000;
	(pc) =	sbr.rel @p0 .LBB2_4-.Ltmp1, $4  }
0x79: {  	[spmem:s1] =	stream.indirect.scatter.add.f32 [tilespmem:s19], [sflag:$0x4], $0x80, s29, s17, $0xb8;
	[tilespmem:$0x1E800] =	vst v63  }
0x7a: {  	_ =	swait.ge [sflag:s15], $0x4000  }
0x7b: {  	[sflag:s15] =	ssyncset.done $0x0  }
0x7c: {  	s28 =	sadd.s32 $0x180, s28;
	[sflag:s15] =	ssyncadd.s32 $0xFFFFC000  }
0x7d: {  	[tilespmem:s19], [sflag:$0x2] =	stream.indirect.gather [hbm4b:s4+s17], $0x80, s28, s17, $0xb8;
	[tilespmem:$0x1E800] =	vst v63  }
0x7e: {  	_ =	swait.ge [sflag:s21], $0x4000  }
0x7f: {  	[sflag:s21] =	ssyncset.done $0x0  }
0x80: {  	[sflag:s21] =	ssyncadd.s32 $0xFFFFC000  }
0x81: {  	[spmem:s1] =	stream.indirect.scatter.add.f32 [tilespmem:s18], [sflag:$0x4], $0x80, s23, s17, $0xb8;
	[tilespmem:$0x1E800] =	vst v63  }
0x82: {  	_ =	swait.ge [sflag:s15], $0x4000  }
0x83: {  	[sflag:s15] =	ssyncset.done $0x0  }
0x84: {  	[sflag:s15] =	ssyncadd.s32 $0xFFFFC000  }
0x85: {  	_ =	swait.ge [sflag:s22], $0x4000  }
0x86: {  	[sflag:s22] =	ssyncset.done $0x0  }
0x87: {  	[sflag:s22] =	ssyncadd.s32 $0xFFFFC000  }
0x88: {  	[spmem:s1] =	stream.indirect.scatter.add.f32 [tilespmem:s19], [sflag:$0x4], $0x80, s24, s17, $0xb8;
	[tilespmem:$0x1E800] =	vst v63  }
0x89: {  	_ =	swait.ge [sflag:s15], $0x4000  }
0x8a: {  	s25 =	sadd.s32 $0x1, s25;
	[sflag:s15] =	ssyncset.done $0x0  }
0x8b: {  	p0 =	sne.s32 s25, s13;
	[sflag:s15] =	ssyncadd.s32 $0xFFFFC000  }
.Ltmp2:
0x8c: {  	s26 =	sor.u32 $0x1C04, s6;
	[bflag:$0x0] =	sbarrier.arrive $0xFFFF;
	(pc) =	sbr.rel @p0 .LBB2_1-.Ltmp2, $4  }
0x8d: {  	[hbm:s12], [sflag:s26] =	dma.local [spmem:s14], $0x2800  }
0x8e: {  	_ =	swait.ge [sflag:s15], $0x2800  }
0x8f: {  	[sflag:s15] =	ssyncset.done $0x0  }
0x90: {  	[sflag:s15] =	ssyncadd.s32 $0xFFFFD800  }
0x91: {  	_ =	sfence.sel $0x180000  }
0x92: {  	[bflag:$0x0] =	sbarrier.arrive $0xFFFF  }
0x93: {  	p0 =	sne.s32 s2, $0x0;
	_ =	strace $0x9000004D  }
0x94: {  	s0 =	sadd.s32 @!p0 $0x100000, s0;
	[bflag:$0x2] =	sbarrier.arrive $0xFFFF  }
0x95: {  	[sflag:s0] =	ssyncadd.tile.s32 @!p0 $0x1;
	_ =	shalt  }
.Lfunc_end2:
_tile_overlayer_lowered:
.L_overlay_start_2:
0x96: {  	(tag) =	ssettag $0x2  }
0x97: {  	s0 =	rddreg [dreg:$0x0];
	s2 =	stileid.u32  }
0x98: {  	s1 =	rddreg [dreg:$0x1];
	p0 =	sne.s32 s2, $0x0  }
0x99: {  	s3 =	rddreg [dreg:$0x2];
	[bflag:$0x3] =	sbarrier.arrive $0xFFFF;
	s2 =	simm.s32 @!p0 $0x1C04  }
0x9a: {  	[timem:s3], [sflag:s2] =	dma.local @!p0 [hbm:s0], s1  }
0x9b: {  	s0 =	simm.s32 @!p0 $0x4  }
0x9c: {  	_ =	swait.ge @!p0 [sflag:s0], s1  }
0x9d: {  	s1 =	ssub.s32 @!p0 $0x0, s1;
	[sflag:s0] =	ssyncset.done @!p0 $0x0  }
0x9e: {  	[sflag:s0] =	ssyncadd.s32 @!p0 s1  }
0x9f: {  	[bflag:$0x3] =	sbarrier.arrive $0xFFFF  }
0xa0: {  	_ =	shalt  }

// kernel: kernel.20.cloned.1.call-start
scs
__scs_entry_jumppad:
0x0: {  	(pc) =	sbr.rel $0x88, $3  }
0x1: {  	(tag) =	ssettag $0x0;
	lr =	simm.s32 $0x1  }
0x2: {  	[smem:$0x3F96] =	sst lr;
	_ =	strace $0xD0000000  }
0x3: {  	_ = 	snop  }
0x4: {  	_ = 	snop  }
0x5: {  	_ = 	snop  }
0x6: {  	_ = 	snop  }
0x7: {  	_ = 	snop  }
__scs_overlays_trampoline_lowered:
0x8: {  	[smem:$0x3FA5] =	sst s0  }
0x9: {  	[smem:$0x3FA6] =	sst s1  }
0xa: {  	[smem:$0x3FA7] =	sst s2  }
0xb: {  	[smem:$0x3FA8] =	sst s3  }
0xc: {  	[smem:$0x3FA9] =	sst s4  }
0xd: {  	[smem:$0x3FAA] =	sst s5  }
0xe: {  	[smem:$0x3FAB] =	sst s6  }
0xf: {  	[smem:$0x3FAC] =	sst s7  }
0x10: {  	[smem:$0x3FAD] =	sst s8  }
0x11: {  	[smem:$0x3FAE] =	sst s9;
	s0 =	simm.s32 @!p0 $0x0  }
0x12: {  	s1 =	sld [smem:$0x3F94];
	s0 =	simm.s32 @p0 $0x1  }
0x13: {  	[smem:$0x3FAF] =	sst s0;
	s0 =	simm.s32 @!p1 $0x0  }
0x14: {  	s2 =	sld [smem:$0x3F93];
	s0 =	simm.s32 @p1 $0x1  }
0x15: {  	[smem:$0x3FB0] =	sst s0;
	s0 =	simm.s32 @!p2 $0x0  }
0x16: {  	s3 =	sld [smem:$0x3FDB];
	s0 =	simm.s32 @p2 $0x1  }
0x17: {  	s4 =	simm.s32 $0x1BF5;
	[smem:$0x3FB2] =	sst s0  }
0x18: {  	s0 =	sld [smem:$0x3F95];
	_ =	swait.ge [sflag:s4], $0x0  }
0x19: {  	s7 =	sld [smem:$0x3F96]  }
0x1a: {  	s8 =	sadd.s32 $0xFFFFE003, lr  }
0x1b: {  	s9 =	sadd.s32 $0xFFFFFEF7, lr;
	s5 =	simm.s32 $0xFFFFFFFF;
	p2 =	slt.u32 s8, $0xFFFFF086  }
0x1c: {  	p1 =	slt.u32 s9, $0xF7A;
	s5 =	simm.s32 @!p2 $0x0  }
0x1d: {  	s5 =	simm.s32 @p1 $0x1;
	p0 =	seq.s32 s7, s2  }
0x1e: {  	s7 =	smul.u32 @!p0 $0xF7A, s2;
	p2 =	seq.s32 @!p0 s5, $0x0  }
0x1f: {  	s9 =	smul.u32 $0xF7A, s1;
	s8 =	simm.s32 @!p0 $0x1BF5;
	p2 =	por !p2, p0  }
0x20: {  	[sflag:s8] =	ssyncset.s32 @!p0 $0xFFFFF086;
	s6 =	sadd.s32 @!p0 s3, s7;
	s7 =	simm.s32 @!p0 $0x108  }
0x21: {  	s3 =	sadd.s32 s3, s9;
	s6 =	sadd.s32 @!p0 $0x88, s6;
	s7 =	simm.s32 @p2 $0x1082  }
0x22: {  	[simem:s7], [sflag:s8] =	dma.local @!p0 [hbm:s6], $0xF7A  }
0x23: {  	s9 =	sor.u32 $0xD0000000, s2;
	s6 =	simm.s32 $0x108;
	_ =	swait.ge @!p0 [sflag:s8], $0x0  }
0x24: {  	s3 =	sadd.s32 $0x88, s3;
	s6 =	simm.s32 @!p1 $0x1082;
	[sflag:s4] =	ssyncset.s32 $0xFFFFF086  }
0x25: {  	[simem:s6], [sflag:s4] =	dma.local [hbm:s3], $0xF7A  }
0x26: {  	[smem:$0x3F96] =	sst s1;
	(tag) =	ssettag s2;
	_ =	strace s9  }
0x27: {  	s1 =	sld [smem:$0x3FA6]  }
0x28: {  	s2 =	sld [smem:$0x3FA7]  }
0x29: {  	s4 =	sld [smem:$0x3FA9]  }
0x2a: {  	p0 =	seq.s32 s5, $0x0;
	s5 =	sld [smem:$0x3FAA]  }
0x2b: {  	s6 =	sld [smem:$0x3FAB]  }
0x2c: {  	s7 =	sld [smem:$0x3FAC]  }
0x2d: {  	s3 =	simm.s32 $0x108;
	s8 =	sld [smem:$0x3FAD]  }
0x2e: {  	s3 =	simm.s32 @!p0 $0x1082;
	s9 =	sld [smem:$0x3FAE]  }
0x2f: {  	lr =	sadd.s32 s0, s3;
	s0 =	sld [smem:$0x3FA5]  }
0x30: {  	s3 =	sld [smem:$0x3FA8]  }
0x31: {  	[smem:$0x3FB1] =	sst s10  }
0x32: {  	s10 =	sld [smem:$0x3FAF];
	_ =	sdelay $0x3  }
0x33: {  	p0 =	seq.s32 s10, $0x1;
	s10 =	sld [smem:$0x3FB1];
	_ =	sdelay $0x3  }
0x34: {  	[smem:$0x3FB1] =	sst s10  }
0x35: {  	s10 =	sld [smem:$0x3FB0];
	_ =	sdelay $0x3  }
0x36: {  	p1 =	seq.s32 s10, $0x1;
	s10 =	sld [smem:$0x3FB1];
	_ =	sdelay $0x3  }
0x37: {  	[smem:$0x3FB1] =	sst s10  }
0x38: {  	s10 =	sld [smem:$0x3FB2]  }
0x39: {  	_ = 	snop;
	(pc) =	sbr.ind lr, $3  }
0x3a: {  	_ = 	snop  }
0x3b: {  	_ = 	snop  }
0x3c: {  	p2 =	seq.s32 s10, $0x1;
	s10 =	sld [smem:$0x3FB1]  }
0x3d: {  	_ =	shalt  }
0x3e: {  	_ =	shalt  }
0x3f: {  	_ =	shalt  }
0x40: {  	_ =	shalt  }
0x41: {  	_ =	shalt  }
0x42: {  	_ =	shalt  }
0x43: {  	_ =	shalt  }
0x44: {  	_ =	shalt  }
0x45: {  	_ =	shalt  }
0x46: {  	_ =	shalt  }
0x47: {  	_ =	shalt  }
0x48: {  	_ =	shalt  }
0x49: {  	_ =	shalt  }
0x4a: {  	_ =	shalt  }
0x4b: {  	_ =	shalt  }
0x4c: {  	_ =	shalt  }
0x4d: {  	_ =	shalt  }
0x4e: {  	_ =	shalt  }
0x4f: {  	_ =	shalt  }
0x50: {  	_ =	shalt  }
0x51: {  	_ =	shalt  }
0x52: {  	_ =	shalt  }
0x53: {  	_ =	shalt  }
0x54: {  	_ =	shalt  }
0x55: {  	_ =	shalt  }
0x56: {  	_ =	shalt  }
0x57: {  	_ =	shalt  }
0x58: {  	_ =	shalt  }
0x59: {  	_ =	shalt  }
0x5a: {  	_ =	shalt  }
0x5b: {  	_ =	shalt  }
0x5c: {  	_ =	shalt  }
0x5d: {  	_ =	shalt  }
0x5e: {  	_ =	shalt  }
0x5f: {  	_ =	shalt  }
0x60: {  	_ =	shalt  }
0x61: {  	_ =	shalt  }
0x62: {  	_ =	shalt  }
0x63: {  	_ =	shalt  }
0x64: {  	_ =	shalt  }
0x65: {  	_ =	shalt  }
0x66: {  	_ =	shalt  }
0x67: {  	_ =	shalt  }
0x68: {  	_ =	shalt  }
0x69: {  	_ =	shalt  }
0x6a: {  	_ =	shalt  }
0x6b: {  	_ =	shalt  }
0x6c: {  	_ =	shalt  }
0x6d: {  	_ =	shalt  }
0x6e: {  	_ =	shalt  }
0x6f: {  	_ =	shalt  }
0x70: {  	_ =	shalt  }
0x71: {  	_ =	shalt  }
0x72: {  	_ =	shalt  }
0x73: {  	_ =	shalt  }
0x74: {  	_ =	shalt  }
0x75: {  	_ =	shalt  }
0x76: {  	_ =	shalt  }
0x77: {  	_ =	shalt  }
0x78: {  	_ =	shalt  }
0x79: {  	_ =	shalt  }
0x7a: {  	_ =	shalt  }
0x7b: {  	_ =	shalt  }
0x7c: {  	_ =	shalt  }
0x7d: {  	_ =	shalt  }
0x7e: {  	_ =	shalt  }
0x7f: {  	_ =	shalt  }
0x80: {  	_ =	shalt  }
0x81: {  	_ =	shalt  }
0x82: {  	_ =	shalt  }
0x83: {  	_ =	shalt  }
0x84: {  	_ =	shalt  }
0x85: {  	_ =	shalt  }
0x86: {  	_ =	shalt  }
0x87: {  	_ =	shalt  }
.Lfunc_end0:
.L_simem_size_0:
called_computation.3_lowered:
.L_overlay_start_0:
0x88: {  	s2 =	sld [smem:$0x3FD9]  }
0x89: {  	s3 =	sld [smem:$0x3FFE];
	_ =	sdelay $0x1  }
0x8a: {  	s1 =	srdreg.scid  }
0x8b: {  	s0 =	sand.u32 $0x1, s1  }
0x8c: {  	s16 =	sshll.u32 s0, $0xA;
	s2 =	sadd.s32 s3, s2  }
0x8d: {  	s2 =	sadd.s32 s2, s16  }
0x8e: {  	[smem:$0x3FBD] =	sst s2  }
0x8f: {  	_ = 	snop  }
0x90: {  	(tm) =	ssettm $0x1  }
0x91: {  	s17 =	sld [smem:$0x3FFB];
	_ =	sdelay $0x3  }
0x92: {  	_ =	strace s17  }
0x93: {  	s2 =	sld [smem:$0x3FFC];
	_ =	sdelay $0x3  }
0x94: {  	_ =	strace s2  }
0x95: {  	s2 =	sld [smem:$0x3FFD];
	_ =	sdelay $0x3  }
0x96: {  	_ =	strace s2  }
0x97: {  	_ =	strace $0x8FFFFFFF  }
0x98: {  	s18 =	sld [smem:$0x3FDB];
	_ =	sdelay $0x1  }
0x99: {  	s19 =	simm.s32 $_scs_section_size  }
0x9a: {  	s4 =	simm.s32 $_size__tile_overlayer_lowered;
	s5 =	simm.s32 $_tile_overlayer_lowered  }
0x9b: {  	s22 =	simm.s32 $0x1BFF;
	s21 =	sshll.u32 s5, $0x1;
	s2 =	sadd.s32 s19, s18  }
0x9c: {  	s6 =	simm.s32 $0x0;
	s20 =	sshll.u32 s4, $0x1;
	s4 =	sadd.s32 s21, s2  }
0x9d: {  	[timem:s6], [sflag:s22] =	dma.local [hbm:s4], s20  }
0x9e: {  	_ =	swait.ge [sflag:s22], s20  }
0x9f: {  	s3 =	ssub.s32 $0x0, s20;
	[sflag:s22] =	ssyncset.done $0x0  }
0xa0: {  	[sflag:s22] =	ssyncadd.s32 s3;
	_ =	sdelay $0x1  }
0xa1: {  	s23 =	simm.s32 $0x1B8B  }
0xa2: {  	_ =	swait.ge [sflag:s23], $0x1  }
0xa3: {  	[sflag:s23] =	ssyncset.done $0x0  }
0xa4: {  	s25 =	simm.s32 $0x1B8E;
	s24 =	sld [smem:$0x3FFE];
	[sflag:s23] =	ssyncadd.s32 $0xFFFFFFFF  }
0xa5: {  	s26 =	simm.s32 $execute0_lowered;
	[smem:$0x3FD2] =	sst s25  }
0xa6: {  	s4 =	sshll.u32 s26, $0x1;
	_ =	strace $0x8000004F;
	[dreg:$0x1] =	wrdreg $0xFFFFFFFF  }
0xa7: {  	s28 =	simm.s32 $_size_execute0_lowered;
	s2 =	sadd.s32 s2, s4;
	[dreg:$0x0] =	wrdreg $0x0  }
0xa8: {  	s4 =	sshll.u32 s28, $0x1;
	[dreg:$0x2] =	wrdreg s2  }
0xa9: {  	[dreg:$0x3] =	wrdreg s4  }
0xaa: {  	[dreg:$0x4] =	wrdreg $0xC0  }
0xab: {  	_ =	task [dreg:s6], $0x5FFFF  }
0xac: {  	[dreg:$0x1] =	wrdreg $0xFFFFFFFF  }
0xad: {  	[dreg:$0x0] =	wrdreg $0x60  }
0xae: {  	[dreg:$0x2] =	wrdreg s24  }
0xaf: {  	[dreg:$0x3] =	wrdreg $0x9  }
0xb0: {  	_ =	task.clear_ibuf [dreg:s6], $0x4FFFF;
	_ =	strace $0x9000004F  }
0xb1: {  	s29 =	simm.s32 $0x9;
	_ =	strace $0x80000051  }
0xb2: {  	_ =	swait.ge [sflag:s29], $0x1  }
0xb3: {  	[sflag:s29] =	ssyncadd.s32 $0xFFFFFFFF  }
0xb4: {  	_ =	strace $0x90000051  }
0xb5: {  	_ =	sfence  }
0xb6: {  	s30 =	sld [smem:$0x0];
	_ =	sdelay $0x2  }
0xb7: {  	s31 =	sshll.u32 s1, $0xD;
	s1 =	sshrl.u32 s1, $0x2  }
0xb8: {  	s3 =	sand.u32 $0x4000, s31;
	s1 =	sadd.s32 s1, s30  }
0xb9: {  	s0 =	sor.u32 s3, s0;
	s1 =	sshll.u32 s1, $0x11  }
0xba: {  	s0 =	sor.u32 s1, s0  }
0xbb: {  	s0 =	sadd.s32 $0x8F2B, s0  }
0xbc: {  	[sflag:s0] =	ssyncadd.remote.s32 $0x1  }
0xbd: {  	_ =	sfence.sel $0xFFFF  }
0xbe: {  	[dreg:$0x0] =	wrdreg $0xFFFFFFFF;
	(pc) =	sbr.abs _section_cstart, $3  }
0xbf: {  	[dreg:$0x1] =	wrdreg $0xFFFFFFFF  }
0xc0: {  	_ =	task.clear_ibuf [dreg:s6], $0x2FFFF;
	_ =	strace $0x9FFFFFFF  }
0xc1: {  	(tm) =	ssettm $0x7FFFFFFF  }
tec
execute0_lowered:
.L_overlay_start_1:
0x0: {  	(tag) =	ssettag $0x1  }
0x1: {  	s4 =	rddreg [dreg:$0x0]  }
0x2: {  	s0 =	rddreg [dreg:$0x1]  }
0x3: {  	s3 =	srdreg.scid;
	s2 =	simm.s32 $0x0;
	s1 =	stileid.u32  }
0x4: {  	s11 =	simm.s32 $0x1000;
	s12 =	simm.s32 $0x5000;
	s13 =	simm.s32 $0x1  }
0x5: {  	s14 =	simm.s32 $0x2;
	s15 =	simm.s32 $0x0;
	s6 =	sand.u32 $0x1, s3  }
0x6: {  	[smem:$0x7FF] =	sst s2;
	s5 =	sshll.u32 s1, $0xC;
	s9 =	sadd.s32 $0x95200, s4  }
0x7: {  	s31 =	sshll.u32 s1, $0x10;
	s3 =	sshll.u32 s6, $0x10;
	_ =	strace $0x80000050  }
0x8: {  	s8 =	ssub.s32 $0x2, s6;
	s29 =	sshll.u32 s6, $0x14;
	s5 =	sor.u32 s5, s3  }
0x9: {  	s3 =	sadd.s32 $0x3800, s4;
	s10 =	sshrl.u32 s8, $0x1;
	s30 =	sadd.s32 s29, s9  }
0xa: {  	s7 =	sshrl.u32 s5, $0x3;
	s5 =	sshll.u32 s5, $0x4;
	s26 =	ssub.s32 s8, s10  }
0xb: {  	s8 =	sadd.s32 s31, s30;
	s10 =	simm.s32 $0x80;
	s4 =	sadd.s32 s7, s4  }
0xc: {  	s28 =	sadd.s32 s5, s9;
	s7 =	smax.u32 s26, $0x1;
	s9 =	simm.s32 $0x3  }
0xd: {  	s4 =	sadd.s32 $0x91200, s4;
	s5 =	sadd.s32 $0xF000, s28;
	s6 =	sadd.s32 $0xF800, s28  }
.LBB2_1:
0xe: {  	[tilespmem:s2], [sflag:$0x3] =	stream.linear.gather [hbm4b:s4+s2], $0x1000, $0x38;
	[tilespmem:$0x9000] =	vst v63  }
0xf: {  	_ =	swait.ge [sflag:s9], $0x1000  }
0x10: {  	[sflag:s9] =	ssyncset.done $0x0  }
0x11: {  	[sflag:s9] =	ssyncadd.s32 $0xFFFFF000  }
0x12: {  	[tilespmem:s11], [sflag:$0x1] =	stream.indirect.gather [hbm4b:s3+s10], $0x80, s2, s10, $0xb8;
	[tilespmem:$0x9000] =	vst v63  }
0x13: {  	_ = 	snop  }
0x14: {  	[tilespmem:s12], [sflag:$0x2] =	stream.indirect.gather [hbm4b:s3+s10], $0x80, s10, s10, $0xb8;
	[tilespmem:$0x9000] =	vst v63  }
0x15: {  	_ =	swait.ge [sflag:s13], $0x4000  }
0x16: {  	[sflag:s13] =	ssyncset.done $0x0  }
0x17: {  	s16 =	sadd.s32 $0x0, s8;
	[sflag:s13] =	ssyncadd.s32 $0xFFFFC000  }
0x18: {  	[hbm4b:s16+s2] =	stream.linear.scatter [tilespmem:s11], [sflag:$0x3], $0x4000, $0x38;
	[tilespmem:$0x9000] =	vst v63  }
0x19: {  	_ =	swait.ge [sflag:s9], $0x4000  }
0x1a: {  	[sflag:s9] =	ssyncset.done $0x0  }
0x1b: {  	s17 =	simm.s32 $0x100;
	[sflag:s9] =	ssyncadd.s32 $0xFFFFC000  }
0x1c: {  	[tilespmem:s11], [sflag:$0x1] =	stream.indirect.gather [hbm4b:s3+s10], $0x80, s17, s10, $0xb8;
	[tilespmem:$0x9000] =	vst v63  }
0x1d: {  	_ =	swait.ge [sflag:s14], $0x4000  }
0x1e: {  	[sflag:s14] =	ssyncset.done $0x0  }
0x1f: {  	s16 =	sadd.s32 $0x800, s16;
	[sflag:s14] =	ssyncadd.s32 $0xFFFFC000  }
0x20: {  	[hbm4b:s16+s2] =	stream.linear.scatter [tilespmem:s12], [sflag:$0x3], $0x4000, $0x38;
	[tilespmem:$0x9000] =	vst v63  }
0x21: {  	_ =	swait.ge [sflag:s9], $0x4000  }
0x22: {  	s18 =	simm.s32 $0x280;
	[sflag:s9] =	ssyncset.done $0x0  }
0x23: {  	s17 =	simm.s32 $0x1000;
	s16 =	simm.s32 $0x180;
	[sflag:s9] =	ssyncadd.s32 $0xFFFFC000  }
.LBB2_2:
0x24: {  	[tilespmem:s12], [sflag:$0x2] =	stream.indirect.gather [hbm4b:s3+s10], $0x80, s16, s10, $0xb8;
	[tilespmem:$0x9000] =	vst v63  }
0x25: {  	s19 =	smov.u32 s17;
	s16 =	smov.u32 s18  }
0x26: {  	p0 =	sne.s32 s17, $0xE000;
	s17 =	sadd.s32 $0x1000, s17;
	_ =	swait.ge [sflag:s13], $0x4000  }
0x27: {  	[sflag:s13] =	ssyncset.done $0x0  }
0x28: {  	s19 =	sadd.s32 s19, s8;
	[sflag:s13] =	ssyncadd.s32 $0xFFFFC000  }
0x29: {  	[hbm4b:s19+s2] =	stream.linear.scatter [tilespmem:s11], [sflag:$0x3], $0x4000, $0x38;
	[tilespmem:$0x9000] =	vst v63  }
0x2a: {  	_ =	swait.ge [sflag:s9], $0x4000  }
0x2b: {  	[sflag:s9] =	ssyncset.done $0x0  }
0x2c: {  	s20 =	sadd.s32 $0xFFFFFF80, s18;
	[sflag:s9] =	ssyncadd.s32 $0xFFFFC000  }
0x2d: {  	[tilespmem:s11], [sflag:$0x1] =	stream.indirect.gather [hbm4b:s3+s10], $0x80, s20, s10, $0xb8;
	[tilespmem:$0x9000] =	vst v63  }
0x2e: {  	_ =	swait.ge [sflag:s14], $0x4000  }
0x2f: {  	[sflag:s14] =	ssyncset.done $0x0  }
.Ltmp0:
0x30: {  	s19 =	sadd.s32 $0x800, s19;
	[sflag:s14] =	ssyncadd.s32 $0xFFFFC000;
	(pc) =	sbr.rel @p0 .LBB2_2-.Ltmp0, $4  }
0x31: {  	[hbm4b:s19+s2] =	stream.linear.scatter [tilespmem:s12], [sflag:$0x3], $0x4000, $0x38;
	[tilespmem:$0x9000] =	vst v63  }
0x32: {  	_ =	swait.ge [sflag:s9], $0x4000  }
0x33: {  	[sflag:s9] =	ssyncset.done $0x0  }
0x34: {  	s18 =	sadd.s32 $0x100, s18;
	[sflag:s9] =	ssyncadd.s32 $0xFFFFC000  }
0x35: {  	[tilespmem:s12], [sflag:$0x2] =	stream.indirect.gather [hbm4b:s3+s10], $0x80, s16, s10, $0xb8;
	[tilespmem:$0x9000] =	vst v63  }
0x36: {  	_ =	swait.ge [sflag:s13], $0x4000  }
0x37: {  	[sflag:s13] =	ssyncset.done $0x0  }
0x38: {  	[sflag:s13] =	ssyncadd.s32 $0xFFFFC000  }
0x39: {  	[hbm4b:s5+s2] =	stream.linear.scatter [tilespmem:s11], [sflag:$0x3], $0x4000, $0x38;
	[tilespmem:$0x9000] =	vst v63  }
0x3a: {  	_ =	swait.ge [sflag:s9], $0x4000  }
0x3b: {  	[sflag:s9] =	ssyncset.done $0x0  }
0x3c: {  	[sflag:s9] =	ssyncadd.s32 $0xFFFFC000  }
0x3d: {  	s15 =	sadd.s32 $0x1, s15;
	_ =	swait.ge [sflag:s14], $0x4000  }
0x3e: {  	p0 =	sne.s32 s15, s7;
	[sflag:s14] =	ssyncset.done $0x0  }
.Ltmp1:
0x3f: {  	[sflag:s14] =	ssyncadd.s32 $0xFFFFC000;
	(pc) =	sbr.rel @p0 .LBB2_1-.Ltmp1, $4  }
0x40: {  	[hbm4b:s6+s2] =	stream.linear.scatter [tilespmem:s12], [sflag:$0x3], $0x4000, $0x38;
	[tilespmem:$0x9000] =	vst v63  }
0x41: {  	_ =	swait.ge [sflag:s9], $0x4000  }
0x42: {  	[sflag:s9] =	ssyncset.done $0x0  }
0x43: {  	[sflag:s9] =	ssyncadd.s32 $0xFFFFC000  }
0x44: {  	_ =	sfence.sel $0x180000  }
0x45: {  	[bflag:$0x0] =	sbarrier.arrive $0xFFFF  }
0x46: {  	p0 =	sne.s32 s1, $0x0;
	_ =	strace $0x90000050  }
0x47: {  	s0 =	sadd.s32 @!p0 $0x100000, s0;
	[bflag:$0x2] =	sbarrier.arrive $0xFFFF  }
0x48: {  	[sflag:s0] =	ssyncadd.tile.s32 @!p0 $0x1;
	_ =	shalt  }
.Lfunc_end2:
_tile_overlayer_lowered:
.L_overlay_start_2:
0x49: {  	(tag) =	ssettag $0x2  }
0x4a: {  	s0 =	rddreg [dreg:$0x0];
	s2 =	stileid.u32  }
0x4b: {  	s1 =	rddreg [dreg:$0x1];
	p0 =	sne.s32 s2, $0x0  }
0x4c: {  	s3 =	rddreg [dreg:$0x2];
	[bflag:$0x3] =	sbarrier.arrive $0xFFFF;
	s2 =	simm.s32 @!p0 $0x1C03  }
0x4d: {  	[timem:s3], [sflag:s2] =	dma.local @!p0 [hbm:s0], s1  }
0x4e: {  	s0 =	simm.s32 @!p0 $0x3  }
0x4f: {  	_ =	swait.ge @!p0 [sflag:s0], s1  }
0x50: {  	s1 =	ssub.s32 @!p0 $0x0, s1;
	[sflag:s0] =	ssyncset.done @!p0 $0x0  }
0x51: {  	[sflag:s0] =	ssyncadd.s32 @!p0 s1  }
0x52: {  	[bflag:$0x3] =	sbarrier.arrive $0xFFFF  }
0x53: {  	_ =	shalt  }

</sc_bundles>
